<compile_context>
chip_gen: v7x
topology: tpu7x:2x2x1
jax: 0.10.2.dev20260603
libtpu: 0.0.44.dev20260713+nightly
codegen_flags: <defaults>
</compile_context>

<pallas_src>
import functools

import numpy as np
import jax
import jax.numpy as jnp
from jax import lax
from jax.experimental import pallas as pl
from jax.experimental.pallas import tpu as pltpu
from jax.experimental.pallas import tpu_sc as plsc

_BINS = (512, 128, 256, 256, 64, 256, 256, 16, 256, 64, 16, 128, 64, 128, 64, 512, 512)
_EMB = 16
_NF = 17
_BATCH = 4096
_EPS = 1e-5
_OFFS = np.concatenate([[0], np.cumsum(_BINS)[:-1]]).astype(np.int32)
_VOCAB = int(np.sum(_BINS))

_NC, _NS = 2, 16
_NW = _NC * _NS
_ROWS_PW = _BATCH // _NW
_WIDTH = _NF * _EMB
_LTILES = (_WIDTH + 127) // 128
_IPW = _ROWS_PW * 24
_NCHUNK = _IPW // 128
_XPW = _ROWS_PW * _NF


def _gather_body(table_hbm, x_hbm, out_hbm, x_v, idx_v, rows_v, sem, sem2):
    wid = lax.axis_index("s") * _NC + lax.axis_index("c")
    pltpu.sync_copy(x_hbm.at[pl.ds(wid * _XPW, _XPW)], x_v)

    iota = lax.iota(jnp.int32, 16)
    dst0 = (iota // 8) * 64 + lax.rem(iota, 8)
    lane15 = iota == 15

    def zrow(k, _):
        for t in range(8):
            idx_v[k, pl.ds(t * 16, 16)] = iota + t * 16
        return _

    lax.fori_loop(0, _NCHUNK, zrow, None)

    def prow(r, _):
        base = (r // 8) * 192 + lax.rem(r, 8) * 8
        m0 = dst0 + base
        f015 = x_v[pl.ds(r * _NF, 16)]
        plsc.store_scatter(idx_v, [m0 >> 7, m0 & 127], f015)
        m1 = jnp.full((16,), base + 128, jnp.int32)
        f16 = x_v[pl.ds(r * _NF + 1, 16)]
        plsc.store_scatter(idx_v, [m1 >> 7, m1 & 127], f16, mask=lane15)
        return _

    lax.fori_loop(0, _ROWS_PW, prow, None)

    copies = [
        pltpu.async_copy(table_hbm.at[idx_v.at[k]], rows_v.at[k], sem)
        for k in range(_NCHUNK)
    ]
    wbs = []
    for k, c in enumerate(copies):
        c.wait()
        wbs.append(pltpu.async_copy(
            rows_v.at[k], out_hbm.at[pl.ds(wid * _IPW + k * 128, 128), :],
            sem2))
    for w in wbs:
        w.wait()


@functools.lru_cache(maxsize=None)
def _sc_gather():
    return pl.kernel(
        _gather_body,
        out_type=jax.ShapeDtypeStruct((_NW * _IPW, _EMB), jnp.float32),
        mesh=plsc.VectorSubcoreMesh(core_axis_name="c", subcore_axis_name="s",
                                    num_cores=_NC, num_subcores=_NS),
        scratch_types=[
            pltpu.VMEM((_XPW,), jnp.int32),
            pltpu.VMEM((_NCHUNK, 128), jnp.int32),
            pltpu.VMEM((_NCHUNK, 128, _EMB), jnp.float32),
            pltpu.SemaphoreType.DMA,
            pltpu.SemaphoreType.DMA,
        ],
        compiler_params=pltpu.CompilerParams(use_tc_tiling_on_sc=False,
                                             needs_layout_passes=False),
    )


def _mlp_body(x4_ref, w0, b0, g0, be0, w1, b1, g1, be1, w2, b2, g2, be2,
              w3, b3, out_ref):
    x4 = x4_ref[:]
    parts = [x4[:, c, :, :].reshape(_BATCH, 128) for c in range(_LTILES)]
    h = jnp.concatenate(parts, axis=1)[:, :_WIDTH]

    def layer(h, w, b, g, be):
        h = jnp.dot(h, w[:], preferred_element_type=jnp.float32) + b[:]
        h = jnp.maximum(h, 0.0)
        m = jnp.mean(h, axis=0, keepdims=True)
        v = jnp.mean((h - m) ** 2, axis=0, keepdims=True)
        return (h - m) * (g[:] * lax.rsqrt(v + _EPS)) + be[:]

    h = layer(h, w0, b0, g0, be0)
    h = layer(h, w1, b1, g1, be1)
    h = layer(h, w2, b2, g2, be2)
    out_ref[:] = jnp.dot(h, w3[:], preferred_element_type=jnp.float32) + b3[:]


_mlp = pl.pallas_call(
    _mlp_body,
    out_shape=jax.ShapeDtypeStruct((_BATCH, 1), jnp.float32),
)


def kernel(x, emb_0, emb_1, emb_2, emb_3, emb_4, emb_5, emb_6, emb_7, emb_8,
           emb_9, emb_10, emb_11, emb_12, emb_13, emb_14, emb_15, emb_16,
           W0, b0, W1, b1, W2, b2, W3, b3, g0, beta0, g1, beta1, g2, beta2):
    embs = [emb_0, emb_1, emb_2, emb_3, emb_4, emb_5, emb_6, emb_7, emb_8,
            emb_9, emb_10, emb_11, emb_12, emb_13, emb_14, emb_15, emb_16]
    table = jnp.concatenate(embs, axis=0)
    xo = (x + _OFFS[None, :]).reshape(-1)
    rows = _sc_gather()(table, xo)
    x4 = rows.reshape(_BATCH // 8, _LTILES, 8, 128)
    r = lambda a: a.reshape(1, -1)
    out = _mlp(x4, W0, r(b0), r(g0), r(beta0), W1, r(b1), r(g1), r(beta1),
               W2, r(b2), r(g2), r(beta2), W3, r(b3))
    return out

# --- scband reference (transcript-rebuilt; emitter-appended) ---
"""Pipeline reference for scband-criteo-mlp-37477884625195 (READ-ONLY COPY).

The authoritative reference and input builder live on the scoring server;
editing this copy changes nothing except your own understanding.
"""

import jax, jax.numpy as jnp
import numpy as np

BINS = (512, 128, 256, 256, 64, 256, 256, 16, 256, 64, 16, 128, 64, 128, 64, 512, 512)
EMB = 16
DIMS = [17 * EMB, 256, 256, 128, 1]
BN_DIMS = [256, 256, 128]
BATCH = 4096
EPS = 1e-5


def setup_inputs(seed: int = 0) -> dict:
    key = jax.random.key(seed)
    inp = {}
    k = jax.random.fold_in(key, 0)
    inp["x"] = jax.random.randint(k, (BATCH, 17), 0, 16, dtype=jnp.int32)
    for i, b in enumerate(BINS):
        k = jax.random.fold_in(key, 100 + i)
        inp[f"emb_{i}"] = jax.random.normal(k, (b, EMB), dtype=jnp.float32) * 0.05
    for li, (din, dout) in enumerate(zip(DIMS[:-1], DIMS[1:])):
        k = jax.random.fold_in(key, 200 + li)
        inp[f"W{li}"] = jax.random.normal(k, (din, dout), dtype=jnp.float32) * (1.0 / np.sqrt(din))
        inp[f"b{li}"] = jnp.zeros((dout,), dtype=jnp.float32)
    for li, d in enumerate(BN_DIMS):
        inp[f"g{li}"] = jnp.ones((d,), dtype=jnp.float32)
        inp[f"beta{li}"] = jnp.zeros((d,), dtype=jnp.float32)
    return inp


def reference(x, emb_0, emb_1, emb_2, emb_3, emb_4, emb_5, emb_6, emb_7,
              emb_8, emb_9, emb_10, emb_11, emb_12, emb_13, emb_14, emb_15,
              emb_16, W0, b0, W1, b1, W2, b2, W3, b3,
              g0, beta0, g1, beta1, g2, beta2):
    p = dict(locals())
    del p["x"]
    # embedding lookup per field, concat
    embs = [jnp.take(p[f"emb_{i}"], x[:, i], axis=0) for i in range(17)]
    h = jnp.concatenate(embs, axis=1)
    # hidden layers: Linear -> ReLU -> BatchNorm1d (training-mode batch stats)
    for li in range(3):
        h = h @ p[f"W{li}"] + p[f"b{li}"]
        h = jax.nn.relu(h)
        mean = jnp.mean(h, axis=0)
        var = jnp.var(h, axis=0)  # biased, matches torch BN training normalization
        h = (h - mean) / jnp.sqrt(var + EPS) * p[f"g{li}"] + p[f"beta{li}"]
    out = h @ p["W3"] + p["b3"]
    return out

if __name__ == "__main__":
    import jax
    _d = setup_inputs()
    print(jax.jit(kernel)(*tuple(_d.values())))

</pallas_src>

<mosaic_0001>
#map = affine_map<(d0, d1) -> (0, 0)>
#map1 = affine_map<(d0, d1) -> (0)>
module attributes {stable_mosaic.version = 14 : i64} {
  func.func @_gather_body(%arg0: i32, %arg1: i32, %arg2: memref<3488x16xf32, #tpu.memory_space<hbm>>, %arg3: memref<69632xi32, #tpu.memory_space<hbm>>, %arg4: memref<98304x16xf32, #tpu.memory_space<hbm>>, %arg5: memref<2176xi32, #tpu.memory_space<vmem>>, %arg6: memref<24x128xi32, #tpu.memory_space<vmem>>, %arg7: memref<24x128x16xf32, #tpu.memory_space<vmem>>, %arg8: memref<!tpu.dma_semaphore, #tpu.memory_space<semaphore_mem>>, %arg9: memref<!tpu.dma_semaphore, #tpu.memory_space<semaphore_mem>>) attributes {dimension_semantics = [#tpu.dimension_semantics<core_parallel>, #tpu.dimension_semantics<subcore_parallel>], iteration_bounds = array<i64: 2, 16>, scalar_prefetch = 0 : i64, scratch_operands = 5 : i64, tpu.core_type = #tpu.core_type<sc_vector_subcore>, window_params = [{transform_indices = #map}, {transform_indices = #map1}, {transform_indices = #map}]} {
    %mul3A = arith.constant 2 : i32
    %mul3A_0 = arith.muli %arg1, %mul3A : i32
    %add3A = arith.addi %mul3A_0, %arg0 : i32
    %mul3A_1 = arith.constant 2176 : i32
    %mul3A_2 = arith.muli %add3A, %mul3A_1 : i32
    "tpu.region"() ({
      %run_scoped3A = tpu.sem_alloc : memref<!tpu.dma_semaphore, #tpu.memory_space<semaphore_mem>>
      %dma_start3A_1338 = tpu.memref_slice %arg3[%mul3A_2] : memref<69632xi32, #tpu.memory_space<hbm>> -> memref<2176xi32, #tpu.memory_space<hbm>>
      %dma_start3A_1339 = tpu.memref_slice %arg3[%mul3A_2] : memref<69632xi32, #tpu.memory_space<hbm>> -> memref<2176xi32, #tpu.memory_space<hbm>>
      tpu.enqueue_dma source(%dma_start3A_1339 : memref<2176xi32, #tpu.memory_space<hbm>>) target(%arg5 : memref<2176xi32, #tpu.memory_space<vmem>>) target_semaphore(%run_scoped3A : memref<!tpu.dma_semaphore, #tpu.memory_space<semaphore_mem>>)
      %dma_wait3A_1340 = tpu.memref_slice %arg3[%mul3A_2] : memref<69632xi32, #tpu.memory_space<hbm>> -> memref<2176xi32, #tpu.memory_space<hbm>>
      %dma_wait3A_1341 = tpu.memref_slice %arg3[%mul3A_2] : memref<69632xi32, #tpu.memory_space<hbm>> -> memref<2176xi32, #tpu.memory_space<hbm>>
      tpu.wait_dma2 semaphore(%run_scoped3A : memref<!tpu.dma_semaphore, #tpu.memory_space<semaphore_mem>>) src(%dma_wait3A_1341 : memref<2176xi32, #tpu.memory_space<hbm>>) dst(%arg5 : memref<2176xi32, #tpu.memory_space<vmem>>)
      tpu.yield
    }) : () -> ()
    %iota3A = tpu.iota {dimensions = array<i32: 0>} : vector<16xi32>
    %jit3A = arith.constant 8 : i32
    %div3A = vector.broadcast %jit3A : i32 to vector<16xi32>
    %div3A_3 = arith.divsi %iota3A, %div3A : vector<16xi32>
    %sign3A = arith.constant 0 : i32
    %sign3A_4 = vector.broadcast %sign3A : i32 to vector<16xi32>
    %sign3A_5 = arith.cmpi sgt, %iota3A, %sign3A_4 : vector<16xi32>
    %sign3A_6 = arith.extui %sign3A_5 : vector<16xi1> to vector<16xi32>
    %sign3A_7 = arith.constant 0 : i32
    %sign3A_8 = vector.broadcast %sign3A_7 : i32 to vector<16xi32>
    %sign3A_9 = arith.cmpi slt, %iota3A, %sign3A_8 : vector<16xi32>
    %sign3A_10 = arith.extui %sign3A_9 : vector<16xi1> to vector<16xi32>
    %sign3A_11 = arith.subi %sign3A_6, %sign3A_10 : vector<16xi32>
    %sign3A_12 = arith.constant 0 : i32
    %sign3A_13 = arith.cmpi sgt, %jit3A, %sign3A_12 : i32
    %sign3A_14 = arith.extui %sign3A_13 : i1 to i32
    %sign3A_15 = arith.constant 0 : i32
    %sign3A_16 = arith.cmpi slt, %jit3A, %sign3A_15 : i32
    %sign3A_17 = arith.extui %sign3A_16 : i1 to i32
    %sign3A_18 = arith.subi %sign3A_14, %sign3A_17 : i32
    %ne3A = vector.broadcast %sign3A_18 : i32 to vector<16xi32>
    %ne3A_19 = arith.cmpi ne, %sign3A_11, %ne3A : vector<16xi32>
    %rem3A = vector.broadcast %jit3A : i32 to vector<16xi32>
    %rem3A_20 = arith.remsi %iota3A, %rem3A : vector<16xi32>
    %ne3A_21 = arith.constant 0 : i32
    %ne3A_22 = vector.broadcast %ne3A_21 : i32 to vector<16xi32>
    %ne3A_23 = arith.cmpi ne, %rem3A_20, %ne3A_22 : vector<16xi32>
    %and3A = arith.andi %ne3A_19, %ne3A_23 : vector<16xi1>
    %sub3A = arith.constant 1 : i32
    %sub3A_24 = vector.broadcast %sub3A : i32 to vector<16xi32>
    %sub3A_25 = arith.subi %div3A_3, %sub3A_24 : vector<16xi32>
    %select_n3A = arith.select %and3A, %sub3A_25, %div3A_3 : vector<16xi1>, vector<16xi32>
    %mul3A_26 = arith.constant 64 : i32
    %mul3A_27 = vector.broadcast %mul3A_26 : i32 to vector<16xi32>
    %mul3A_28 = arith.muli %select_n3A, %mul3A_27 : vector<16xi32>
    %rem3A_29 = arith.constant 8 : i32
    %rem3A_30 = vector.broadcast %rem3A_29 : i32 to vector<16xi32>
    %rem3A_31 = arith.remsi %iota3A, %rem3A_30 : vector<16xi32>
    %add3A_32 = arith.addi %mul3A_28, %rem3A_31 : vector<16xi32>
    %eq3A = arith.constant 15 : i32
    %eq3A_33 = vector.broadcast %eq3A : i32 to vector<16xi32>
    %eq3A_34 = arith.cmpi eq, %iota3A, %eq3A_33 : vector<16xi32>
    %scan3A = arith.constant 0 : i32
    %scan3A_35 = arith.constant 24 : i32
    %scan3A_36 = arith.addi %scan3A, %scan3A_35 : i32
    %scan3A_37 = arith.constant 1 : i32
    scf.for %scan3A_1338 = %scan3A to %scan3A_36 step %scan3A_37  : i32 {
      %add3A_1339 = arith.constant 0 : i32
      %add3A_1340 = vector.broadcast %add3A_1339 : i32 to vector<16xi32>
      %add3A_1341 = arith.addi %iota3A, %add3A_1340 : vector<16xi32>
      %swap3A = arith.index_cast %scan3A_1338 : i32 to index
      %swap3A_1342 = arith.constant 0 : index
      %swap3A_1343 = tpu.vector_load %arg6[%swap3A, %swap3A_1342] {strides = array<i32>} : memref<24x128xi32, #tpu.memory_space<vmem>>, vector<16xi32>,
      tpu.vector_store %arg6[%swap3A, %swap3A_1342], %add3A_1341 {strides = array<i32>} : memref<24x128xi32, #tpu.memory_space<vmem>>, vector<16xi32>,
      %add3A_1344 = arith.constant 16 : i32
      %add3A_1345 = vector.broadcast %add3A_1344 : i32 to vector<16xi32>
      %add3A_1346 = arith.addi %iota3A, %add3A_1345 : vector<16xi32>
      %swap3A_1347 = arith.index_cast %scan3A_1338 : i32 to index
      %swap3A_1348 = arith.constant 16 : index
      %swap3A_1349 = tpu.vector_load %arg6[%swap3A_1347, %swap3A_1348] {strides = array<i32>} : memref<24x128xi32, #tpu.memory_space<vmem>>, vector<16xi32>,
      tpu.vector_store %arg6[%swap3A_1347, %swap3A_1348], %add3A_1346 {strides = array<i32>} : memref<24x128xi32, #tpu.memory_space<vmem>>, vector<16xi32>,
      %add3A_1350 = arith.constant 32 : i32
      %add3A_1351 = vector.broadcast %add3A_1350 : i32 to vector<16xi32>
      %add3A_1352 = arith.addi %iota3A, %add3A_1351 : vector<16xi32>
      %swap3A_1353 = arith.index_cast %scan3A_1338 : i32 to index
      %swap3A_1354 = arith.constant 32 : index
      %swap3A_1355 = tpu.vector_load %arg6[%swap3A_1353, %swap3A_1354] {strides = array<i32>} : memref<24x128xi32, #tpu.memory_space<vmem>>, vector<16xi32>,
      tpu.vector_store %arg6[%swap3A_1353, %swap3A_1354], %add3A_1352 {strides = array<i32>} : memref<24x128xi32, #tpu.memory_space<vmem>>, vector<16xi32>,
      %add3A_1356 = arith.constant 48 : i32
      %add3A_1357 = vector.broadcast %add3A_1356 : i32 to vector<16xi32>
      %add3A_1358 = arith.addi %iota3A, %add3A_1357 : vector<16xi32>
      %swap3A_1359 = arith.index_cast %scan3A_1338 : i32 to index
      %swap3A_1360 = arith.constant 48 : index
      %swap3A_1361 = tpu.vector_load %arg6[%swap3A_1359, %swap3A_1360] {strides = array<i32>} : memref<24x128xi32, #tpu.memory_space<vmem>>, vector<16xi32>,
      tpu.vector_store %arg6[%swap3A_1359, %swap3A_1360], %add3A_1358 {strides = array<i32>} : memref<24x128xi32, #tpu.memory_space<vmem>>, vector<16xi32>,
      %add3A_1362 = arith.constant 64 : i32
      %add3A_1363 = vector.broadcast %add3A_1362 : i32 to vector<16xi32>
      %add3A_1364 = arith.addi %iota3A, %add3A_1363 : vector<16xi32>
      %swap3A_1365 = arith.index_cast %scan3A_1338 : i32 to index
      %swap3A_1366 = arith.constant 64 : index
      %swap3A_1367 = tpu.vector_load %arg6[%swap3A_1365, %swap3A_1366] {strides = array<i32>} : memref<24x128xi32, #tpu.memory_space<vmem>>, vector<16xi32>,
      tpu.vector_store %arg6[%swap3A_1365, %swap3A_1366], %add3A_1364 {strides = array<i32>} : memref<24x128xi32, #tpu.memory_space<vmem>>, vector<16xi32>,
      %add3A_1368 = arith.constant 80 : i32
      %add3A_1369 = vector.broadcast %add3A_1368 : i32 to vector<16xi32>
      %add3A_1370 = arith.addi %iota3A, %add3A_1369 : vector<16xi32>
      %swap3A_1371 = arith.index_cast %scan3A_1338 : i32 to index
      %swap3A_1372 = arith.constant 80 : index
      %swap3A_1373 = tpu.vector_load %arg6[%swap3A_1371, %swap3A_1372] {strides = array<i32>} : memref<24x128xi32, #tpu.memory_space<vmem>>, vector<16xi32>,
      tpu.vector_store %arg6[%swap3A_1371, %swap3A_1372], %add3A_1370 {strides = array<i32>} : memref<24x128xi32, #tpu.memory_space<vmem>>, vector<16xi32>,
      %add3A_1374 = arith.constant 96 : i32
      %add3A_1375 = vector.broadcast %add3A_1374 : i32 to vector<16xi32>
      %add3A_1376 = arith.addi %iota3A, %add3A_1375 : vector<16xi32>
      %swap3A_1377 = arith.index_cast %scan3A_1338 : i32 to index
      %swap3A_1378 = arith.constant 96 : index
      %swap3A_1379 = tpu.vector_load %arg6[%swap3A_1377, %swap3A_1378] {strides = array<i32>} : memref<24x128xi32, #tpu.memory_space<vmem>>, vector<16xi32>,
      tpu.vector_store %arg6[%swap3A_1377, %swap3A_1378], %add3A_1376 {strides = array<i32>} : memref<24x128xi32, #tpu.memory_space<vmem>>, vector<16xi32>,
      %add3A_1380 = arith.constant 112 : i32
      %add3A_1381 = vector.broadcast %add3A_1380 : i32 to vector<16xi32>
      %add3A_1382 = arith.addi %iota3A, %add3A_1381 : vector<16xi32>
      %swap3A_1383 = arith.index_cast %scan3A_1338 : i32 to index
      %swap3A_1384 = arith.constant 112 : index
      %swap3A_1385 = tpu.vector_load %arg6[%swap3A_1383, %swap3A_1384] {strides = array<i32>} : memref<24x128xi32, #tpu.memory_space<vmem>>, vector<16xi32>,
      tpu.vector_store %arg6[%swap3A_1383, %swap3A_1384], %add3A_1382 {strides = array<i32>} : memref<24x128xi32, #tpu.memory_space<vmem>>, vector<16xi32>,
    }
    %scan3A_38 = arith.constant 24 : i32
    %scan3A_39 = arith.constant 0 : i32
    %scan3A_40 = arith.constant 128 : i32
    %scan3A_41 = arith.addi %scan3A_39, %scan3A_40 : i32
    %scan3A_42 = arith.constant 1 : i32
    scf.for %scan3A_1338 = %scan3A_39 to %scan3A_41 step %scan3A_42  : i32 {
      %jit3A_1339 = arith.constant 8 : i32
      %div3A_1340 = arith.divsi %scan3A_1338, %jit3A_1339 : i32
      %sign3A_1341 = arith.constant 0 : i32
      %sign3A_1342 = arith.cmpi sgt, %scan3A_1338, %sign3A_1341 : i32
      %sign3A_1343 = arith.extui %sign3A_1342 : i1 to i32
      %sign3A_1344 = arith.constant 0 : i32
      %sign3A_1345 = arith.cmpi slt, %scan3A_1338, %sign3A_1344 : i32
      %sign3A_1346 = arith.extui %sign3A_1345 : i1 to i32
      %sign3A_1347 = arith.subi %sign3A_1343, %sign3A_1346 : i32
      %sign3A_1348 = arith.constant 0 : i32
      %sign3A_1349 = arith.cmpi sgt, %jit3A_1339, %sign3A_1348 : i32
      %sign3A_1350 = arith.extui %sign3A_1349 : i1 to i32
      %sign3A_1351 = arith.constant 0 : i32
      %sign3A_1352 = arith.cmpi slt, %jit3A_1339, %sign3A_1351 : i32
      %sign3A_1353 = arith.extui %sign3A_1352 : i1 to i32
      %sign3A_1354 = arith.subi %sign3A_1350, %sign3A_1353 : i32
      %ne3A_1355 = arith.cmpi ne, %sign3A_1347, %sign3A_1354 : i32
      %rem3A_1356 = arith.remsi %scan3A_1338, %jit3A_1339 : i32
      %ne3A_1357 = arith.constant 0 : i32
      %ne3A_1358 = arith.cmpi ne, %rem3A_1356, %ne3A_1357 : i32
      %and3A_1359 = arith.andi %ne3A_1355, %ne3A_1358 : i1
      %sub3A_1360 = arith.constant 1 : i32
      %sub3A_1361 = arith.subi %div3A_1340, %sub3A_1360 : i32
      %select_n3A_1362 = arith.select %and3A_1359, %sub3A_1361, %div3A_1340 : i32
      %mul3A_1363 = arith.constant 192 : i32
      %mul3A_1364 = arith.muli %select_n3A_1362, %mul3A_1363 : i32
      %rem3A_1365 = arith.constant 8 : i32
      %rem3A_1366 = arith.remsi %scan3A_1338, %rem3A_1365 : i32
      %mul3A_1367 = arith.constant 8 : i32
      %mul3A_1368 = arith.muli %rem3A_1366, %mul3A_1367 : i32
      %add3A_1369 = arith.addi %mul3A_1364, %mul3A_1368 : i32
      %add3A_1370 = vector.broadcast %add3A_1369 : i32 to vector<16xi32>
      %add3A_1371 = arith.addi %add3A_32, %add3A_1370 : vector<16xi32>
      %mul3A_1372 = arith.constant 17 : i32
      %mul3A_1373 = arith.muli %scan3A_1338, %mul3A_1372 : i32
      %get3A = arith.index_cast %mul3A_1373 : i32 to index
      %get3A_1374 = tpu.vector_load %arg5[%get3A] {strides = array<i32>} : memref<2176xi32, #tpu.memory_space<vmem>>, vector<16xi32>,
      %shift_right_arithmetic3A = arith.constant 7 : i32
      %shift_right_arithmetic3A_1375 = vector.broadcast %shift_right_arithmetic3A : i32 to vector<16xi32>
      %shift_right_arithmetic3A_1376 = arith.shrsi %add3A_1371, %shift_right_arithmetic3A_1375 : vector<16xi32>
      %and3A_1377 = arith.constant 127 : i32
      %and3A_1378 = vector.broadcast %and3A_1377 : i32 to vector<16xi32>
      %and3A_1379 = arith.andi %add3A_1371, %and3A_1378 : vector<16xi32>
      tpu.vector_store_idx %arg6[%shift_right_arithmetic3A_1376, %and3A_1379], %get3A_1374 : memref<24x128xi32, #tpu.memory_space<vmem>>[vector<16xi32>, vector<16xi32>], vector<16xi32>,
      %add3A_1380 = arith.constant 128 : i32
      %add3A_1381 = arith.addi %add3A_1369, %add3A_1380 : i32
      %broadcast_in_dim3A = vector.broadcast %add3A_1381 : i32 to vector<16xi32>
      %mul3A_1382 = arith.constant 17 : i32
      %mul3A_1383 = arith.muli %scan3A_1338, %mul3A_1382 : i32
      %add3A_1384 = arith.constant 1 : i32
      %add3A_1385 = arith.addi %mul3A_1383, %add3A_1384 : i32
      %get3A_1386 = arith.index_cast %add3A_1385 : i32 to index
      %get3A_1387 = tpu.vector_load %arg5[%get3A_1386] {strides = array<i32>} : memref<2176xi32, #tpu.memory_space<vmem>>, vector<16xi32>,
      %shift_right_arithmetic3A_1388 = arith.constant 7 : i32
      %shift_right_arithmetic3A_1389 = vector.broadcast %shift_right_arithmetic3A_1388 : i32 to vector<16xi32>
      %shift_right_arithmetic3A_1390 = arith.shrsi %broadcast_in_dim3A, %shift_right_arithmetic3A_1389 : vector<16xi32>
      %and3A_1391 = arith.constant 127 : i32
      %and3A_1392 = vector.broadcast %and3A_1391 : i32 to vector<16xi32>
      %and3A_1393 = arith.andi %broadcast_in_dim3A, %and3A_1392 : vector<16xi32>
      tpu.vector_store_idx %arg6[%shift_right_arithmetic3A_1390, %and3A_1393], %get3A_1387 masked %eq3A_34 : memref<24x128xi32, #tpu.memory_space<vmem>>[vector<16xi32>, vector<16xi32>], vector<16xi32>, vector<16xi1>
    }
    %scan3A_43 = arith.constant 128 : i32
    %dma_start3A = arith.constant 0 : i32
    %dma_start3A_44 = arith.constant 0 : i32
    %dma_start3A_45 = arith.constant 0 : i32
    %dma_start3A_46 = arith.constant 0 : i32
    %dma_start3A_47 = tpu.memref_slice %arg7[%dma_start3A_44, %dma_start3A_45, %dma_start3A_46] : memref<24x128x16xf32, #tpu.memory_space<vmem>> -> memref<1x128x16xf32, #tpu.memory_space<vmem>>
    %dma_start3A_48 = tpu.memref_squeeze %dma_start3A_47 : memref<1x128x16xf32, #tpu.memory_space<vmem>> -> memref<128x16xf32, #tpu.memory_space<vmem>>
    %dma_start3A_49 = arith.constant 0 : i32
    %dma_start3A_50 = tpu.memref_slice %arg6[%dma_start3A, %dma_start3A_49] : memref<24x128xi32, #tpu.memory_space<vmem>> -> memref<1x128xi32, #tpu.memory_space<vmem>>
    %dma_start3A_51 = tpu.memref_squeeze %dma_start3A_50 : memref<1x128xi32, #tpu.memory_space<vmem>> -> memref<128xi32, #tpu.memory_space<vmem>>
    %dma_start3A_52 = arith.constant 0 : i32
    %dma_start3A_53 = arith.constant 0 : i32
    %dma_start3A_54 = tpu.memref_slice %arg2[%dma_start3A_52, %dma_start3A_53] : memref<3488x16xf32, #tpu.memory_space<hbm>> -> memref<3488x16xf32, #tpu.memory_space<hbm>>
    tpu.enqueue_indirect_dma source(%dma_start3A_54 : memref<3488x16xf32, #tpu.memory_space<hbm>>) target(%dma_start3A_48 : memref<128x16xf32, #tpu.memory_space<vmem>>) offsets(%dma_start3A_51 : memref<128xi32, #tpu.memory_space<vmem>>) semaphore(%arg8 : memref<!tpu.dma_semaphore, #tpu.memory_space<semaphore_mem>>)
    %dma_start3A_55 = arith.constant 1 : i32
    %dma_start3A_56 = arith.constant 1 : i32
    %dma_start3A_57 = arith.constant 0 : i32
    %dma_start3A_58 = arith.constant 0 : i32
    %dma_start3A_59 = tpu.memref_slice %arg7[%dma_start3A_56, %dma_start3A_57, %dma_start3A_58] : memref<24x128x16xf32, #tpu.memory_space<vmem>> -> memref<1x128x16xf32, #tpu.memory_space<vmem>>
    %dma_start3A_60 = tpu.memref_squeeze %dma_start3A_59 : memref<1x128x16xf32, #tpu.memory_space<vmem>> -> memref<128x16xf32, #tpu.memory_space<vmem>>
    %dma_start3A_61 = arith.constant 0 : i32
    %dma_start3A_62 = tpu.memref_slice %arg6[%dma_start3A_55, %dma_start3A_61] : memref<24x128xi32, #tpu.memory_space<vmem>> -> memref<1x128xi32, #tpu.memory_space<vmem>>
    %dma_start3A_63 = tpu.memref_squeeze %dma_start3A_62 : memref<1x128xi32, #tpu.memory_space<vmem>> -> memref<128xi32, #tpu.memory_space<vmem>>
    %dma_start3A_64 = arith.constant 0 : i32
    %dma_start3A_65 = arith.constant 0 : i32
    %dma_start3A_66 = tpu.memref_slice %arg2[%dma_start3A_64, %dma_start3A_65] : memref<3488x16xf32, #tpu.memory_space<hbm>> -> memref<3488x16xf32, #tpu.memory_space<hbm>>
    tpu.enqueue_indirect_dma source(%dma_start3A_66 : memref<3488x16xf32, #tpu.memory_space<hbm>>) target(%dma_start3A_60 : memref<128x16xf32, #tpu.memory_space<vmem>>) offsets(%dma_start3A_63 : memref<128xi32, #tpu.memory_space<vmem>>) semaphore(%arg8 : memref<!tpu.dma_semaphore, #tpu.memory_space<semaphore_mem>>)
    %dma_start3A_67 = arith.constant 2 : i32
    %dma_start3A_68 = arith.constant 2 : i32
    %dma_start3A_69 = arith.constant 0 : i32
    %dma_start3A_70 = arith.constant 0 : i32
    %dma_start3A_71 = tpu.memref_slice %arg7[%dma_start3A_68, %dma_start3A_69, %dma_start3A_70] : memref<24x128x16xf32, #tpu.memory_space<vmem>> -> memref<1x128x16xf32, #tpu.memory_space<vmem>>
    %dma_start3A_72 = tpu.memref_squeeze %dma_start3A_71 : memref<1x128x16xf32, #tpu.memory_space<vmem>> -> memref<128x16xf32, #tpu.memory_space<vmem>>
    %dma_start3A_73 = arith.constant 0 : i32
    %dma_start3A_74 = tpu.memref_slice %arg6[%dma_start3A_67, %dma_start3A_73] : memref<24x128xi32, #tpu.memory_space<vmem>> -> memref<1x128xi32, #tpu.memory_space<vmem>>
    %dma_start3A_75 = tpu.memref_squeeze %dma_start3A_74 : memref<1x128xi32, #tpu.memory_space<vmem>> -> memref<128xi32, #tpu.memory_space<vmem>>
    %dma_start3A_76 = arith.constant 0 : i32
    %dma_start3A_77 = arith.constant 0 : i32
    %dma_start3A_78 = tpu.memref_slice %arg2[%dma_start3A_76, %dma_start3A_77] : memref<3488x16xf32, #tpu.memory_space<hbm>> -> memref<3488x16xf32, #tpu.memory_space<hbm>>
    tpu.enqueue_indirect_dma source(%dma_start3A_78 : memref<3488x16xf32, #tpu.memory_space<hbm>>) target(%dma_start3A_72 : memref<128x16xf32, #tpu.memory_space<vmem>>) offsets(%dma_start3A_75 : memref<128xi32, #tpu.memory_space<vmem>>) semaphore(%arg8 : memref<!tpu.dma_semaphore, #tpu.memory_space<semaphore_mem>>)
    %dma_start3A_79 = arith.constant 3 : i32
    %dma_start3A_80 = arith.constant 3 : i32
    %dma_start3A_81 = arith.constant 0 : i32
    %dma_start3A_82 = arith.constant 0 : i32
    %dma_start3A_83 = tpu.memref_slice %arg7[%dma_start3A_80, %dma_start3A_81, %dma_start3A_82] : memref<24x128x16xf32, #tpu.memory_space<vmem>> -> memref<1x128x16xf32, #tpu.memory_space<vmem>>
    %dma_start3A_84 = tpu.memref_squeeze %dma_start3A_83 : memref<1x128x16xf32, #tpu.memory_space<vmem>> -> memref<128x16xf32, #tpu.memory_space<vmem>>
    %dma_start3A_85 = arith.constant 0 : i32
    %dma_start3A_86 = tpu.memref_slice %arg6[%dma_start3A_79, %dma_start3A_85] : memref<24x128xi32, #tpu.memory_space<vmem>> -> memref<1x128xi32, #tpu.memory_space<vmem>>
    %dma_start3A_87 = tpu.memref_squeeze %dma_start3A_86 : memref<1x128xi32, #tpu.memory_space<vmem>> -> memref<128xi32, #tpu.memory_space<vmem>>
    %dma_start3A_88 = arith.constant 0 : i32
    %dma_start3A_89 = arith.constant 0 : i32
    %dma_start3A_90 = tpu.memref_slice %arg2[%dma_start3A_88, %dma_start3A_89] : memref<3488x16xf32, #tpu.memory_space<hbm>> -> memref<3488x16xf32, #tpu.memory_space<hbm>>
    tpu.enqueue_indirect_dma source(%dma_start3A_90 : memref<3488x16xf32, #tpu.memory_space<hbm>>) target(%dma_start3A_84 : memref<128x16xf32, #tpu.memory_space<vmem>>) offsets(%dma_start3A_87 : memref<128xi32, #tpu.memory_space<vmem>>) semaphore(%arg8 : memref<!tpu.dma_semaphore, #tpu.memory_space<semaphore_mem>>)
    %dma_start3A_91 = arith.constant 4 : i32
    %dma_start3A_92 = arith.constant 4 : i32
    %dma_start3A_93 = arith.constant 0 : i32
    %dma_start3A_94 = arith.constant 0 : i32
    %dma_start3A_95 = tpu.memref_slice %arg7[%dma_start3A_92, %dma_start3A_93, %dma_start3A_94] : memref<24x128x16xf32, #tpu.memory_space<vmem>> -> memref<1x128x16xf32, #tpu.memory_space<vmem>>
    %dma_start3A_96 = tpu.memref_squeeze %dma_start3A_95 : memref<1x128x16xf32, #tpu.memory_space<vmem>> -> memref<128x16xf32, #tpu.memory_space<vmem>>
    %dma_start3A_97 = arith.constant 0 : i32
    %dma_start3A_98 = tpu.memref_slice %arg6[%dma_start3A_91, %dma_start3A_97] : memref<24x128xi32, #tpu.memory_space<vmem>> -> memref<1x128xi32, #tpu.memory_space<vmem>>
    %dma_start3A_99 = tpu.memref_squeeze %dma_start3A_98 : memref<1x128xi32, #tpu.memory_space<vmem>> -> memref<128xi32, #tpu.memory_space<vmem>>
    %dma_start3A_100 = arith.constant 0 : i32
    %dma_start3A_101 = arith.constant 0 : i32
    %dma_start3A_102 = tpu.memref_slice %arg2[%dma_start3A_100, %dma_start3A_101] : memref<3488x16xf32, #tpu.memory_space<hbm>> -> memref<3488x16xf32, #tpu.memory_space<hbm>>
    tpu.enqueue_indirect_dma source(%dma_start3A_102 : memref<3488x16xf32, #tpu.memory_space<hbm>>) target(%dma_start3A_96 : memref<128x16xf32, #tpu.memory_space<vmem>>) offsets(%dma_start3A_99 : memref<128xi32, #tpu.memory_space<vmem>>) semaphore(%arg8 : memref<!tpu.dma_semaphore, #tpu.memory_space<semaphore_mem>>)
    %dma_start3A_103 = arith.constant 5 : i32
    %dma_start3A_104 = arith.constant 5 : i32
    %dma_start3A_105 = arith.constant 0 : i32
    %dma_start3A_106 = arith.constant 0 : i32
    %dma_start3A_107 = tpu.memref_slice %arg7[%dma_start3A_104, %dma_start3A_105, %dma_start3A_106] : memref<24x128x16xf32, #tpu.memory_space<vmem>> -> memref<1x128x16xf32, #tpu.memory_space<vmem>>
    %dma_start3A_108 = tpu.memref_squeeze %dma_start3A_107 : memref<1x128x16xf32, #tpu.memory_space<vmem>> -> memref<128x16xf32, #tpu.memory_space<vmem>>
    %dma_start3A_109 = arith.constant 0 : i32
    %dma_start3A_110 = tpu.memref_slice %arg6[%dma_start3A_103, %dma_start3A_109] : memref<24x128xi32, #tpu.memory_space<vmem>> -> memref<1x128xi32, #tpu.memory_space<vmem>>
    %dma_start3A_111 = tpu.memref_squeeze %dma_start3A_110 : memref<1x128xi32, #tpu.memory_space<vmem>> -> memref<128xi32, #tpu.memory_space<vmem>>
    %dma_start3A_112 = arith.constant 0 : i32
    %dma_start3A_113 = arith.constant 0 : i32
    %dma_start3A_114 = tpu.memref_slice %arg2[%dma_start3A_112, %dma_start3A_113] : memref<3488x16xf32, #tpu.memory_space<hbm>> -> memref<3488x16xf32, #tpu.memory_space<hbm>>
    tpu.enqueue_indirect_dma source(%dma_start3A_114 : memref<3488x16xf32, #tpu.memory_space<hbm>>) target(%dma_start3A_108 : memref<128x16xf32, #tpu.memory_space<vmem>>) offsets(%dma_start3A_111 : memref<128xi32, #tpu.memory_space<vmem>>) semaphore(%arg8 : memref<!tpu.dma_semaphore, #tpu.memory_space<semaphore_mem>>)
    %dma_start3A_115 = arith.constant 6 : i32
    %dma_start3A_116 = arith.constant 6 : i32
    %dma_start3A_117 = arith.constant 0 : i32
    %dma_start3A_118 = arith.constant 0 : i32
    %dma_start3A_119 = tpu.memref_slice %arg7[%dma_start3A_116, %dma_start3A_117, %dma_start3A_118] : memref<24x128x16xf32, #tpu.memory_space<vmem>> -> memref<1x128x16xf32, #tpu.memory_space<vmem>>
    %dma_start3A_120 = tpu.memref_squeeze %dma_start3A_119 : memref<1x128x16xf32, #tpu.memory_space<vmem>> -> memref<128x16xf32, #tpu.memory_space<vmem>>
    %dma_start3A_121 = arith.constant 0 : i32
    %dma_start3A_122 = tpu.memref_slice %arg6[%dma_start3A_115, %dma_start3A_121] : memref<24x128xi32, #tpu.memory_space<vmem>> -> memref<1x128xi32, #tpu.memory_space<vmem>>
    %dma_start3A_123 = tpu.memref_squeeze %dma_start3A_122 : memref<1x128xi32, #tpu.memory_space<vmem>> -> memref<128xi32, #tpu.memory_space<vmem>>
    %dma_start3A_124 = arith.constant 0 : i32
    %dma_start3A_125 = arith.constant 0 : i32
    %dma_start3A_126 = tpu.memref_slice %arg2[%dma_start3A_124, %dma_start3A_125] : memref<3488x16xf32, #tpu.memory_space<hbm>> -> memref<3488x16xf32, #tpu.memory_space<hbm>>
    tpu.enqueue_indirect_dma source(%dma_start3A_126 : memref<3488x16xf32, #tpu.memory_space<hbm>>) target(%dma_start3A_120 : memref<128x16xf32, #tpu.memory_space<vmem>>) offsets(%dma_start3A_123 : memref<128xi32, #tpu.memory_space<vmem>>) semaphore(%arg8 : memref<!tpu.dma_semaphore, #tpu.memory_space<semaphore_mem>>)
    %dma_start3A_127 = arith.constant 7 : i32
    %dma_start3A_128 = arith.constant 7 : i32
    %dma_start3A_129 = arith.constant 0 : i32
    %dma_start3A_130 = arith.constant 0 : i32
    %dma_start3A_131 = tpu.memref_slice %arg7[%dma_start3A_128, %dma_start3A_129, %dma_start3A_130] : memref<24x128x16xf32, #tpu.memory_space<vmem>> -> memref<1x128x16xf32, #tpu.memory_space<vmem>>
    %dma_start3A_132 = tpu.memref_squeeze %dma_start3A_131 : memref<1x128x16xf32, #tpu.memory_space<vmem>> -> memref<128x16xf32, #tpu.memory_space<vmem>>
    %dma_start3A_133 = arith.constant 0 : i32
    %dma_start3A_134 = tpu.memref_slice %arg6[%dma_start3A_127, %dma_start3A_133] : memref<24x128xi32, #tpu.memory_space<vmem>> -> memref<1x128xi32, #tpu.memory_space<vmem>>
    %dma_start3A_135 = tpu.memref_squeeze %dma_start3A_134 : memref<1x128xi32, #tpu.memory_space<vmem>> -> memref<128xi32, #tpu.memory_space<vmem>>
    %dma_start3A_136 = arith.constant 0 : i32
    %dma_start3A_137 = arith.constant 0 : i32
    %dma_start3A_138 = tpu.memref_slice %arg2[%dma_start3A_136, %dma_start3A_137] : memref<3488x16xf32, #tpu.memory_space<hbm>> -> memref<3488x16xf32, #tpu.memory_space<hbm>>
    tpu.enqueue_indirect_dma source(%dma_start3A_138 : memref<3488x16xf32, #tpu.memory_space<hbm>>) target(%dma_start3A_132 : memref<128x16xf32, #tpu.memory_space<vmem>>) offsets(%dma_start3A_135 : memref<128xi32, #tpu.memory_space<vmem>>) semaphore(%arg8 : memref<!tpu.dma_semaphore, #tpu.memory_space<semaphore_mem>>)
    %dma_start3A_139 = arith.constant 8 : i32
    %dma_start3A_140 = arith.constant 8 : i32
    %dma_start3A_141 = arith.constant 0 : i32
    %dma_start3A_142 = arith.constant 0 : i32
    %dma_start3A_143 = tpu.memref_slice %arg7[%dma_start3A_140, %dma_start3A_141, %dma_start3A_142] : memref<24x128x16xf32, #tpu.memory_space<vmem>> -> memref<1x128x16xf32, #tpu.memory_space<vmem>>
    %dma_start3A_144 = tpu.memref_squeeze %dma_start3A_143 : memref<1x128x16xf32, #tpu.memory_space<vmem>> -> memref<128x16xf32, #tpu.memory_space<vmem>>
    %dma_start3A_145 = arith.constant 0 : i32
    %dma_start3A_146 = tpu.memref_slice %arg6[%dma_start3A_139, %dma_start3A_145] : memref<24x128xi32, #tpu.memory_space<vmem>> -> memref<1x128xi32, #tpu.memory_space<vmem>>
    %dma_start3A_147 = tpu.memref_squeeze %dma_start3A_146 : memref<1x128xi32, #tpu.memory_space<vmem>> -> memref<128xi32, #tpu.memory_space<vmem>>
    %dma_start3A_148 = arith.constant 0 : i32
    %dma_start3A_149 = arith.constant 0 : i32
    %dma_start3A_150 = tpu.memref_slice %arg2[%dma_start3A_148, %dma_start3A_149] : memref<3488x16xf32, #tpu.memory_space<hbm>> -> memref<3488x16xf32, #tpu.memory_space<hbm>>
    tpu.enqueue_indirect_dma source(%dma_start3A_150 : memref<3488x16xf32, #tpu.memory_space<hbm>>) target(%dma_start3A_144 : memref<128x16xf32, #tpu.memory_space<vmem>>) offsets(%dma_start3A_147 : memref<128xi32, #tpu.memory_space<vmem>>) semaphore(%arg8 : memref<!tpu.dma_semaphore, #tpu.memory_space<semaphore_mem>>)
    %dma_start3A_151 = arith.constant 9 : i32
    %dma_start3A_152 = arith.constant 9 : i32
    %dma_start3A_153 = arith.constant 0 : i32
    %dma_start3A_154 = arith.constant 0 : i32
    %dma_start3A_155 = tpu.memref_slice %arg7[%dma_start3A_152, %dma_start3A_153, %dma_start3A_154] : memref<24x128x16xf32, #tpu.memory_space<vmem>> -> memref<1x128x16xf32, #tpu.memory_space<vmem>>
    %dma_start3A_156 = tpu.memref_squeeze %dma_start3A_155 : memref<1x128x16xf32, #tpu.memory_space<vmem>> -> memref<128x16xf32, #tpu.memory_space<vmem>>
    %dma_start3A_157 = arith.constant 0 : i32
    %dma_start3A_158 = tpu.memref_slice %arg6[%dma_start3A_151, %dma_start3A_157] : memref<24x128xi32, #tpu.memory_space<vmem>> -> memref<1x128xi32, #tpu.memory_space<vmem>>
    %dma_start3A_159 = tpu.memref_squeeze %dma_start3A_158 : memref<1x128xi32, #tpu.memory_space<vmem>> -> memref<128xi32, #tpu.memory_space<vmem>>
    %dma_start3A_160 = arith.constant 0 : i32
    %dma_start3A_161 = arith.constant 0 : i32
    %dma_start3A_162 = tpu.memref_slice %arg2[%dma_start3A_160, %dma_start3A_161] : memref<3488x16xf32, #tpu.memory_space<hbm>> -> memref<3488x16xf32, #tpu.memory_space<hbm>>
    tpu.enqueue_indirect_dma source(%dma_start3A_162 : memref<3488x16xf32, #tpu.memory_space<hbm>>) target(%dma_start3A_156 : memref<128x16xf32, #tpu.memory_space<vmem>>) offsets(%dma_start3A_159 : memref<128xi32, #tpu.memory_space<vmem>>) semaphore(%arg8 : memref<!tpu.dma_semaphore, #tpu.memory_space<semaphore_mem>>)
    %dma_start3A_163 = arith.constant 10 : i32
    %dma_start3A_164 = arith.constant 10 : i32
    %dma_start3A_165 = arith.constant 0 : i32
    %dma_start3A_166 = arith.constant 0 : i32
    %dma_start3A_167 = tpu.memref_slice %arg7[%dma_start3A_164, %dma_start3A_165, %dma_start3A_166] : memref<24x128x16xf32, #tpu.memory_space<vmem>> -> memref<1x128x16xf32, #tpu.memory_space<vmem>>
    %dma_start3A_168 = tpu.memref_squeeze %dma_start3A_167 : memref<1x128x16xf32, #tpu.memory_space<vmem>> -> memref<128x16xf32, #tpu.memory_space<vmem>>
    %dma_start3A_169 = arith.constant 0 : i32
    %dma_start3A_170 = tpu.memref_slice %arg6[%dma_start3A_163, %dma_start3A_169] : memref<24x128xi32, #tpu.memory_space<vmem>> -> memref<1x128xi32, #tpu.memory_space<vmem>>
    %dma_start3A_171 = tpu.memref_squeeze %dma_start3A_170 : memref<1x128xi32, #tpu.memory_space<vmem>> -> memref<128xi32, #tpu.memory_space<vmem>>
    %dma_start3A_172 = arith.constant 0 : i32
    %dma_start3A_173 = arith.constant 0 : i32
    %dma_start3A_174 = tpu.memref_slice %arg2[%dma_start3A_172, %dma_start3A_173] : memref<3488x16xf32, #tpu.memory_space<hbm>> -> memref<3488x16xf32, #tpu.memory_space<hbm>>
    tpu.enqueue_indirect_dma source(%dma_start3A_174 : memref<3488x16xf32, #tpu.memory_space<hbm>>) target(%dma_start3A_168 : memref<128x16xf32, #tpu.memory_space<vmem>>) offsets(%dma_start3A_171 : memref<128xi32, #tpu.memory_space<vmem>>) semaphore(%arg8 : memref<!tpu.dma_semaphore, #tpu.memory_space<semaphore_mem>>)
    %dma_start3A_175 = arith.constant 11 : i32
    %dma_start3A_176 = arith.constant 11 : i32
    %dma_start3A_177 = arith.constant 0 : i32
    %dma_start3A_178 = arith.constant 0 : i32
    %dma_start3A_179 = tpu.memref_slice %arg7[%dma_start3A_176, %dma_start3A_177, %dma_start3A_178] : memref<24x128x16xf32, #tpu.memory_space<vmem>> -> memref<1x128x16xf32, #tpu.memory_space<vmem>>
    %dma_start3A_180 = tpu.memref_squeeze %dma_start3A_179 : memref<1x128x16xf32, #tpu.memory_space<vmem>> -> memref<128x16xf32, #tpu.memory_space<vmem>>
    %dma_start3A_181 = arith.constant 0 : i32
    %dma_start3A_182 = tpu.memref_slice %arg6[%dma_start3A_175, %dma_start3A_181] : memref<24x128xi32, #tpu.memory_space<vmem>> -> memref<1x128xi32, #tpu.memory_space<vmem>>
    %dma_start3A_183 = tpu.memref_squeeze %dma_start3A_182 : memref<1x128xi32, #tpu.memory_space<vmem>> -> memref<128xi32, #tpu.memory_space<vmem>>
    %dma_start3A_184 = arith.constant 0 : i32
    %dma_start3A_185 = arith.constant 0 : i32
    %dma_start3A_186 = tpu.memref_slice %arg2[%dma_start3A_184, %dma_start3A_185] : memref<3488x16xf32, #tpu.memory_space<hbm>> -> memref<3488x16xf32, #tpu.memory_space<hbm>>
    tpu.enqueue_indirect_dma source(%dma_start3A_186 : memref<3488x16xf32, #tpu.memory_space<hbm>>) target(%dma_start3A_180 : memref<128x16xf32, #tpu.memory_space<vmem>>) offsets(%dma_start3A_183 : memref<128xi32, #tpu.memory_space<vmem>>) semaphore(%arg8 : memref<!tpu.dma_semaphore, #tpu.memory_space<semaphore_mem>>)
    %dma_start3A_187 = arith.constant 12 : i32
    %dma_start3A_188 = arith.constant 12 : i32
    %dma_start3A_189 = arith.constant 0 : i32
    %dma_start3A_190 = arith.constant 0 : i32
    %dma_start3A_191 = tpu.memref_slice %arg7[%dma_start3A_188, %dma_start3A_189, %dma_start3A_190] : memref<24x128x16xf32, #tpu.memory_space<vmem>> -> memref<1x128x16xf32, #tpu.memory_space<vmem>>
    %dma_start3A_192 = tpu.memref_squeeze %dma_start3A_191 : memref<1x128x16xf32, #tpu.memory_space<vmem>> -> memref<128x16xf32, #tpu.memory_space<vmem>>
    %dma_start3A_193 = arith.constant 0 : i32
    %dma_start3A_194 = tpu.memref_slice %arg6[%dma_start3A_187, %dma_start3A_193] : memref<24x128xi32, #tpu.memory_space<vmem>> -> memref<1x128xi32, #tpu.memory_space<vmem>>
    %dma_start3A_195 = tpu.memref_squeeze %dma_start3A_194 : memref<1x128xi32, #tpu.memory_space<vmem>> -> memref<128xi32, #tpu.memory_space<vmem>>
    %dma_start3A_196 = arith.constant 0 : i32
    %dma_start3A_197 = arith.constant 0 : i32
    %dma_start3A_198 = tpu.memref_slice %arg2[%dma_start3A_196, %dma_start3A_197] : memref<3488x16xf32, #tpu.memory_space<hbm>> -> memref<3488x16xf32, #tpu.memory_space<hbm>>
    tpu.enqueue_indirect_dma source(%dma_start3A_198 : memref<3488x16xf32, #tpu.memory_space<hbm>>) target(%dma_start3A_192 : memref<128x16xf32, #tpu.memory_space<vmem>>) offsets(%dma_start3A_195 : memref<128xi32, #tpu.memory_space<vmem>>) semaphore(%arg8 : memref<!tpu.dma_semaphore, #tpu.memory_space<semaphore_mem>>)
    %dma_start3A_199 = arith.constant 13 : i32
    %dma_start3A_200 = arith.constant 13 : i32
    %dma_start3A_201 = arith.constant 0 : i32
    %dma_start3A_202 = arith.constant 0 : i32
    %dma_start3A_203 = tpu.memref_slice %arg7[%dma_start3A_200, %dma_start3A_201, %dma_start3A_202] : memref<24x128x16xf32, #tpu.memory_space<vmem>> -> memref<1x128x16xf32, #tpu.memory_space<vmem>>
    %dma_start3A_204 = tpu.memref_squeeze %dma_start3A_203 : memref<1x128x16xf32, #tpu.memory_space<vmem>> -> memref<128x16xf32, #tpu.memory_space<vmem>>
    %dma_start3A_205 = arith.constant 0 : i32
    %dma_start3A_206 = tpu.memref_slice %arg6[%dma_start3A_199, %dma_start3A_205] : memref<24x128xi32, #tpu.memory_space<vmem>> -> memref<1x128xi32, #tpu.memory_space<vmem>>
    %dma_start3A_207 = tpu.memref_squeeze %dma_start3A_206 : memref<1x128xi32, #tpu.memory_space<vmem>> -> memref<128xi32, #tpu.memory_space<vmem>>
    %dma_start3A_208 = arith.constant 0 : i32
    %dma_start3A_209 = arith.constant 0 : i32
    %dma_start3A_210 = tpu.memref_slice %arg2[%dma_start3A_208, %dma_start3A_209] : memref<3488x16xf32, #tpu.memory_space<hbm>> -> memref<3488x16xf32, #tpu.memory_space<hbm>>
    tpu.enqueue_indirect_dma source(%dma_start3A_210 : memref<3488x16xf32, #tpu.memory_space<hbm>>) target(%dma_start3A_204 : memref<128x16xf32, #tpu.memory_space<vmem>>) offsets(%dma_start3A_207 : memref<128xi32, #tpu.memory_space<vmem>>) semaphore(%arg8 : memref<!tpu.dma_semaphore, #tpu.memory_space<semaphore_mem>>)
    %dma_start3A_211 = arith.constant 14 : i32
    %dma_start3A_212 = arith.constant 14 : i32
    %dma_start3A_213 = arith.constant 0 : i32
    %dma_start3A_214 = arith.constant 0 : i32
    %dma_start3A_215 = tpu.memref_slice %arg7[%dma_start3A_212, %dma_start3A_213, %dma_start3A_214] : memref<24x128x16xf32, #tpu.memory_space<vmem>> -> memref<1x128x16xf32, #tpu.memory_space<vmem>>
    %dma_start3A_216 = tpu.memref_squeeze %dma_start3A_215 : memref<1x128x16xf32, #tpu.memory_space<vmem>> -> memref<128x16xf32, #tpu.memory_space<vmem>>
    %dma_start3A_217 = arith.constant 0 : i32
    %dma_start3A_218 = tpu.memref_slice %arg6[%dma_start3A_211, %dma_start3A_217] : memref<24x128xi32, #tpu.memory_space<vmem>> -> memref<1x128xi32, #tpu.memory_space<vmem>>
    %dma_start3A_219 = tpu.memref_squeeze %dma_start3A_218 : memref<1x128xi32, #tpu.memory_space<vmem>> -> memref<128xi32, #tpu.memory_space<vmem>>
    %dma_start3A_220 = arith.constant 0 : i32
    %dma_start3A_221 = arith.constant 0 : i32
    %dma_start3A_222 = tpu.memref_slice %arg2[%dma_start3A_220, %dma_start3A_221] : memref<3488x16xf32, #tpu.memory_space<hbm>> -> memref<3488x16xf32, #tpu.memory_space<hbm>>
    tpu.enqueue_indirect_dma source(%dma_start3A_222 : memref<3488x16xf32, #tpu.memory_space<hbm>>) target(%dma_start3A_216 : memref<128x16xf32, #tpu.memory_space<vmem>>) offsets(%dma_start3A_219 : memref<128xi32, #tpu.memory_space<vmem>>) semaphore(%arg8 : memref<!tpu.dma_semaphore, #tpu.memory_space<semaphore_mem>>)
    %dma_start3A_223 = arith.constant 15 : i32
    %dma_start3A_224 = arith.constant 15 : i32
    %dma_start3A_225 = arith.constant 0 : i32
    %dma_start3A_226 = arith.constant 0 : i32
    %dma_start3A_227 = tpu.memref_slice %arg7[%dma_start3A_224, %dma_start3A_225, %dma_start3A_226] : memref<24x128x16xf32, #tpu.memory_space<vmem>> -> memref<1x128x16xf32, #tpu.memory_space<vmem>>
    %dma_start3A_228 = tpu.memref_squeeze %dma_start3A_227 : memref<1x128x16xf32, #tpu.memory_space<vmem>> -> memref<128x16xf32, #tpu.memory_space<vmem>>
    %dma_start3A_229 = arith.constant 0 : i32
    %dma_start3A_230 = tpu.memref_slice %arg6[%dma_start3A_223, %dma_start3A_229] : memref<24x128xi32, #tpu.memory_space<vmem>> -> memref<1x128xi32, #tpu.memory_space<vmem>>
    %dma_start3A_231 = tpu.memref_squeeze %dma_start3A_230 : memref<1x128xi32, #tpu.memory_space<vmem>> -> memref<128xi32, #tpu.memory_space<vmem>>
    %dma_start3A_232 = arith.constant 0 : i32
    %dma_start3A_233 = arith.constant 0 : i32
    %dma_start3A_234 = tpu.memref_slice %arg2[%dma_start3A_232, %dma_start3A_233] : memref<3488x16xf32, #tpu.memory_space<hbm>> -> memref<3488x16xf32, #tpu.memory_space<hbm>>
    tpu.enqueue_indirect_dma source(%dma_start3A_234 : memref<3488x16xf32, #tpu.memory_space<hbm>>) target(%dma_start3A_228 : memref<128x16xf32, #tpu.memory_space<vmem>>) offsets(%dma_start3A_231 : memref<128xi32, #tpu.memory_space<vmem>>) semaphore(%arg8 : memref<!tpu.dma_semaphore, #tpu.memory_space<semaphore_mem>>)
    %dma_start3A_235 = arith.constant 16 : i32
    %dma_start3A_236 = arith.constant 16 : i32
    %dma_start3A_237 = arith.constant 0 : i32
    %dma_start3A_238 = arith.constant 0 : i32
    %dma_start3A_239 = tpu.memref_slice %arg7[%dma_start3A_236, %dma_start3A_237, %dma_start3A_238] : memref<24x128x16xf32, #tpu.memory_space<vmem>> -> memref<1x128x16xf32, #tpu.memory_space<vmem>>
    %dma_start3A_240 = tpu.memref_squeeze %dma_start3A_239 : memref<1x128x16xf32, #tpu.memory_space<vmem>> -> memref<128x16xf32, #tpu.memory_space<vmem>>
    %dma_start3A_241 = arith.constant 0 : i32
    %dma_start3A_242 = tpu.memref_slice %arg6[%dma_start3A_235, %dma_start3A_241] : memref<24x128xi32, #tpu.memory_space<vmem>> -> memref<1x128xi32, #tpu.memory_space<vmem>>
    %dma_start3A_243 = tpu.memref_squeeze %dma_start3A_242 : memref<1x128xi32, #tpu.memory_space<vmem>> -> memref<128xi32, #tpu.memory_space<vmem>>
    %dma_start3A_244 = arith.constant 0 : i32
    %dma_start3A_245 = arith.constant 0 : i32
    %dma_start3A_246 = tpu.memref_slice %arg2[%dma_start3A_244, %dma_start3A_245] : memref<3488x16xf32, #tpu.memory_space<hbm>> -> memref<3488x16xf32, #tpu.memory_space<hbm>>
    tpu.enqueue_indirect_dma source(%dma_start3A_246 : memref<3488x16xf32, #tpu.memory_space<hbm>>) target(%dma_start3A_240 : memref<128x16xf32, #tpu.memory_space<vmem>>) offsets(%dma_start3A_243 : memref<128xi32, #tpu.memory_space<vmem>>) semaphore(%arg8 : memref<!tpu.dma_semaphore, #tpu.memory_space<semaphore_mem>>)
    %dma_start3A_247 = arith.constant 17 : i32
    %dma_start3A_248 = arith.constant 17 : i32
    %dma_start3A_249 = arith.constant 0 : i32
    %dma_start3A_250 = arith.constant 0 : i32
    %dma_start3A_251 = tpu.memref_slice %arg7[%dma_start3A_248, %dma_start3A_249, %dma_start3A_250] : memref<24x128x16xf32, #tpu.memory_space<vmem>> -> memref<1x128x16xf32, #tpu.memory_space<vmem>>
    %dma_start3A_252 = tpu.memref_squeeze %dma_start3A_251 : memref<1x128x16xf32, #tpu.memory_space<vmem>> -> memref<128x16xf32, #tpu.memory_space<vmem>>
    %dma_start3A_253 = arith.constant 0 : i32
    %dma_start3A_254 = tpu.memref_slice %arg6[%dma_start3A_247, %dma_start3A_253] : memref<24x128xi32, #tpu.memory_space<vmem>> -> memref<1x128xi32, #tpu.memory_space<vmem>>
    %dma_start3A_255 = tpu.memref_squeeze %dma_start3A_254 : memref<1x128xi32, #tpu.memory_space<vmem>> -> memref<128xi32, #tpu.memory_space<vmem>>
    %dma_start3A_256 = arith.constant 0 : i32
    %dma_start3A_257 = arith.constant 0 : i32
    %dma_start3A_258 = tpu.memref_slice %arg2[%dma_start3A_256, %dma_start3A_257] : memref<3488x16xf32, #tpu.memory_space<hbm>> -> memref<3488x16xf32, #tpu.memory_space<hbm>>
    tpu.enqueue_indirect_dma source(%dma_start3A_258 : memref<3488x16xf32, #tpu.memory_space<hbm>>) target(%dma_start3A_252 : memref<128x16xf32, #tpu.memory_space<vmem>>) offsets(%dma_start3A_255 : memref<128xi32, #tpu.memory_space<vmem>>) semaphore(%arg8 : memref<!tpu.dma_semaphore, #tpu.memory_space<semaphore_mem>>)
    %dma_start3A_259 = arith.constant 18 : i32
    %dma_start3A_260 = arith.constant 18 : i32
    %dma_start3A_261 = arith.constant 0 : i32
    %dma_start3A_262 = arith.constant 0 : i32
    %dma_start3A_263 = tpu.memref_slice %arg7[%dma_start3A_260, %dma_start3A_261, %dma_start3A_262] : memref<24x128x16xf32, #tpu.memory_space<vmem>> -> memref<1x128x16xf32, #tpu.memory_space<vmem>>
    %dma_start3A_264 = tpu.memref_squeeze %dma_start3A_263 : memref<1x128x16xf32, #tpu.memory_space<vmem>> -> memref<128x16xf32, #tpu.memory_space<vmem>>
    %dma_start3A_265 = arith.constant 0 : i32
    %dma_start3A_266 = tpu.memref_slice %arg6[%dma_start3A_259, %dma_start3A_265] : memref<24x128xi32, #tpu.memory_space<vmem>> -> memref<1x128xi32, #tpu.memory_space<vmem>>
    %dma_start3A_267 = tpu.memref_squeeze %dma_start3A_266 : memref<1x128xi32, #tpu.memory_space<vmem>> -> memref<128xi32, #tpu.memory_space<vmem>>
    %dma_start3A_268 = arith.constant 0 : i32
    %dma_start3A_269 = arith.constant 0 : i32
    %dma_start3A_270 = tpu.memref_slice %arg2[%dma_start3A_268, %dma_start3A_269] : memref<3488x16xf32, #tpu.memory_space<hbm>> -> memref<3488x16xf32, #tpu.memory_space<hbm>>
    tpu.enqueue_indirect_dma source(%dma_start3A_270 : memref<3488x16xf32, #tpu.memory_space<hbm>>) target(%dma_start3A_264 : memref<128x16xf32, #tpu.memory_space<vmem>>) offsets(%dma_start3A_267 : memref<128xi32, #tpu.memory_space<vmem>>) semaphore(%arg8 : memref<!tpu.dma_semaphore, #tpu.memory_space<semaphore_mem>>)
    %dma_start3A_271 = arith.constant 19 : i32
    %dma_start3A_272 = arith.constant 19 : i32
    %dma_start3A_273 = arith.constant 0 : i32
    %dma_start3A_274 = arith.constant 0 : i32
    %dma_start3A_275 = tpu.memref_slice %arg7[%dma_start3A_272, %dma_start3A_273, %dma_start3A_274] : memref<24x128x16xf32, #tpu.memory_space<vmem>> -> memref<1x128x16xf32, #tpu.memory_space<vmem>>
    %dma_start3A_276 = tpu.memref_squeeze %dma_start3A_275 : memref<1x128x16xf32, #tpu.memory_space<vmem>> -> memref<128x16xf32, #tpu.memory_space<vmem>>
    %dma_start3A_277 = arith.constant 0 : i32
    %dma_start3A_278 = tpu.memref_slice %arg6[%dma_start3A_271, %dma_start3A_277] : memref<24x128xi32, #tpu.memory_space<vmem>> -> memref<1x128xi32, #tpu.memory_space<vmem>>
    %dma_start3A_279 = tpu.memref_squeeze %dma_start3A_278 : memref<1x128xi32, #tpu.memory_space<vmem>> -> memref<128xi32, #tpu.memory_space<vmem>>
    %dma_start3A_280 = arith.constant 0 : i32
    %dma_start3A_281 = arith.constant 0 : i32
    %dma_start3A_282 = tpu.memref_slice %arg2[%dma_start3A_280, %dma_start3A_281] : memref<3488x16xf32, #tpu.memory_space<hbm>> -> memref<3488x16xf32, #tpu.memory_space<hbm>>
    tpu.enqueue_indirect_dma source(%dma_start3A_282 : memref<3488x16xf32, #tpu.memory_space<hbm>>) target(%dma_start3A_276 : memref<128x16xf32, #tpu.memory_space<vmem>>) offsets(%dma_start3A_279 : memref<128xi32, #tpu.memory_space<vmem>>) semaphore(%arg8 : memref<!tpu.dma_semaphore, #tpu.memory_space<semaphore_mem>>)
    %dma_start3A_283 = arith.constant 20 : i32
    %dma_start3A_284 = arith.constant 20 : i32
    %dma_start3A_285 = arith.constant 0 : i32
    %dma_start3A_286 = arith.constant 0 : i32
    %dma_start3A_287 = tpu.memref_slice %arg7[%dma_start3A_284, %dma_start3A_285, %dma_start3A_286] : memref<24x128x16xf32, #tpu.memory_space<vmem>> -> memref<1x128x16xf32, #tpu.memory_space<vmem>>
    %dma_start3A_288 = tpu.memref_squeeze %dma_start3A_287 : memref<1x128x16xf32, #tpu.memory_space<vmem>> -> memref<128x16xf32, #tpu.memory_space<vmem>>
    %dma_start3A_289 = arith.constant 0 : i32
    %dma_start3A_290 = tpu.memref_slice %arg6[%dma_start3A_283, %dma_start3A_289] : memref<24x128xi32, #tpu.memory_space<vmem>> -> memref<1x128xi32, #tpu.memory_space<vmem>>
    %dma_start3A_291 = tpu.memref_squeeze %dma_start3A_290 : memref<1x128xi32, #tpu.memory_space<vmem>> -> memref<128xi32, #tpu.memory_space<vmem>>
    %dma_start3A_292 = arith.constant 0 : i32
    %dma_start3A_293 = arith.constant 0 : i32
    %dma_start3A_294 = tpu.memref_slice %arg2[%dma_start3A_292, %dma_start3A_293] : memref<3488x16xf32, #tpu.memory_space<hbm>> -> memref<3488x16xf32, #tpu.memory_space<hbm>>
    tpu.enqueue_indirect_dma source(%dma_start3A_294 : memref<3488x16xf32, #tpu.memory_space<hbm>>) target(%dma_start3A_288 : memref<128x16xf32, #tpu.memory_space<vmem>>) offsets(%dma_start3A_291 : memref<128xi32, #tpu.memory_space<vmem>>) semaphore(%arg8 : memref<!tpu.dma_semaphore, #tpu.memory_space<semaphore_mem>>)
    %dma_start3A_295 = arith.constant 21 : i32
    %dma_start3A_296 = arith.constant 21 : i32
    %dma_start3A_297 = arith.constant 0 : i32
    %dma_start3A_298 = arith.constant 0 : i32
    %dma_start3A_299 = tpu.memref_slice %arg7[%dma_start3A_296, %dma_start3A_297, %dma_start3A_298] : memref<24x128x16xf32, #tpu.memory_space<vmem>> -> memref<1x128x16xf32, #tpu.memory_space<vmem>>
    %dma_start3A_300 = tpu.memref_squeeze %dma_start3A_299 : memref<1x128x16xf32, #tpu.memory_space<vmem>> -> memref<128x16xf32, #tpu.memory_space<vmem>>
    %dma_start3A_301 = arith.constant 0 : i32
    %dma_start3A_302 = tpu.memref_slice %arg6[%dma_start3A_295, %dma_start3A_301] : memref<24x128xi32, #tpu.memory_space<vmem>> -> memref<1x128xi32, #tpu.memory_space<vmem>>
    %dma_start3A_303 = tpu.memref_squeeze %dma_start3A_302 : memref<1x128xi32, #tpu.memory_space<vmem>> -> memref<128xi32, #tpu.memory_space<vmem>>
    %dma_start3A_304 = arith.constant 0 : i32
    %dma_start3A_305 = arith.constant 0 : i32
    %dma_start3A_306 = tpu.memref_slice %arg2[%dma_start3A_304, %dma_start3A_305] : memref<3488x16xf32, #tpu.memory_space<hbm>> -> memref<3488x16xf32, #tpu.memory_space<hbm>>
    tpu.enqueue_indirect_dma source(%dma_start3A_306 : memref<3488x16xf32, #tpu.memory_space<hbm>>) target(%dma_start3A_300 : memref<128x16xf32, #tpu.memory_space<vmem>>) offsets(%dma_start3A_303 : memref<128xi32, #tpu.memory_space<vmem>>) semaphore(%arg8 : memref<!tpu.dma_semaphore, #tpu.memory_space<semaphore_mem>>)
    %dma_start3A_307 = arith.constant 22 : i32
    %dma_start3A_308 = arith.constant 22 : i32
    %dma_start3A_309 = arith.constant 0 : i32
    %dma_start3A_310 = arith.constant 0 : i32
    %dma_start3A_311 = tpu.memref_slice %arg7[%dma_start3A_308, %dma_start3A_309, %dma_start3A_310] : memref<24x128x16xf32, #tpu.memory_space<vmem>> -> memref<1x128x16xf32, #tpu.memory_space<vmem>>
    %dma_start3A_312 = tpu.memref_squeeze %dma_start3A_311 : memref<1x128x16xf32, #tpu.memory_space<vmem>> -> memref<128x16xf32, #tpu.memory_space<vmem>>
    %dma_start3A_313 = arith.constant 0 : i32
    %dma_start3A_314 = tpu.memref_slice %arg6[%dma_start3A_307, %dma_start3A_313] : memref<24x128xi32, #tpu.memory_space<vmem>> -> memref<1x128xi32, #tpu.memory_space<vmem>>
    %dma_start3A_315 = tpu.memref_squeeze %dma_start3A_314 : memref<1x128xi32, #tpu.memory_space<vmem>> -> memref<128xi32, #tpu.memory_space<vmem>>
    %dma_start3A_316 = arith.constant 0 : i32
    %dma_start3A_317 = arith.constant 0 : i32
    %dma_start3A_318 = tpu.memref_slice %arg2[%dma_start3A_316, %dma_start3A_317] : memref<3488x16xf32, #tpu.memory_space<hbm>> -> memref<3488x16xf32, #tpu.memory_space<hbm>>
    tpu.enqueue_indirect_dma source(%dma_start3A_318 : memref<3488x16xf32, #tpu.memory_space<hbm>>) target(%dma_start3A_312 : memref<128x16xf32, #tpu.memory_space<vmem>>) offsets(%dma_start3A_315 : memref<128xi32, #tpu.memory_space<vmem>>) semaphore(%arg8 : memref<!tpu.dma_semaphore, #tpu.memory_space<semaphore_mem>>)
    %dma_start3A_319 = arith.constant 23 : i32
    %dma_start3A_320 = arith.constant 23 : i32
    %dma_start3A_321 = arith.constant 0 : i32
    %dma_start3A_322 = arith.constant 0 : i32
    %dma_start3A_323 = tpu.memref_slice %arg7[%dma_start3A_320, %dma_start3A_321, %dma_start3A_322] : memref<24x128x16xf32, #tpu.memory_space<vmem>> -> memref<1x128x16xf32, #tpu.memory_space<vmem>>
    %dma_start3A_324 = tpu.memref_squeeze %dma_start3A_323 : memref<1x128x16xf32, #tpu.memory_space<vmem>> -> memref<128x16xf32, #tpu.memory_space<vmem>>
    %dma_start3A_325 = arith.constant 0 : i32
    %dma_start3A_326 = tpu.memref_slice %arg6[%dma_start3A_319, %dma_start3A_325] : memref<24x128xi32, #tpu.memory_space<vmem>> -> memref<1x128xi32, #tpu.memory_space<vmem>>
    %dma_start3A_327 = tpu.memref_squeeze %dma_start3A_326 : memref<1x128xi32, #tpu.memory_space<vmem>> -> memref<128xi32, #tpu.memory_space<vmem>>
    %dma_start3A_328 = arith.constant 0 : i32
    %dma_start3A_329 = arith.constant 0 : i32
    %dma_start3A_330 = tpu.memref_slice %arg2[%dma_start3A_328, %dma_start3A_329] : memref<3488x16xf32, #tpu.memory_space<hbm>> -> memref<3488x16xf32, #tpu.memory_space<hbm>>
    tpu.enqueue_indirect_dma source(%dma_start3A_330 : memref<3488x16xf32, #tpu.memory_space<hbm>>) target(%dma_start3A_324 : memref<128x16xf32, #tpu.memory_space<vmem>>) offsets(%dma_start3A_327 : memref<128xi32, #tpu.memory_space<vmem>>) semaphore(%arg8 : memref<!tpu.dma_semaphore, #tpu.memory_space<semaphore_mem>>)
    %dma_wait3A = arith.constant 0 : i32
    %dma_wait3A_331 = arith.constant 0 : i32
    %dma_wait3A_332 = arith.constant 0 : i32
    %dma_wait3A_333 = arith.constant 0 : i32
    %dma_wait3A_334 = tpu.memref_slice %arg7[%dma_wait3A_331, %dma_wait3A_332, %dma_wait3A_333] : memref<24x128x16xf32, #tpu.memory_space<vmem>> -> memref<1x128x16xf32, #tpu.memory_space<vmem>>
    %dma_wait3A_335 = tpu.memref_squeeze %dma_wait3A_334 : memref<1x128x16xf32, #tpu.memory_space<vmem>> -> memref<128x16xf32, #tpu.memory_space<vmem>>
    %dma_wait3A_336 = arith.constant 0 : i32
    %dma_wait3A_337 = tpu.memref_slice %arg6[%dma_wait3A, %dma_wait3A_336] : memref<24x128xi32, #tpu.memory_space<vmem>> -> memref<1x128xi32, #tpu.memory_space<vmem>>
    %dma_wait3A_338 = tpu.memref_squeeze %dma_wait3A_337 : memref<1x128xi32, #tpu.memory_space<vmem>> -> memref<128xi32, #tpu.memory_space<vmem>>
    %dma_wait3A_339 = arith.constant 0 : i32
    %dma_wait3A_340 = arith.constant 0 : i32
    %dma_wait3A_341 = tpu.memref_slice %arg2[%dma_wait3A_339, %dma_wait3A_340] : memref<3488x16xf32, #tpu.memory_space<hbm>> -> memref<3488x16xf32, #tpu.memory_space<hbm>>
    tpu.wait_indirect_dma semaphore(%arg8 : memref<!tpu.dma_semaphore, #tpu.memory_space<semaphore_mem>>) src(%dma_wait3A_341 : memref<3488x16xf32, #tpu.memory_space<hbm>>) dst(%dma_wait3A_335 : memref<128x16xf32, #tpu.memory_space<vmem>>)
    %mul3A_342 = arith.constant 3072 : i32
    %mul3A_343 = arith.muli %add3A, %mul3A_342 : i32
    %add3A_344 = arith.constant 0 : i32
    %add3A_345 = arith.addi %mul3A_343, %add3A_344 : i32
    %dma_start3A_346 = arith.constant 0 : i32
    %dma_start3A_347 = arith.constant 0 : i32
    %dma_start3A_348 = arith.constant 0 : i32
    %dma_start3A_349 = tpu.memref_slice %arg7[%dma_start3A_346, %dma_start3A_347, %dma_start3A_348] : memref<24x128x16xf32, #tpu.memory_space<vmem>> -> memref<1x128x16xf32, #tpu.memory_space<vmem>>
    %dma_start3A_350 = tpu.memref_squeeze %dma_start3A_349 : memref<1x128x16xf32, #tpu.memory_space<vmem>> -> memref<128x16xf32, #tpu.memory_space<vmem>>
    %dma_start3A_351 = arith.constant 0 : i32
    %dma_start3A_352 = tpu.memref_slice %arg4[%add3A_345, %dma_start3A_351] : memref<98304x16xf32, #tpu.memory_space<hbm>> -> memref<128x16xf32, #tpu.memory_space<hbm>>
    %dma_start3A_353 = arith.constant 0 : i32
    %dma_start3A_354 = tpu.memref_slice %arg4[%add3A_345, %dma_start3A_353] : memref<98304x16xf32, #tpu.memory_space<hbm>> -> memref<128x16xf32, #tpu.memory_space<hbm>>
    %dma_start3A_355 = arith.constant 0 : i32
    %dma_start3A_356 = arith.constant 0 : i32
    %dma_start3A_357 = tpu.memref_slice %arg7[%dma_start3A_346, %dma_start3A_355, %dma_start3A_356] : memref<24x128x16xf32, #tpu.memory_space<vmem>> -> memref<1x128x16xf32, #tpu.memory_space<vmem>>
    %dma_start3A_358 = tpu.memref_squeeze %dma_start3A_357 : memref<1x128x16xf32, #tpu.memory_space<vmem>> -> memref<128x16xf32, #tpu.memory_space<vmem>>
    tpu.enqueue_dma source(%dma_start3A_358 : memref<128x16xf32, #tpu.memory_space<vmem>>) target(%dma_start3A_354 : memref<128x16xf32, #tpu.memory_space<hbm>>) target_semaphore(%arg9 : memref<!tpu.dma_semaphore, #tpu.memory_space<semaphore_mem>>)
    %dma_wait3A_359 = arith.constant 1 : i32
    %dma_wait3A_360 = arith.constant 1 : i32
    %dma_wait3A_361 = arith.constant 0 : i32
    %dma_wait3A_362 = arith.constant 0 : i32
    %dma_wait3A_363 = tpu.memref_slice %arg7[%dma_wait3A_360, %dma_wait3A_361, %dma_wait3A_362] : memref<24x128x16xf32, #tpu.memory_space<vmem>> -> memref<1x128x16xf32, #tpu.memory_space<vmem>>
    %dma_wait3A_364 = tpu.memref_squeeze %dma_wait3A_363 : memref<1x128x16xf32, #tpu.memory_space<vmem>> -> memref<128x16xf32, #tpu.memory_space<vmem>>
    %dma_wait3A_365 = arith.constant 0 : i32
    %dma_wait3A_366 = tpu.memref_slice %arg6[%dma_wait3A_359, %dma_wait3A_365] : memref<24x128xi32, #tpu.memory_space<vmem>> -> memref<1x128xi32, #tpu.memory_space<vmem>>
    %dma_wait3A_367 = tpu.memref_squeeze %dma_wait3A_366 : memref<1x128xi32, #tpu.memory_space<vmem>> -> memref<128xi32, #tpu.memory_space<vmem>>
    %dma_wait3A_368 = arith.constant 0 : i32
    %dma_wait3A_369 = arith.constant 0 : i32
    %dma_wait3A_370 = tpu.memref_slice %arg2[%dma_wait3A_368, %dma_wait3A_369] : memref<3488x16xf32, #tpu.memory_space<hbm>> -> memref<3488x16xf32, #tpu.memory_space<hbm>>
    tpu.wait_indirect_dma semaphore(%arg8 : memref<!tpu.dma_semaphore, #tpu.memory_space<semaphore_mem>>) src(%dma_wait3A_370 : memref<3488x16xf32, #tpu.memory_space<hbm>>) dst(%dma_wait3A_364 : memref<128x16xf32, #tpu.memory_space<vmem>>)
    %mul3A_371 = arith.constant 3072 : i32
    %mul3A_372 = arith.muli %add3A, %mul3A_371 : i32
    %add3A_373 = arith.constant 128 : i32
    %add3A_374 = arith.addi %mul3A_372, %add3A_373 : i32
    %dma_start3A_375 = arith.constant 1 : i32
    %dma_start3A_376 = arith.constant 0 : i32
    %dma_start3A_377 = arith.constant 0 : i32
    %dma_start3A_378 = tpu.memref_slice %arg7[%dma_start3A_375, %dma_start3A_376, %dma_start3A_377] : memref<24x128x16xf32, #tpu.memory_space<vmem>> -> memref<1x128x16xf32, #tpu.memory_space<vmem>>
    %dma_start3A_379 = tpu.memref_squeeze %dma_start3A_378 : memref<1x128x16xf32, #tpu.memory_space<vmem>> -> memref<128x16xf32, #tpu.memory_space<vmem>>
    %dma_start3A_380 = arith.constant 0 : i32
    %dma_start3A_381 = tpu.memref_slice %arg4[%add3A_374, %dma_start3A_380] : memref<98304x16xf32, #tpu.memory_space<hbm>> -> memref<128x16xf32, #tpu.memory_space<hbm>>
    %dma_start3A_382 = arith.constant 0 : i32
    %dma_start3A_383 = tpu.memref_slice %arg4[%add3A_374, %dma_start3A_382] : memref<98304x16xf32, #tpu.memory_space<hbm>> -> memref<128x16xf32, #tpu.memory_space<hbm>>
    %dma_start3A_384 = arith.constant 0 : i32
    %dma_start3A_385 = arith.constant 0 : i32
    %dma_start3A_386 = tpu.memref_slice %arg7[%dma_start3A_375, %dma_start3A_384, %dma_start3A_385] : memref<24x128x16xf32, #tpu.memory_space<vmem>> -> memref<1x128x16xf32, #tpu.memory_space<vmem>>
    %dma_start3A_387 = tpu.memref_squeeze %dma_start3A_386 : memref<1x128x16xf32, #tpu.memory_space<vmem>> -> memref<128x16xf32, #tpu.memory_space<vmem>>
    tpu.enqueue_dma source(%dma_start3A_387 : memref<128x16xf32, #tpu.memory_space<vmem>>) target(%dma_start3A_383 : memref<128x16xf32, #tpu.memory_space<hbm>>) target_semaphore(%arg9 : memref<!tpu.dma_semaphore, #tpu.memory_space<semaphore_mem>>)
    %dma_wait3A_388 = arith.constant 2 : i32
    %dma_wait3A_389 = arith.constant 2 : i32
    %dma_wait3A_390 = arith.constant 0 : i32
    %dma_wait3A_391 = arith.constant 0 : i32
    %dma_wait3A_392 = tpu.memref_slice %arg7[%dma_wait3A_389, %dma_wait3A_390, %dma_wait3A_391] : memref<24x128x16xf32, #tpu.memory_space<vmem>> -> memref<1x128x16xf32, #tpu.memory_space<vmem>>
    %dma_wait3A_393 = tpu.memref_squeeze %dma_wait3A_392 : memref<1x128x16xf32, #tpu.memory_space<vmem>> -> memref<128x16xf32, #tpu.memory_space<vmem>>
    %dma_wait3A_394 = arith.constant 0 : i32
    %dma_wait3A_395 = tpu.memref_slice %arg6[%dma_wait3A_388, %dma_wait3A_394] : memref<24x128xi32, #tpu.memory_space<vmem>> -> memref<1x128xi32, #tpu.memory_space<vmem>>
    %dma_wait3A_396 = tpu.memref_squeeze %dma_wait3A_395 : memref<1x128xi32, #tpu.memory_space<vmem>> -> memref<128xi32, #tpu.memory_space<vmem>>
    %dma_wait3A_397 = arith.constant 0 : i32
    %dma_wait3A_398 = arith.constant 0 : i32
    %dma_wait3A_399 = tpu.memref_slice %arg2[%dma_wait3A_397, %dma_wait3A_398] : memref<3488x16xf32, #tpu.memory_space<hbm>> -> memref<3488x16xf32, #tpu.memory_space<hbm>>
    tpu.wait_indirect_dma semaphore(%arg8 : memref<!tpu.dma_semaphore, #tpu.memory_space<semaphore_mem>>) src(%dma_wait3A_399 : memref<3488x16xf32, #tpu.memory_space<hbm>>) dst(%dma_wait3A_393 : memref<128x16xf32, #tpu.memory_space<vmem>>)
    %mul3A_400 = arith.constant 3072 : i32
    %mul3A_401 = arith.muli %add3A, %mul3A_400 : i32
    %add3A_402 = arith.constant 256 : i32
    %add3A_403 = arith.addi %mul3A_401, %add3A_402 : i32
    %dma_start3A_404 = arith.constant 2 : i32
    %dma_start3A_405 = arith.constant 0 : i32
    %dma_start3A_406 = arith.constant 0 : i32
    %dma_start3A_407 = tpu.memref_slice %arg7[%dma_start3A_404, %dma_start3A_405, %dma_start3A_406] : memref<24x128x16xf32, #tpu.memory_space<vmem>> -> memref<1x128x16xf32, #tpu.memory_space<vmem>>
    %dma_start3A_408 = tpu.memref_squeeze %dma_start3A_407 : memref<1x128x16xf32, #tpu.memory_space<vmem>> -> memref<128x16xf32, #tpu.memory_space<vmem>>
    %dma_start3A_409 = arith.constant 0 : i32
    %dma_start3A_410 = tpu.memref_slice %arg4[%add3A_403, %dma_start3A_409] : memref<98304x16xf32, #tpu.memory_space<hbm>> -> memref<128x16xf32, #tpu.memory_space<hbm>>
    %dma_start3A_411 = arith.constant 0 : i32
    %dma_start3A_412 = tpu.memref_slice %arg4[%add3A_403, %dma_start3A_411] : memref<98304x16xf32, #tpu.memory_space<hbm>> -> memref<128x16xf32, #tpu.memory_space<hbm>>
    %dma_start3A_413 = arith.constant 0 : i32
    %dma_start3A_414 = arith.constant 0 : i32
    %dma_start3A_415 = tpu.memref_slice %arg7[%dma_start3A_404, %dma_start3A_413, %dma_start3A_414] : memref<24x128x16xf32, #tpu.memory_space<vmem>> -> memref<1x128x16xf32, #tpu.memory_space<vmem>>
    %dma_start3A_416 = tpu.memref_squeeze %dma_start3A_415 : memref<1x128x16xf32, #tpu.memory_space<vmem>> -> memref<128x16xf32, #tpu.memory_space<vmem>>
    tpu.enqueue_dma source(%dma_start3A_416 : memref<128x16xf32, #tpu.memory_space<vmem>>) target(%dma_start3A_412 : memref<128x16xf32, #tpu.memory_space<hbm>>) target_semaphore(%arg9 : memref<!tpu.dma_semaphore, #tpu.memory_space<semaphore_mem>>)
    %dma_wait3A_417 = arith.constant 3 : i32
    %dma_wait3A_418 = arith.constant 3 : i32
    %dma_wait3A_419 = arith.constant 0 : i32
    %dma_wait3A_420 = arith.constant 0 : i32
    %dma_wait3A_421 = tpu.memref_slice %arg7[%dma_wait3A_418, %dma_wait3A_419, %dma_wait3A_420] : memref<24x128x16xf32, #tpu.memory_space<vmem>> -> memref<1x128x16xf32, #tpu.memory_space<vmem>>
    %dma_wait3A_422 = tpu.memref_squeeze %dma_wait3A_421 : memref<1x128x16xf32, #tpu.memory_space<vmem>> -> memref<128x16xf32, #tpu.memory_space<vmem>>
    %dma_wait3A_423 = arith.constant 0 : i32
    %dma_wait3A_424 = tpu.memref_slice %arg6[%dma_wait3A_417, %dma_wait3A_423] : memref<24x128xi32, #tpu.memory_space<vmem>> -> memref<1x128xi32, #tpu.memory_space<vmem>>
    %dma_wait3A_425 = tpu.memref_squeeze %dma_wait3A_424 : memref<1x128xi32, #tpu.memory_space<vmem>> -> memref<128xi32, #tpu.memory_space<vmem>>
    %dma_wait3A_426 = arith.constant 0 : i32
    %dma_wait3A_427 = arith.constant 0 : i32
    %dma_wait3A_428 = tpu.memref_slice %arg2[%dma_wait3A_426, %dma_wait3A_427] : memref<3488x16xf32, #tpu.memory_space<hbm>> -> memref<3488x16xf32, #tpu.memory_space<hbm>>
    tpu.wait_indirect_dma semaphore(%arg8 : memref<!tpu.dma_semaphore, #tpu.memory_space<semaphore_mem>>) src(%dma_wait3A_428 : memref<3488x16xf32, #tpu.memory_space<hbm>>) dst(%dma_wait3A_422 : memref<128x16xf32, #tpu.memory_space<vmem>>)
    %mul3A_429 = arith.constant 3072 : i32
    %mul3A_430 = arith.muli %add3A, %mul3A_429 : i32
    %add3A_431 = arith.constant 384 : i32
    %add3A_432 = arith.addi %mul3A_430, %add3A_431 : i32
    %dma_start3A_433 = arith.constant 3 : i32
    %dma_start3A_434 = arith.constant 0 : i32
    %dma_start3A_435 = arith.constant 0 : i32
    %dma_start3A_436 = tpu.memref_slice %arg7[%dma_start3A_433, %dma_start3A_434, %dma_start3A_435] : memref<24x128x16xf32, #tpu.memory_space<vmem>> -> memref<1x128x16xf32, #tpu.memory_space<vmem>>
    %dma_start3A_437 = tpu.memref_squeeze %dma_start3A_436 : memref<1x128x16xf32, #tpu.memory_space<vmem>> -> memref<128x16xf32, #tpu.memory_space<vmem>>
    %dma_start3A_438 = arith.constant 0 : i32
    %dma_start3A_439 = tpu.memref_slice %arg4[%add3A_432, %dma_start3A_438] : memref<98304x16xf32, #tpu.memory_space<hbm>> -> memref<128x16xf32, #tpu.memory_space<hbm>>
    %dma_start3A_440 = arith.constant 0 : i32
    %dma_start3A_441 = tpu.memref_slice %arg4[%add3A_432, %dma_start3A_440] : memref<98304x16xf32, #tpu.memory_space<hbm>> -> memref<128x16xf32, #tpu.memory_space<hbm>>
    %dma_start3A_442 = arith.constant 0 : i32
    %dma_start3A_443 = arith.constant 0 : i32
    %dma_start3A_444 = tpu.memref_slice %arg7[%dma_start3A_433, %dma_start3A_442, %dma_start3A_443] : memref<24x128x16xf32, #tpu.memory_space<vmem>> -> memref<1x128x16xf32, #tpu.memory_space<vmem>>
    %dma_start3A_445 = tpu.memref_squeeze %dma_start3A_444 : memref<1x128x16xf32, #tpu.memory_space<vmem>> -> memref<128x16xf32, #tpu.memory_space<vmem>>
    tpu.enqueue_dma source(%dma_start3A_445 : memref<128x16xf32, #tpu.memory_space<vmem>>) target(%dma_start3A_441 : memref<128x16xf32, #tpu.memory_space<hbm>>) target_semaphore(%arg9 : memref<!tpu.dma_semaphore, #tpu.memory_space<semaphore_mem>>)
    %dma_wait3A_446 = arith.constant 4 : i32
    %dma_wait3A_447 = arith.constant 4 : i32
    %dma_wait3A_448 = arith.constant 0 : i32
    %dma_wait3A_449 = arith.constant 0 : i32
    %dma_wait3A_450 = tpu.memref_slice %arg7[%dma_wait3A_447, %dma_wait3A_448, %dma_wait3A_449] : memref<24x128x16xf32, #tpu.memory_space<vmem>> -> memref<1x128x16xf32, #tpu.memory_space<vmem>>
    %dma_wait3A_451 = tpu.memref_squeeze %dma_wait3A_450 : memref<1x128x16xf32, #tpu.memory_space<vmem>> -> memref<128x16xf32, #tpu.memory_space<vmem>>
    %dma_wait3A_452 = arith.constant 0 : i32
    %dma_wait3A_453 = tpu.memref_slice %arg6[%dma_wait3A_446, %dma_wait3A_452] : memref<24x128xi32, #tpu.memory_space<vmem>> -> memref<1x128xi32, #tpu.memory_space<vmem>>
    %dma_wait3A_454 = tpu.memref_squeeze %dma_wait3A_453 : memref<1x128xi32, #tpu.memory_space<vmem>> -> memref<128xi32, #tpu.memory_space<vmem>>
    %dma_wait3A_455 = arith.constant 0 : i32
    %dma_wait3A_456 = arith.constant 0 : i32
    %dma_wait3A_457 = tpu.memref_slice %arg2[%dma_wait3A_455, %dma_wait3A_456] : memref<3488x16xf32, #tpu.memory_space<hbm>> -> memref<3488x16xf32, #tpu.memory_space<hbm>>
    tpu.wait_indirect_dma semaphore(%arg8 : memref<!tpu.dma_semaphore, #tpu.memory_space<semaphore_mem>>) src(%dma_wait3A_457 : memref<3488x16xf32, #tpu.memory_space<hbm>>) dst(%dma_wait3A_451 : memref<128x16xf32, #tpu.memory_space<vmem>>)
    %mul3A_458 = arith.constant 3072 : i32
    %mul3A_459 = arith.muli %add3A, %mul3A_458 : i32
    %add3A_460 = arith.constant 512 : i32
    %add3A_461 = arith.addi %mul3A_459, %add3A_460 : i32
    %dma_start3A_462 = arith.constant 4 : i32
    %dma_start3A_463 = arith.constant 0 : i32
    %dma_start3A_464 = arith.constant 0 : i32
    %dma_start3A_465 = tpu.memref_slice %arg7[%dma_start3A_462, %dma_start3A_463, %dma_start3A_464] : memref<24x128x16xf32, #tpu.memory_space<vmem>> -> memref<1x128x16xf32, #tpu.memory_space<vmem>>
    %dma_start3A_466 = tpu.memref_squeeze %dma_start3A_465 : memref<1x128x16xf32, #tpu.memory_space<vmem>> -> memref<128x16xf32, #tpu.memory_space<vmem>>
    %dma_start3A_467 = arith.constant 0 : i32
    %dma_start3A_468 = tpu.memref_slice %arg4[%add3A_461, %dma_start3A_467] : memref<98304x16xf32, #tpu.memory_space<hbm>> -> memref<128x16xf32, #tpu.memory_space<hbm>>
    %dma_start3A_469 = arith.constant 0 : i32
    %dma_start3A_470 = tpu.memref_slice %arg4[%add3A_461, %dma_start3A_469] : memref<98304x16xf32, #tpu.memory_space<hbm>> -> memref<128x16xf32, #tpu.memory_space<hbm>>
    %dma_start3A_471 = arith.constant 0 : i32
    %dma_start3A_472 = arith.constant 0 : i32
    %dma_start3A_473 = tpu.memref_slice %arg7[%dma_start3A_462, %dma_start3A_471, %dma_start3A_472] : memref<24x128x16xf32, #tpu.memory_space<vmem>> -> memref<1x128x16xf32, #tpu.memory_space<vmem>>
    %dma_start3A_474 = tpu.memref_squeeze %dma_start3A_473 : memref<1x128x16xf32, #tpu.memory_space<vmem>> -> memref<128x16xf32, #tpu.memory_space<vmem>>
    tpu.enqueue_dma source(%dma_start3A_474 : memref<128x16xf32, #tpu.memory_space<vmem>>) target(%dma_start3A_470 : memref<128x16xf32, #tpu.memory_space<hbm>>) target_semaphore(%arg9 : memref<!tpu.dma_semaphore, #tpu.memory_space<semaphore_mem>>)
    %dma_wait3A_475 = arith.constant 5 : i32
    %dma_wait3A_476 = arith.constant 5 : i32
    %dma_wait3A_477 = arith.constant 0 : i32
    %dma_wait3A_478 = arith.constant 0 : i32
    %dma_wait3A_479 = tpu.memref_slice %arg7[%dma_wait3A_476, %dma_wait3A_477, %dma_wait3A_478] : memref<24x128x16xf32, #tpu.memory_space<vmem>> -> memref<1x128x16xf32, #tpu.memory_space<vmem>>
    %dma_wait3A_480 = tpu.memref_squeeze %dma_wait3A_479 : memref<1x128x16xf32, #tpu.memory_space<vmem>> -> memref<128x16xf32, #tpu.memory_space<vmem>>
    %dma_wait3A_481 = arith.constant 0 : i32
    %dma_wait3A_482 = tpu.memref_slice %arg6[%dma_wait3A_475, %dma_wait3A_481] : memref<24x128xi32, #tpu.memory_space<vmem>> -> memref<1x128xi32, #tpu.memory_space<vmem>>
    %dma_wait3A_483 = tpu.memref_squeeze %dma_wait3A_482 : memref<1x128xi32, #tpu.memory_space<vmem>> -> memref<128xi32, #tpu.memory_space<vmem>>
    %dma_wait3A_484 = arith.constant 0 : i32
    %dma_wait3A_485 = arith.constant 0 : i32
    %dma_wait3A_486 = tpu.memref_slice %arg2[%dma_wait3A_484, %dma_wait3A_485] : memref<3488x16xf32, #tpu.memory_space<hbm>> -> memref<3488x16xf32, #tpu.memory_space<hbm>>
    tpu.wait_indirect_dma semaphore(%arg8 : memref<!tpu.dma_semaphore, #tpu.memory_space<semaphore_mem>>) src(%dma_wait3A_486 : memref<3488x16xf32, #tpu.memory_space<hbm>>) dst(%dma_wait3A_480 : memref<128x16xf32, #tpu.memory_space<vmem>>)
    %mul3A_487 = arith.constant 3072 : i32
    %mul3A_488 = arith.muli %add3A, %mul3A_487 : i32
    %add3A_489 = arith.constant 640 : i32
    %add3A_490 = arith.addi %mul3A_488, %add3A_489 : i32
    %dma_start3A_491 = arith.constant 5 : i32
    %dma_start3A_492 = arith.constant 0 : i32
    %dma_start3A_493 = arith.constant 0 : i32
    %dma_start3A_494 = tpu.memref_slice %arg7[%dma_start3A_491, %dma_start3A_492, %dma_start3A_493] : memref<24x128x16xf32, #tpu.memory_space<vmem>> -> memref<1x128x16xf32, #tpu.memory_space<vmem>>
    %dma_start3A_495 = tpu.memref_squeeze %dma_start3A_494 : memref<1x128x16xf32, #tpu.memory_space<vmem>> -> memref<128x16xf32, #tpu.memory_space<vmem>>
    %dma_start3A_496 = arith.constant 0 : i32
    %dma_start3A_497 = tpu.memref_slice %arg4[%add3A_490, %dma_start3A_496] : memref<98304x16xf32, #tpu.memory_space<hbm>> -> memref<128x16xf32, #tpu.memory_space<hbm>>
    %dma_start3A_498 = arith.constant 0 : i32
    %dma_start3A_499 = tpu.memref_slice %arg4[%add3A_490, %dma_start3A_498] : memref<98304x16xf32, #tpu.memory_space<hbm>> -> memref<128x16xf32, #tpu.memory_space<hbm>>
    %dma_start3A_500 = arith.constant 0 : i32
    %dma_start3A_501 = arith.constant 0 : i32
    %dma_start3A_502 = tpu.memref_slice %arg7[%dma_start3A_491, %dma_start3A_500, %dma_start3A_501] : memref<24x128x16xf32, #tpu.memory_space<vmem>> -> memref<1x128x16xf32, #tpu.memory_space<vmem>>
    %dma_start3A_503 = tpu.memref_squeeze %dma_start3A_502 : memref<1x128x16xf32, #tpu.memory_space<vmem>> -> memref<128x16xf32, #tpu.memory_space<vmem>>
    tpu.enqueue_dma source(%dma_start3A_503 : memref<128x16xf32, #tpu.memory_space<vmem>>) target(%dma_start3A_499 : memref<128x16xf32, #tpu.memory_space<hbm>>) target_semaphore(%arg9 : memref<!tpu.dma_semaphore, #tpu.memory_space<semaphore_mem>>)
    %dma_wait3A_504 = arith.constant 6 : i32
    %dma_wait3A_505 = arith.constant 6 : i32
    %dma_wait3A_506 = arith.constant 0 : i32
    %dma_wait3A_507 = arith.constant 0 : i32
    %dma_wait3A_508 = tpu.memref_slice %arg7[%dma_wait3A_505, %dma_wait3A_506, %dma_wait3A_507] : memref<24x128x16xf32, #tpu.memory_space<vmem>> -> memref<1x128x16xf32, #tpu.memory_space<vmem>>
    %dma_wait3A_509 = tpu.memref_squeeze %dma_wait3A_508 : memref<1x128x16xf32, #tpu.memory_space<vmem>> -> memref<128x16xf32, #tpu.memory_space<vmem>>
    %dma_wait3A_510 = arith.constant 0 : i32
    %dma_wait3A_511 = tpu.memref_slice %arg6[%dma_wait3A_504, %dma_wait3A_510] : memref<24x128xi32, #tpu.memory_space<vmem>> -> memref<1x128xi32, #tpu.memory_space<vmem>>
    %dma_wait3A_512 = tpu.memref_squeeze %dma_wait3A_511 : memref<1x128xi32, #tpu.memory_space<vmem>> -> memref<128xi32, #tpu.memory_space<vmem>>
    %dma_wait3A_513 = arith.constant 0 : i32
    %dma_wait3A_514 = arith.constant 0 : i32
    %dma_wait3A_515 = tpu.memref_slice %arg2[%dma_wait3A_513, %dma_wait3A_514] : memref<3488x16xf32, #tpu.memory_space<hbm>> -> memref<3488x16xf32, #tpu.memory_space<hbm>>
    tpu.wait_indirect_dma semaphore(%arg8 : memref<!tpu.dma_semaphore, #tpu.memory_space<semaphore_mem>>) src(%dma_wait3A_515 : memref<3488x16xf32, #tpu.memory_space<hbm>>) dst(%dma_wait3A_509 : memref<128x16xf32, #tpu.memory_space<vmem>>)
    %mul3A_516 = arith.constant 3072 : i32
    %mul3A_517 = arith.muli %add3A, %mul3A_516 : i32
    %add3A_518 = arith.constant 768 : i32
    %add3A_519 = arith.addi %mul3A_517, %add3A_518 : i32
    %dma_start3A_520 = arith.constant 6 : i32
    %dma_start3A_521 = arith.constant 0 : i32
    %dma_start3A_522 = arith.constant 0 : i32
    %dma_start3A_523 = tpu.memref_slice %arg7[%dma_start3A_520, %dma_start3A_521, %dma_start3A_522] : memref<24x128x16xf32, #tpu.memory_space<vmem>> -> memref<1x128x16xf32, #tpu.memory_space<vmem>>
    %dma_start3A_524 = tpu.memref_squeeze %dma_start3A_523 : memref<1x128x16xf32, #tpu.memory_space<vmem>> -> memref<128x16xf32, #tpu.memory_space<vmem>>
    %dma_start3A_525 = arith.constant 0 : i32
    %dma_start3A_526 = tpu.memref_slice %arg4[%add3A_519, %dma_start3A_525] : memref<98304x16xf32, #tpu.memory_space<hbm>> -> memref<128x16xf32, #tpu.memory_space<hbm>>
    %dma_start3A_527 = arith.constant 0 : i32
    %dma_start3A_528 = tpu.memref_slice %arg4[%add3A_519, %dma_start3A_527] : memref<98304x16xf32, #tpu.memory_space<hbm>> -> memref<128x16xf32, #tpu.memory_space<hbm>>
    %dma_start3A_529 = arith.constant 0 : i32
    %dma_start3A_530 = arith.constant 0 : i32
    %dma_start3A_531 = tpu.memref_slice %arg7[%dma_start3A_520, %dma_start3A_529, %dma_start3A_530] : memref<24x128x16xf32, #tpu.memory_space<vmem>> -> memref<1x128x16xf32, #tpu.memory_space<vmem>>
    %dma_start3A_532 = tpu.memref_squeeze %dma_start3A_531 : memref<1x128x16xf32, #tpu.memory_space<vmem>> -> memref<128x16xf32, #tpu.memory_space<vmem>>
    tpu.enqueue_dma source(%dma_start3A_532 : memref<128x16xf32, #tpu.memory_space<vmem>>) target(%dma_start3A_528 : memref<128x16xf32, #tpu.memory_space<hbm>>) target_semaphore(%arg9 : memref<!tpu.dma_semaphore, #tpu.memory_space<semaphore_mem>>)
    %dma_wait3A_533 = arith.constant 7 : i32
    %dma_wait3A_534 = arith.constant 7 : i32
    %dma_wait3A_535 = arith.constant 0 : i32
    %dma_wait3A_536 = arith.constant 0 : i32
    %dma_wait3A_537 = tpu.memref_slice %arg7[%dma_wait3A_534, %dma_wait3A_535, %dma_wait3A_536] : memref<24x128x16xf32, #tpu.memory_space<vmem>> -> memref<1x128x16xf32, #tpu.memory_space<vmem>>
    %dma_wait3A_538 = tpu.memref_squeeze %dma_wait3A_537 : memref<1x128x16xf32, #tpu.memory_space<vmem>> -> memref<128x16xf32, #tpu.memory_space<vmem>>
    %dma_wait3A_539 = arith.constant 0 : i32
    %dma_wait3A_540 = tpu.memref_slice %arg6[%dma_wait3A_533, %dma_wait3A_539] : memref<24x128xi32, #tpu.memory_space<vmem>> -> memref<1x128xi32, #tpu.memory_space<vmem>>
    %dma_wait3A_541 = tpu.memref_squeeze %dma_wait3A_540 : memref<1x128xi32, #tpu.memory_space<vmem>> -> memref<128xi32, #tpu.memory_space<vmem>>
    %dma_wait3A_542 = arith.constant 0 : i32
    %dma_wait3A_543 = arith.constant 0 : i32
    %dma_wait3A_544 = tpu.memref_slice %arg2[%dma_wait3A_542, %dma_wait3A_543] : memref<3488x16xf32, #tpu.memory_space<hbm>> -> memref<3488x16xf32, #tpu.memory_space<hbm>>
    tpu.wait_indirect_dma semaphore(%arg8 : memref<!tpu.dma_semaphore, #tpu.memory_space<semaphore_mem>>) src(%dma_wait3A_544 : memref<3488x16xf32, #tpu.memory_space<hbm>>) dst(%dma_wait3A_538 : memref<128x16xf32, #tpu.memory_space<vmem>>)
    %mul3A_545 = arith.constant 3072 : i32
    %mul3A_546 = arith.muli %add3A, %mul3A_545 : i32
    %add3A_547 = arith.constant 896 : i32
    %add3A_548 = arith.addi %mul3A_546, %add3A_547 : i32
    %dma_start3A_549 = arith.constant 7 : i32
    %dma_start3A_550 = arith.constant 0 : i32
    %dma_start3A_551 = arith.constant 0 : i32
    %dma_start3A_552 = tpu.memref_slice %arg7[%dma_start3A_549, %dma_start3A_550, %dma_start3A_551] : memref<24x128x16xf32, #tpu.memory_space<vmem>> -> memref<1x128x16xf32, #tpu.memory_space<vmem>>
    %dma_start3A_553 = tpu.memref_squeeze %dma_start3A_552 : memref<1x128x16xf32, #tpu.memory_space<vmem>> -> memref<128x16xf32, #tpu.memory_space<vmem>>
    %dma_start3A_554 = arith.constant 0 : i32
    %dma_start3A_555 = tpu.memref_slice %arg4[%add3A_548, %dma_start3A_554] : memref<98304x16xf32, #tpu.memory_space<hbm>> -> memref<128x16xf32, #tpu.memory_space<hbm>>
    %dma_start3A_556 = arith.constant 0 : i32
    %dma_start3A_557 = tpu.memref_slice %arg4[%add3A_548, %dma_start3A_556] : memref<98304x16xf32, #tpu.memory_space<hbm>> -> memref<128x16xf32, #tpu.memory_space<hbm>>
    %dma_start3A_558 = arith.constant 0 : i32
    %dma_start3A_559 = arith.constant 0 : i32
    %dma_start3A_560 = tpu.memref_slice %arg7[%dma_start3A_549, %dma_start3A_558, %dma_start3A_559] : memref<24x128x16xf32, #tpu.memory_space<vmem>> -> memref<1x128x16xf32, #tpu.memory_space<vmem>>
    %dma_start3A_561 = tpu.memref_squeeze %dma_start3A_560 : memref<1x128x16xf32, #tpu.memory_space<vmem>> -> memref<128x16xf32, #tpu.memory_space<vmem>>
    tpu.enqueue_dma source(%dma_start3A_561 : memref<128x16xf32, #tpu.memory_space<vmem>>) target(%dma_start3A_557 : memref<128x16xf32, #tpu.memory_space<hbm>>) target_semaphore(%arg9 : memref<!tpu.dma_semaphore, #tpu.memory_space<semaphore_mem>>)
    %dma_wait3A_562 = arith.constant 8 : i32
    %dma_wait3A_563 = arith.constant 8 : i32
    %dma_wait3A_564 = arith.constant 0 : i32
    %dma_wait3A_565 = arith.constant 0 : i32
    %dma_wait3A_566 = tpu.memref_slice %arg7[%dma_wait3A_563, %dma_wait3A_564, %dma_wait3A_565] : memref<24x128x16xf32, #tpu.memory_space<vmem>> -> memref<1x128x16xf32, #tpu.memory_space<vmem>>
    %dma_wait3A_567 = tpu.memref_squeeze %dma_wait3A_566 : memref<1x128x16xf32, #tpu.memory_space<vmem>> -> memref<128x16xf32, #tpu.memory_space<vmem>>
    %dma_wait3A_568 = arith.constant 0 : i32
    %dma_wait3A_569 = tpu.memref_slice %arg6[%dma_wait3A_562, %dma_wait3A_568] : memref<24x128xi32, #tpu.memory_space<vmem>> -> memref<1x128xi32, #tpu.memory_space<vmem>>
    %dma_wait3A_570 = tpu.memref_squeeze %dma_wait3A_569 : memref<1x128xi32, #tpu.memory_space<vmem>> -> memref<128xi32, #tpu.memory_space<vmem>>
    %dma_wait3A_571 = arith.constant 0 : i32
    %dma_wait3A_572 = arith.constant 0 : i32
    %dma_wait3A_573 = tpu.memref_slice %arg2[%dma_wait3A_571, %dma_wait3A_572] : memref<3488x16xf32, #tpu.memory_space<hbm>> -> memref<3488x16xf32, #tpu.memory_space<hbm>>
    tpu.wait_indirect_dma semaphore(%arg8 : memref<!tpu.dma_semaphore, #tpu.memory_space<semaphore_mem>>) src(%dma_wait3A_573 : memref<3488x16xf32, #tpu.memory_space<hbm>>) dst(%dma_wait3A_567 : memref<128x16xf32, #tpu.memory_space<vmem>>)
    %mul3A_574 = arith.constant 3072 : i32
    %mul3A_575 = arith.muli %add3A, %mul3A_574 : i32
    %add3A_576 = arith.constant 1024 : i32
    %add3A_577 = arith.addi %mul3A_575, %add3A_576 : i32
    %dma_start3A_578 = arith.constant 8 : i32
    %dma_start3A_579 = arith.constant 0 : i32
    %dma_start3A_580 = arith.constant 0 : i32
    %dma_start3A_581 = tpu.memref_slice %arg7[%dma_start3A_578, %dma_start3A_579, %dma_start3A_580] : memref<24x128x16xf32, #tpu.memory_space<vmem>> -> memref<1x128x16xf32, #tpu.memory_space<vmem>>
    %dma_start3A_582 = tpu.memref_squeeze %dma_start3A_581 : memref<1x128x16xf32, #tpu.memory_space<vmem>> -> memref<128x16xf32, #tpu.memory_space<vmem>>
    %dma_start3A_583 = arith.constant 0 : i32
    %dma_start3A_584 = tpu.memref_slice %arg4[%add3A_577, %dma_start3A_583] : memref<98304x16xf32, #tpu.memory_space<hbm>> -> memref<128x16xf32, #tpu.memory_space<hbm>>
    %dma_start3A_585 = arith.constant 0 : i32
    %dma_start3A_586 = tpu.memref_slice %arg4[%add3A_577, %dma_start3A_585] : memref<98304x16xf32, #tpu.memory_space<hbm>> -> memref<128x16xf32, #tpu.memory_space<hbm>>
    %dma_start3A_587 = arith.constant 0 : i32
    %dma_start3A_588 = arith.constant 0 : i32
    %dma_start3A_589 = tpu.memref_slice %arg7[%dma_start3A_578, %dma_start3A_587, %dma_start3A_588] : memref<24x128x16xf32, #tpu.memory_space<vmem>> -> memref<1x128x16xf32, #tpu.memory_space<vmem>>
    %dma_start3A_590 = tpu.memref_squeeze %dma_start3A_589 : memref<1x128x16xf32, #tpu.memory_space<vmem>> -> memref<128x16xf32, #tpu.memory_space<vmem>>
    tpu.enqueue_dma source(%dma_start3A_590 : memref<128x16xf32, #tpu.memory_space<vmem>>) target(%dma_start3A_586 : memref<128x16xf32, #tpu.memory_space<hbm>>) target_semaphore(%arg9 : memref<!tpu.dma_semaphore, #tpu.memory_space<semaphore_mem>>)
    %dma_wait3A_591 = arith.constant 9 : i32
    %dma_wait3A_592 = arith.constant 9 : i32
    %dma_wait3A_593 = arith.constant 0 : i32
    %dma_wait3A_594 = arith.constant 0 : i32
    %dma_wait3A_595 = tpu.memref_slice %arg7[%dma_wait3A_592, %dma_wait3A_593, %dma_wait3A_594] : memref<24x128x16xf32, #tpu.memory_space<vmem>> -> memref<1x128x16xf32, #tpu.memory_space<vmem>>
    %dma_wait3A_596 = tpu.memref_squeeze %dma_wait3A_595 : memref<1x128x16xf32, #tpu.memory_space<vmem>> -> memref<128x16xf32, #tpu.memory_space<vmem>>
    %dma_wait3A_597 = arith.constant 0 : i32
    %dma_wait3A_598 = tpu.memref_slice %arg6[%dma_wait3A_591, %dma_wait3A_597] : memref<24x128xi32, #tpu.memory_space<vmem>> -> memref<1x128xi32, #tpu.memory_space<vmem>>
    %dma_wait3A_599 = tpu.memref_squeeze %dma_wait3A_598 : memref<1x128xi32, #tpu.memory_space<vmem>> -> memref<128xi32, #tpu.memory_space<vmem>>
    %dma_wait3A_600 = arith.constant 0 : i32
    %dma_wait3A_601 = arith.constant 0 : i32
    %dma_wait3A_602 = tpu.memref_slice %arg2[%dma_wait3A_600, %dma_wait3A_601] : memref<3488x16xf32, #tpu.memory_space<hbm>> -> memref<3488x16xf32, #tpu.memory_space<hbm>>
    tpu.wait_indirect_dma semaphore(%arg8 : memref<!tpu.dma_semaphore, #tpu.memory_space<semaphore_mem>>) src(%dma_wait3A_602 : memref<3488x16xf32, #tpu.memory_space<hbm>>) dst(%dma_wait3A_596 : memref<128x16xf32, #tpu.memory_space<vmem>>)
    %mul3A_603 = arith.constant 3072 : i32
    %mul3A_604 = arith.muli %add3A, %mul3A_603 : i32
    %add3A_605 = arith.constant 1152 : i32
    %add3A_606 = arith.addi %mul3A_604, %add3A_605 : i32
    %dma_start3A_607 = arith.constant 9 : i32
    %dma_start3A_608 = arith.constant 0 : i32
    %dma_start3A_609 = arith.constant 0 : i32
    %dma_start3A_610 = tpu.memref_slice %arg7[%dma_start3A_607, %dma_start3A_608, %dma_start3A_609] : memref<24x128x16xf32, #tpu.memory_space<vmem>> -> memref<1x128x16xf32, #tpu.memory_space<vmem>>
    %dma_start3A_611 = tpu.memref_squeeze %dma_start3A_610 : memref<1x128x16xf32, #tpu.memory_space<vmem>> -> memref<128x16xf32, #tpu.memory_space<vmem>>
    %dma_start3A_612 = arith.constant 0 : i32
    %dma_start3A_613 = tpu.memref_slice %arg4[%add3A_606, %dma_start3A_612] : memref<98304x16xf32, #tpu.memory_space<hbm>> -> memref<128x16xf32, #tpu.memory_space<hbm>>
    %dma_start3A_614 = arith.constant 0 : i32
    %dma_start3A_615 = tpu.memref_slice %arg4[%add3A_606, %dma_start3A_614] : memref<98304x16xf32, #tpu.memory_space<hbm>> -> memref<128x16xf32, #tpu.memory_space<hbm>>
    %dma_start3A_616 = arith.constant 0 : i32
    %dma_start3A_617 = arith.constant 0 : i32
    %dma_start3A_618 = tpu.memref_slice %arg7[%dma_start3A_607, %dma_start3A_616, %dma_start3A_617] : memref<24x128x16xf32, #tpu.memory_space<vmem>> -> memref<1x128x16xf32, #tpu.memory_space<vmem>>
    %dma_start3A_619 = tpu.memref_squeeze %dma_start3A_618 : memref<1x128x16xf32, #tpu.memory_space<vmem>> -> memref<128x16xf32, #tpu.memory_space<vmem>>
    tpu.enqueue_dma source(%dma_start3A_619 : memref<128x16xf32, #tpu.memory_space<vmem>>) target(%dma_start3A_615 : memref<128x16xf32, #tpu.memory_space<hbm>>) target_semaphore(%arg9 : memref<!tpu.dma_semaphore, #tpu.memory_space<semaphore_mem>>)
    %dma_wait3A_620 = arith.constant 10 : i32
    %dma_wait3A_621 = arith.constant 10 : i32
    %dma_wait3A_622 = arith.constant 0 : i32
    %dma_wait3A_623 = arith.constant 0 : i32
    %dma_wait3A_624 = tpu.memref_slice %arg7[%dma_wait3A_621, %dma_wait3A_622, %dma_wait3A_623] : memref<24x128x16xf32, #tpu.memory_space<vmem>> -> memref<1x128x16xf32, #tpu.memory_space<vmem>>
    %dma_wait3A_625 = tpu.memref_squeeze %dma_wait3A_624 : memref<1x128x16xf32, #tpu.memory_space<vmem>> -> memref<128x16xf32, #tpu.memory_space<vmem>>
    %dma_wait3A_626 = arith.constant 0 : i32
    %dma_wait3A_627 = tpu.memref_slice %arg6[%dma_wait3A_620, %dma_wait3A_626] : memref<24x128xi32, #tpu.memory_space<vmem>> -> memref<1x128xi32, #tpu.memory_space<vmem>>
    %dma_wait3A_628 = tpu.memref_squeeze %dma_wait3A_627 : memref<1x128xi32, #tpu.memory_space<vmem>> -> memref<128xi32, #tpu.memory_space<vmem>>
    %dma_wait3A_629 = arith.constant 0 : i32
    %dma_wait3A_630 = arith.constant 0 : i32
    %dma_wait3A_631 = tpu.memref_slice %arg2[%dma_wait3A_629, %dma_wait3A_630] : memref<3488x16xf32, #tpu.memory_space<hbm>> -> memref<3488x16xf32, #tpu.memory_space<hbm>>
    tpu.wait_indirect_dma semaphore(%arg8 : memref<!tpu.dma_semaphore, #tpu.memory_space<semaphore_mem>>) src(%dma_wait3A_631 : memref<3488x16xf32, #tpu.memory_space<hbm>>) dst(%dma_wait3A_625 : memref<128x16xf32, #tpu.memory_space<vmem>>)
    %mul3A_632 = arith.constant 3072 : i32
    %mul3A_633 = arith.muli %add3A, %mul3A_632 : i32
    %add3A_634 = arith.constant 1280 : i32
    %add3A_635 = arith.addi %mul3A_633, %add3A_634 : i32
    %dma_start3A_636 = arith.constant 10 : i32
    %dma_start3A_637 = arith.constant 0 : i32
    %dma_start3A_638 = arith.constant 0 : i32
    %dma_start3A_639 = tpu.memref_slice %arg7[%dma_start3A_636, %dma_start3A_637, %dma_start3A_638] : memref<24x128x16xf32, #tpu.memory_space<vmem>> -> memref<1x128x16xf32, #tpu.memory_space<vmem>>
    %dma_start3A_640 = tpu.memref_squeeze %dma_start3A_639 : memref<1x128x16xf32, #tpu.memory_space<vmem>> -> memref<128x16xf32, #tpu.memory_space<vmem>>
    %dma_start3A_641 = arith.constant 0 : i32
    %dma_start3A_642 = tpu.memref_slice %arg4[%add3A_635, %dma_start3A_641] : memref<98304x16xf32, #tpu.memory_space<hbm>> -> memref<128x16xf32, #tpu.memory_space<hbm>>
    %dma_start3A_643 = arith.constant 0 : i32
    %dma_start3A_644 = tpu.memref_slice %arg4[%add3A_635, %dma_start3A_643] : memref<98304x16xf32, #tpu.memory_space<hbm>> -> memref<128x16xf32, #tpu.memory_space<hbm>>
    %dma_start3A_645 = arith.constant 0 : i32
    %dma_start3A_646 = arith.constant 0 : i32
    %dma_start3A_647 = tpu.memref_slice %arg7[%dma_start3A_636, %dma_start3A_645, %dma_start3A_646] : memref<24x128x16xf32, #tpu.memory_space<vmem>> -> memref<1x128x16xf32, #tpu.memory_space<vmem>>
    %dma_start3A_648 = tpu.memref_squeeze %dma_start3A_647 : memref<1x128x16xf32, #tpu.memory_space<vmem>> -> memref<128x16xf32, #tpu.memory_space<vmem>>
    tpu.enqueue_dma source(%dma_start3A_648 : memref<128x16xf32, #tpu.memory_space<vmem>>) target(%dma_start3A_644 : memref<128x16xf32, #tpu.memory_space<hbm>>) target_semaphore(%arg9 : memref<!tpu.dma_semaphore, #tpu.memory_space<semaphore_mem>>)
    %dma_wait3A_649 = arith.constant 11 : i32
    %dma_wait3A_650 = arith.constant 11 : i32
    %dma_wait3A_651 = arith.constant 0 : i32
    %dma_wait3A_652 = arith.constant 0 : i32
    %dma_wait3A_653 = tpu.memref_slice %arg7[%dma_wait3A_650, %dma_wait3A_651, %dma_wait3A_652] : memref<24x128x16xf32, #tpu.memory_space<vmem>> -> memref<1x128x16xf32, #tpu.memory_space<vmem>>
    %dma_wait3A_654 = tpu.memref_squeeze %dma_wait3A_653 : memref<1x128x16xf32, #tpu.memory_space<vmem>> -> memref<128x16xf32, #tpu.memory_space<vmem>>
    %dma_wait3A_655 = arith.constant 0 : i32
    %dma_wait3A_656 = tpu.memref_slice %arg6[%dma_wait3A_649, %dma_wait3A_655] : memref<24x128xi32, #tpu.memory_space<vmem>> -> memref<1x128xi32, #tpu.memory_space<vmem>>
    %dma_wait3A_657 = tpu.memref_squeeze %dma_wait3A_656 : memref<1x128xi32, #tpu.memory_space<vmem>> -> memref<128xi32, #tpu.memory_space<vmem>>
    %dma_wait3A_658 = arith.constant 0 : i32
    %dma_wait3A_659 = arith.constant 0 : i32
    %dma_wait3A_660 = tpu.memref_slice %arg2[%dma_wait3A_658, %dma_wait3A_659] : memref<3488x16xf32, #tpu.memory_space<hbm>> -> memref<3488x16xf32, #tpu.memory_space<hbm>>
    tpu.wait_indirect_dma semaphore(%arg8 : memref<!tpu.dma_semaphore, #tpu.memory_space<semaphore_mem>>) src(%dma_wait3A_660 : memref<3488x16xf32, #tpu.memory_space<hbm>>) dst(%dma_wait3A_654 : memref<128x16xf32, #tpu.memory_space<vmem>>)
    %mul3A_661 = arith.constant 3072 : i32
    %mul3A_662 = arith.muli %add3A, %mul3A_661 : i32
    %add3A_663 = arith.constant 1408 : i32
    %add3A_664 = arith.addi %mul3A_662, %add3A_663 : i32
    %dma_start3A_665 = arith.constant 11 : i32
    %dma_start3A_666 = arith.constant 0 : i32
    %dma_start3A_667 = arith.constant 0 : i32
    %dma_start3A_668 = tpu.memref_slice %arg7[%dma_start3A_665, %dma_start3A_666, %dma_start3A_667] : memref<24x128x16xf32, #tpu.memory_space<vmem>> -> memref<1x128x16xf32, #tpu.memory_space<vmem>>
    %dma_start3A_669 = tpu.memref_squeeze %dma_start3A_668 : memref<1x128x16xf32, #tpu.memory_space<vmem>> -> memref<128x16xf32, #tpu.memory_space<vmem>>
    %dma_start3A_670 = arith.constant 0 : i32
    %dma_start3A_671 = tpu.memref_slice %arg4[%add3A_664, %dma_start3A_670] : memref<98304x16xf32, #tpu.memory_space<hbm>> -> memref<128x16xf32, #tpu.memory_space<hbm>>
    %dma_start3A_672 = arith.constant 0 : i32
    %dma_start3A_673 = tpu.memref_slice %arg4[%add3A_664, %dma_start3A_672] : memref<98304x16xf32, #tpu.memory_space<hbm>> -> memref<128x16xf32, #tpu.memory_space<hbm>>
    %dma_start3A_674 = arith.constant 0 : i32
    %dma_start3A_675 = arith.constant 0 : i32
    %dma_start3A_676 = tpu.memref_slice %arg7[%dma_start3A_665, %dma_start3A_674, %dma_start3A_675] : memref<24x128x16xf32, #tpu.memory_space<vmem>> -> memref<1x128x16xf32, #tpu.memory_space<vmem>>
    %dma_start3A_677 = tpu.memref_squeeze %dma_start3A_676 : memref<1x128x16xf32, #tpu.memory_space<vmem>> -> memref<128x16xf32, #tpu.memory_space<vmem>>
    tpu.enqueue_dma source(%dma_start3A_677 : memref<128x16xf32, #tpu.memory_space<vmem>>) target(%dma_start3A_673 : memref<128x16xf32, #tpu.memory_space<hbm>>) target_semaphore(%arg9 : memref<!tpu.dma_semaphore, #tpu.memory_space<semaphore_mem>>)
    %dma_wait3A_678 = arith.constant 12 : i32
    %dma_wait3A_679 = arith.constant 12 : i32
    %dma_wait3A_680 = arith.constant 0 : i32
    %dma_wait3A_681 = arith.constant 0 : i32
    %dma_wait3A_682 = tpu.memref_slice %arg7[%dma_wait3A_679, %dma_wait3A_680, %dma_wait3A_681] : memref<24x128x16xf32, #tpu.memory_space<vmem>> -> memref<1x128x16xf32, #tpu.memory_space<vmem>>
    %dma_wait3A_683 = tpu.memref_squeeze %dma_wait3A_682 : memref<1x128x16xf32, #tpu.memory_space<vmem>> -> memref<128x16xf32, #tpu.memory_space<vmem>>
    %dma_wait3A_684 = arith.constant 0 : i32
    %dma_wait3A_685 = tpu.memref_slice %arg6[%dma_wait3A_678, %dma_wait3A_684] : memref<24x128xi32, #tpu.memory_space<vmem>> -> memref<1x128xi32, #tpu.memory_space<vmem>>
    %dma_wait3A_686 = tpu.memref_squeeze %dma_wait3A_685 : memref<1x128xi32, #tpu.memory_space<vmem>> -> memref<128xi32, #tpu.memory_space<vmem>>
    %dma_wait3A_687 = arith.constant 0 : i32
    %dma_wait3A_688 = arith.constant 0 : i32
    %dma_wait3A_689 = tpu.memref_slice %arg2[%dma_wait3A_687, %dma_wait3A_688] : memref<3488x16xf32, #tpu.memory_space<hbm>> -> memref<3488x16xf32, #tpu.memory_space<hbm>>
    tpu.wait_indirect_dma semaphore(%arg8 : memref<!tpu.dma_semaphore, #tpu.memory_space<semaphore_mem>>) src(%dma_wait3A_689 : memref<3488x16xf32, #tpu.memory_space<hbm>>) dst(%dma_wait3A_683 : memref<128x16xf32, #tpu.memory_space<vmem>>)
    %mul3A_690 = arith.constant 3072 : i32
    %mul3A_691 = arith.muli %add3A, %mul3A_690 : i32
    %add3A_692 = arith.constant 1536 : i32
    %add3A_693 = arith.addi %mul3A_691, %add3A_692 : i32
    %dma_start3A_694 = arith.constant 12 : i32
    %dma_start3A_695 = arith.constant 0 : i32
    %dma_start3A_696 = arith.constant 0 : i32
    %dma_start3A_697 = tpu.memref_slice %arg7[%dma_start3A_694, %dma_start3A_695, %dma_start3A_696] : memref<24x128x16xf32, #tpu.memory_space<vmem>> -> memref<1x128x16xf32, #tpu.memory_space<vmem>>
    %dma_start3A_698 = tpu.memref_squeeze %dma_start3A_697 : memref<1x128x16xf32, #tpu.memory_space<vmem>> -> memref<128x16xf32, #tpu.memory_space<vmem>>
    %dma_start3A_699 = arith.constant 0 : i32
    %dma_start3A_700 = tpu.memref_slice %arg4[%add3A_693, %dma_start3A_699] : memref<98304x16xf32, #tpu.memory_space<hbm>> -> memref<128x16xf32, #tpu.memory_space<hbm>>
    %dma_start3A_701 = arith.constant 0 : i32
    %dma_start3A_702 = tpu.memref_slice %arg4[%add3A_693, %dma_start3A_701] : memref<98304x16xf32, #tpu.memory_space<hbm>> -> memref<128x16xf32, #tpu.memory_space<hbm>>
    %dma_start3A_703 = arith.constant 0 : i32
    %dma_start3A_704 = arith.constant 0 : i32
    %dma_start3A_705 = tpu.memref_slice %arg7[%dma_start3A_694, %dma_start3A_703, %dma_start3A_704] : memref<24x128x16xf32, #tpu.memory_space<vmem>> -> memref<1x128x16xf32, #tpu.memory_space<vmem>>
    %dma_start3A_706 = tpu.memref_squeeze %dma_start3A_705 : memref<1x128x16xf32, #tpu.memory_space<vmem>> -> memref<128x16xf32, #tpu.memory_space<vmem>>
    tpu.enqueue_dma source(%dma_start3A_706 : memref<128x16xf32, #tpu.memory_space<vmem>>) target(%dma_start3A_702 : memref<128x16xf32, #tpu.memory_space<hbm>>) target_semaphore(%arg9 : memref<!tpu.dma_semaphore, #tpu.memory_space<semaphore_mem>>)
    %dma_wait3A_707 = arith.constant 13 : i32
    %dma_wait3A_708 = arith.constant 13 : i32
    %dma_wait3A_709 = arith.constant 0 : i32
    %dma_wait3A_710 = arith.constant 0 : i32
    %dma_wait3A_711 = tpu.memref_slice %arg7[%dma_wait3A_708, %dma_wait3A_709, %dma_wait3A_710] : memref<24x128x16xf32, #tpu.memory_space<vmem>> -> memref<1x128x16xf32, #tpu.memory_space<vmem>>
    %dma_wait3A_712 = tpu.memref_squeeze %dma_wait3A_711 : memref<1x128x16xf32, #tpu.memory_space<vmem>> -> memref<128x16xf32, #tpu.memory_space<vmem>>
    %dma_wait3A_713 = arith.constant 0 : i32
    %dma_wait3A_714 = tpu.memref_slice %arg6[%dma_wait3A_707, %dma_wait3A_713] : memref<24x128xi32, #tpu.memory_space<vmem>> -> memref<1x128xi32, #tpu.memory_space<vmem>>
    %dma_wait3A_715 = tpu.memref_squeeze %dma_wait3A_714 : memref<1x128xi32, #tpu.memory_space<vmem>> -> memref<128xi32, #tpu.memory_space<vmem>>
    %dma_wait3A_716 = arith.constant 0 : i32
    %dma_wait3A_717 = arith.constant 0 : i32
    %dma_wait3A_718 = tpu.memref_slice %arg2[%dma_wait3A_716, %dma_wait3A_717] : memref<3488x16xf32, #tpu.memory_space<hbm>> -> memref<3488x16xf32, #tpu.memory_space<hbm>>
    tpu.wait_indirect_dma semaphore(%arg8 : memref<!tpu.dma_semaphore, #tpu.memory_space<semaphore_mem>>) src(%dma_wait3A_718 : memref<3488x16xf32, #tpu.memory_space<hbm>>) dst(%dma_wait3A_712 : memref<128x16xf32, #tpu.memory_space<vmem>>)
    %mul3A_719 = arith.constant 3072 : i32
    %mul3A_720 = arith.muli %add3A, %mul3A_719 : i32
    %add3A_721 = arith.constant 1664 : i32
    %add3A_722 = arith.addi %mul3A_720, %add3A_721 : i32
    %dma_start3A_723 = arith.constant 13 : i32
    %dma_start3A_724 = arith.constant 0 : i32
    %dma_start3A_725 = arith.constant 0 : i32
    %dma_start3A_726 = tpu.memref_slice %arg7[%dma_start3A_723, %dma_start3A_724, %dma_start3A_725] : memref<24x128x16xf32, #tpu.memory_space<vmem>> -> memref<1x128x16xf32, #tpu.memory_space<vmem>>
    %dma_start3A_727 = tpu.memref_squeeze %dma_start3A_726 : memref<1x128x16xf32, #tpu.memory_space<vmem>> -> memref<128x16xf32, #tpu.memory_space<vmem>>
    %dma_start3A_728 = arith.constant 0 : i32
    %dma_start3A_729 = tpu.memref_slice %arg4[%add3A_722, %dma_start3A_728] : memref<98304x16xf32, #tpu.memory_space<hbm>> -> memref<128x16xf32, #tpu.memory_space<hbm>>
    %dma_start3A_730 = arith.constant 0 : i32
    %dma_start3A_731 = tpu.memref_slice %arg4[%add3A_722, %dma_start3A_730] : memref<98304x16xf32, #tpu.memory_space<hbm>> -> memref<128x16xf32, #tpu.memory_space<hbm>>
    %dma_start3A_732 = arith.constant 0 : i32
    %dma_start3A_733 = arith.constant 0 : i32
    %dma_start3A_734 = tpu.memref_slice %arg7[%dma_start3A_723, %dma_start3A_732, %dma_start3A_733] : memref<24x128x16xf32, #tpu.memory_space<vmem>> -> memref<1x128x16xf32, #tpu.memory_space<vmem>>
    %dma_start3A_735 = tpu.memref_squeeze %dma_start3A_734 : memref<1x128x16xf32, #tpu.memory_space<vmem>> -> memref<128x16xf32, #tpu.memory_space<vmem>>
    tpu.enqueue_dma source(%dma_start3A_735 : memref<128x16xf32, #tpu.memory_space<vmem>>) target(%dma_start3A_731 : memref<128x16xf32, #tpu.memory_space<hbm>>) target_semaphore(%arg9 : memref<!tpu.dma_semaphore, #tpu.memory_space<semaphore_mem>>)
    %dma_wait3A_736 = arith.constant 14 : i32
    %dma_wait3A_737 = arith.constant 14 : i32
    %dma_wait3A_738 = arith.constant 0 : i32
    %dma_wait3A_739 = arith.constant 0 : i32
    %dma_wait3A_740 = tpu.memref_slice %arg7[%dma_wait3A_737, %dma_wait3A_738, %dma_wait3A_739] : memref<24x128x16xf32, #tpu.memory_space<vmem>> -> memref<1x128x16xf32, #tpu.memory_space<vmem>>
    %dma_wait3A_741 = tpu.memref_squeeze %dma_wait3A_740 : memref<1x128x16xf32, #tpu.memory_space<vmem>> -> memref<128x16xf32, #tpu.memory_space<vmem>>
    %dma_wait3A_742 = arith.constant 0 : i32
    %dma_wait3A_743 = tpu.memref_slice %arg6[%dma_wait3A_736, %dma_wait3A_742] : memref<24x128xi32, #tpu.memory_space<vmem>> -> memref<1x128xi32, #tpu.memory_space<vmem>>
    %dma_wait3A_744 = tpu.memref_squeeze %dma_wait3A_743 : memref<1x128xi32, #tpu.memory_space<vmem>> -> memref<128xi32, #tpu.memory_space<vmem>>
    %dma_wait3A_745 = arith.constant 0 : i32
    %dma_wait3A_746 = arith.constant 0 : i32
    %dma_wait3A_747 = tpu.memref_slice %arg2[%dma_wait3A_745, %dma_wait3A_746] : memref<3488x16xf32, #tpu.memory_space<hbm>> -> memref<3488x16xf32, #tpu.memory_space<hbm>>
    tpu.wait_indirect_dma semaphore(%arg8 : memref<!tpu.dma_semaphore, #tpu.memory_space<semaphore_mem>>) src(%dma_wait3A_747 : memref<3488x16xf32, #tpu.memory_space<hbm>>) dst(%dma_wait3A_741 : memref<128x16xf32, #tpu.memory_space<vmem>>)
    %mul3A_748 = arith.constant 3072 : i32
    %mul3A_749 = arith.muli %add3A, %mul3A_748 : i32
    %add3A_750 = arith.constant 1792 : i32
    %add3A_751 = arith.addi %mul3A_749, %add3A_750 : i32
    %dma_start3A_752 = arith.constant 14 : i32
    %dma_start3A_753 = arith.constant 0 : i32
    %dma_start3A_754 = arith.constant 0 : i32
    %dma_start3A_755 = tpu.memref_slice %arg7[%dma_start3A_752, %dma_start3A_753, %dma_start3A_754] : memref<24x128x16xf32, #tpu.memory_space<vmem>> -> memref<1x128x16xf32, #tpu.memory_space<vmem>>
    %dma_start3A_756 = tpu.memref_squeeze %dma_start3A_755 : memref<1x128x16xf32, #tpu.memory_space<vmem>> -> memref<128x16xf32, #tpu.memory_space<vmem>>
    %dma_start3A_757 = arith.constant 0 : i32
    %dma_start3A_758 = tpu.memref_slice %arg4[%add3A_751, %dma_start3A_757] : memref<98304x16xf32, #tpu.memory_space<hbm>> -> memref<128x16xf32, #tpu.memory_space<hbm>>
    %dma_start3A_759 = arith.constant 0 : i32
    %dma_start3A_760 = tpu.memref_slice %arg4[%add3A_751, %dma_start3A_759] : memref<98304x16xf32, #tpu.memory_space<hbm>> -> memref<128x16xf32, #tpu.memory_space<hbm>>
    %dma_start3A_761 = arith.constant 0 : i32
    %dma_start3A_762 = arith.constant 0 : i32
    %dma_start3A_763 = tpu.memref_slice %arg7[%dma_start3A_752, %dma_start3A_761, %dma_start3A_762] : memref<24x128x16xf32, #tpu.memory_space<vmem>> -> memref<1x128x16xf32, #tpu.memory_space<vmem>>
    %dma_start3A_764 = tpu.memref_squeeze %dma_start3A_763 : memref<1x128x16xf32, #tpu.memory_space<vmem>> -> memref<128x16xf32, #tpu.memory_space<vmem>>
    tpu.enqueue_dma source(%dma_start3A_764 : memref<128x16xf32, #tpu.memory_space<vmem>>) target(%dma_start3A_760 : memref<128x16xf32, #tpu.memory_space<hbm>>) target_semaphore(%arg9 : memref<!tpu.dma_semaphore, #tpu.memory_space<semaphore_mem>>)
    %dma_wait3A_765 = arith.constant 15 : i32
    %dma_wait3A_766 = arith.constant 15 : i32
    %dma_wait3A_767 = arith.constant 0 : i32
    %dma_wait3A_768 = arith.constant 0 : i32
    %dma_wait3A_769 = tpu.memref_slice %arg7[%dma_wait3A_766, %dma_wait3A_767, %dma_wait3A_768] : memref<24x128x16xf32, #tpu.memory_space<vmem>> -> memref<1x128x16xf32, #tpu.memory_space<vmem>>
    %dma_wait3A_770 = tpu.memref_squeeze %dma_wait3A_769 : memref<1x128x16xf32, #tpu.memory_space<vmem>> -> memref<128x16xf32, #tpu.memory_space<vmem>>
    %dma_wait3A_771 = arith.constant 0 : i32
    %dma_wait3A_772 = tpu.memref_slice %arg6[%dma_wait3A_765, %dma_wait3A_771] : memref<24x128xi32, #tpu.memory_space<vmem>> -> memref<1x128xi32, #tpu.memory_space<vmem>>
    %dma_wait3A_773 = tpu.memref_squeeze %dma_wait3A_772 : memref<1x128xi32, #tpu.memory_space<vmem>> -> memref<128xi32, #tpu.memory_space<vmem>>
    %dma_wait3A_774 = arith.constant 0 : i32
    %dma_wait3A_775 = arith.constant 0 : i32
    %dma_wait3A_776 = tpu.memref_slice %arg2[%dma_wait3A_774, %dma_wait3A_775] : memref<3488x16xf32, #tpu.memory_space<hbm>> -> memref<3488x16xf32, #tpu.memory_space<hbm>>
    tpu.wait_indirect_dma semaphore(%arg8 : memref<!tpu.dma_semaphore, #tpu.memory_space<semaphore_mem>>) src(%dma_wait3A_776 : memref<3488x16xf32, #tpu.memory_space<hbm>>) dst(%dma_wait3A_770 : memref<128x16xf32, #tpu.memory_space<vmem>>)
    %mul3A_777 = arith.constant 3072 : i32
    %mul3A_778 = arith.muli %add3A, %mul3A_777 : i32
    %add3A_779 = arith.constant 1920 : i32
    %add3A_780 = arith.addi %mul3A_778, %add3A_779 : i32
    %dma_start3A_781 = arith.constant 15 : i32
    %dma_start3A_782 = arith.constant 0 : i32
    %dma_start3A_783 = arith.constant 0 : i32
    %dma_start3A_784 = tpu.memref_slice %arg7[%dma_start3A_781, %dma_start3A_782, %dma_start3A_783] : memref<24x128x16xf32, #tpu.memory_space<vmem>> -> memref<1x128x16xf32, #tpu.memory_space<vmem>>
    %dma_start3A_785 = tpu.memref_squeeze %dma_start3A_784 : memref<1x128x16xf32, #tpu.memory_space<vmem>> -> memref<128x16xf32, #tpu.memory_space<vmem>>
    %dma_start3A_786 = arith.constant 0 : i32
    %dma_start3A_787 = tpu.memref_slice %arg4[%add3A_780, %dma_start3A_786] : memref<98304x16xf32, #tpu.memory_space<hbm>> -> memref<128x16xf32, #tpu.memory_space<hbm>>
    %dma_start3A_788 = arith.constant 0 : i32
    %dma_start3A_789 = tpu.memref_slice %arg4[%add3A_780, %dma_start3A_788] : memref<98304x16xf32, #tpu.memory_space<hbm>> -> memref<128x16xf32, #tpu.memory_space<hbm>>
    %dma_start3A_790 = arith.constant 0 : i32
    %dma_start3A_791 = arith.constant 0 : i32
    %dma_start3A_792 = tpu.memref_slice %arg7[%dma_start3A_781, %dma_start3A_790, %dma_start3A_791] : memref<24x128x16xf32, #tpu.memory_space<vmem>> -> memref<1x128x16xf32, #tpu.memory_space<vmem>>
    %dma_start3A_793 = tpu.memref_squeeze %dma_start3A_792 : memref<1x128x16xf32, #tpu.memory_space<vmem>> -> memref<128x16xf32, #tpu.memory_space<vmem>>
    tpu.enqueue_dma source(%dma_start3A_793 : memref<128x16xf32, #tpu.memory_space<vmem>>) target(%dma_start3A_789 : memref<128x16xf32, #tpu.memory_space<hbm>>) target_semaphore(%arg9 : memref<!tpu.dma_semaphore, #tpu.memory_space<semaphore_mem>>)
    %dma_wait3A_794 = arith.constant 16 : i32
    %dma_wait3A_795 = arith.constant 16 : i32
    %dma_wait3A_796 = arith.constant 0 : i32
    %dma_wait3A_797 = arith.constant 0 : i32
    %dma_wait3A_798 = tpu.memref_slice %arg7[%dma_wait3A_795, %dma_wait3A_796, %dma_wait3A_797] : memref<24x128x16xf32, #tpu.memory_space<vmem>> -> memref<1x128x16xf32, #tpu.memory_space<vmem>>
    %dma_wait3A_799 = tpu.memref_squeeze %dma_wait3A_798 : memref<1x128x16xf32, #tpu.memory_space<vmem>> -> memref<128x16xf32, #tpu.memory_space<vmem>>
    %dma_wait3A_800 = arith.constant 0 : i32
    %dma_wait3A_801 = tpu.memref_slice %arg6[%dma_wait3A_794, %dma_wait3A_800] : memref<24x128xi32, #tpu.memory_space<vmem>> -> memref<1x128xi32, #tpu.memory_space<vmem>>
    %dma_wait3A_802 = tpu.memref_squeeze %dma_wait3A_801 : memref<1x128xi32, #tpu.memory_space<vmem>> -> memref<128xi32, #tpu.memory_space<vmem>>
    %dma_wait3A_803 = arith.constant 0 : i32
    %dma_wait3A_804 = arith.constant 0 : i32
    %dma_wait3A_805 = tpu.memref_slice %arg2[%dma_wait3A_803, %dma_wait3A_804] : memref<3488x16xf32, #tpu.memory_space<hbm>> -> memref<3488x16xf32, #tpu.memory_space<hbm>>
    tpu.wait_indirect_dma semaphore(%arg8 : memref<!tpu.dma_semaphore, #tpu.memory_space<semaphore_mem>>) src(%dma_wait3A_805 : memref<3488x16xf32, #tpu.memory_space<hbm>>) dst(%dma_wait3A_799 : memref<128x16xf32, #tpu.memory_space<vmem>>)
    %mul3A_806 = arith.constant 3072 : i32
    %mul3A_807 = arith.muli %add3A, %mul3A_806 : i32
    %add3A_808 = arith.constant 2048 : i32
    %add3A_809 = arith.addi %mul3A_807, %add3A_808 : i32
    %dma_start3A_810 = arith.constant 16 : i32
    %dma_start3A_811 = arith.constant 0 : i32
    %dma_start3A_812 = arith.constant 0 : i32
    %dma_start3A_813 = tpu.memref_slice %arg7[%dma_start3A_810, %dma_start3A_811, %dma_start3A_812] : memref<24x128x16xf32, #tpu.memory_space<vmem>> -> memref<1x128x16xf32, #tpu.memory_space<vmem>>
    %dma_start3A_814 = tpu.memref_squeeze %dma_start3A_813 : memref<1x128x16xf32, #tpu.memory_space<vmem>> -> memref<128x16xf32, #tpu.memory_space<vmem>>
    %dma_start3A_815 = arith.constant 0 : i32
    %dma_start3A_816 = tpu.memref_slice %arg4[%add3A_809, %dma_start3A_815] : memref<98304x16xf32, #tpu.memory_space<hbm>> -> memref<128x16xf32, #tpu.memory_space<hbm>>
    %dma_start3A_817 = arith.constant 0 : i32
    %dma_start3A_818 = tpu.memref_slice %arg4[%add3A_809, %dma_start3A_817] : memref<98304x16xf32, #tpu.memory_space<hbm>> -> memref<128x16xf32, #tpu.memory_space<hbm>>
    %dma_start3A_819 = arith.constant 0 : i32
    %dma_start3A_820 = arith.constant 0 : i32
    %dma_start3A_821 = tpu.memref_slice %arg7[%dma_start3A_810, %dma_start3A_819, %dma_start3A_820] : memref<24x128x16xf32, #tpu.memory_space<vmem>> -> memref<1x128x16xf32, #tpu.memory_space<vmem>>
    %dma_start3A_822 = tpu.memref_squeeze %dma_start3A_821 : memref<1x128x16xf32, #tpu.memory_space<vmem>> -> memref<128x16xf32, #tpu.memory_space<vmem>>
    tpu.enqueue_dma source(%dma_start3A_822 : memref<128x16xf32, #tpu.memory_space<vmem>>) target(%dma_start3A_818 : memref<128x16xf32, #tpu.memory_space<hbm>>) target_semaphore(%arg9 : memref<!tpu.dma_semaphore, #tpu.memory_space<semaphore_mem>>)
    %dma_wait3A_823 = arith.constant 17 : i32
    %dma_wait3A_824 = arith.constant 17 : i32
    %dma_wait3A_825 = arith.constant 0 : i32
    %dma_wait3A_826 = arith.constant 0 : i32
    %dma_wait3A_827 = tpu.memref_slice %arg7[%dma_wait3A_824, %dma_wait3A_825, %dma_wait3A_826] : memref<24x128x16xf32, #tpu.memory_space<vmem>> -> memref<1x128x16xf32, #tpu.memory_space<vmem>>
    %dma_wait3A_828 = tpu.memref_squeeze %dma_wait3A_827 : memref<1x128x16xf32, #tpu.memory_space<vmem>> -> memref<128x16xf32, #tpu.memory_space<vmem>>
    %dma_wait3A_829 = arith.constant 0 : i32
    %dma_wait3A_830 = tpu.memref_slice %arg6[%dma_wait3A_823, %dma_wait3A_829] : memref<24x128xi32, #tpu.memory_space<vmem>> -> memref<1x128xi32, #tpu.memory_space<vmem>>
    %dma_wait3A_831 = tpu.memref_squeeze %dma_wait3A_830 : memref<1x128xi32, #tpu.memory_space<vmem>> -> memref<128xi32, #tpu.memory_space<vmem>>
    %dma_wait3A_832 = arith.constant 0 : i32
    %dma_wait3A_833 = arith.constant 0 : i32
    %dma_wait3A_834 = tpu.memref_slice %arg2[%dma_wait3A_832, %dma_wait3A_833] : memref<3488x16xf32, #tpu.memory_space<hbm>> -> memref<3488x16xf32, #tpu.memory_space<hbm>>
    tpu.wait_indirect_dma semaphore(%arg8 : memref<!tpu.dma_semaphore, #tpu.memory_space<semaphore_mem>>) src(%dma_wait3A_834 : memref<3488x16xf32, #tpu.memory_space<hbm>>) dst(%dma_wait3A_828 : memref<128x16xf32, #tpu.memory_space<vmem>>)
    %mul3A_835 = arith.constant 3072 : i32
    %mul3A_836 = arith.muli %add3A, %mul3A_835 : i32
    %add3A_837 = arith.constant 2176 : i32
    %add3A_838 = arith.addi %mul3A_836, %add3A_837 : i32
    %dma_start3A_839 = arith.constant 17 : i32
    %dma_start3A_840 = arith.constant 0 : i32
    %dma_start3A_841 = arith.constant 0 : i32
    %dma_start3A_842 = tpu.memref_slice %arg7[%dma_start3A_839, %dma_start3A_840, %dma_start3A_841] : memref<24x128x16xf32, #tpu.memory_space<vmem>> -> memref<1x128x16xf32, #tpu.memory_space<vmem>>
    %dma_start3A_843 = tpu.memref_squeeze %dma_start3A_842 : memref<1x128x16xf32, #tpu.memory_space<vmem>> -> memref<128x16xf32, #tpu.memory_space<vmem>>
    %dma_start3A_844 = arith.constant 0 : i32
    %dma_start3A_845 = tpu.memref_slice %arg4[%add3A_838, %dma_start3A_844] : memref<98304x16xf32, #tpu.memory_space<hbm>> -> memref<128x16xf32, #tpu.memory_space<hbm>>
    %dma_start3A_846 = arith.constant 0 : i32
    %dma_start3A_847 = tpu.memref_slice %arg4[%add3A_838, %dma_start3A_846] : memref<98304x16xf32, #tpu.memory_space<hbm>> -> memref<128x16xf32, #tpu.memory_space<hbm>>
    %dma_start3A_848 = arith.constant 0 : i32
    %dma_start3A_849 = arith.constant 0 : i32
    %dma_start3A_850 = tpu.memref_slice %arg7[%dma_start3A_839, %dma_start3A_848, %dma_start3A_849] : memref<24x128x16xf32, #tpu.memory_space<vmem>> -> memref<1x128x16xf32, #tpu.memory_space<vmem>>
    %dma_start3A_851 = tpu.memref_squeeze %dma_start3A_850 : memref<1x128x16xf32, #tpu.memory_space<vmem>> -> memref<128x16xf32, #tpu.memory_space<vmem>>
    tpu.enqueue_dma source(%dma_start3A_851 : memref<128x16xf32, #tpu.memory_space<vmem>>) target(%dma_start3A_847 : memref<128x16xf32, #tpu.memory_space<hbm>>) target_semaphore(%arg9 : memref<!tpu.dma_semaphore, #tpu.memory_space<semaphore_mem>>)
    %dma_wait3A_852 = arith.constant 18 : i32
    %dma_wait3A_853 = arith.constant 18 : i32
    %dma_wait3A_854 = arith.constant 0 : i32
    %dma_wait3A_855 = arith.constant 0 : i32
    %dma_wait3A_856 = tpu.memref_slice %arg7[%dma_wait3A_853, %dma_wait3A_854, %dma_wait3A_855] : memref<24x128x16xf32, #tpu.memory_space<vmem>> -> memref<1x128x16xf32, #tpu.memory_space<vmem>>
    %dma_wait3A_857 = tpu.memref_squeeze %dma_wait3A_856 : memref<1x128x16xf32, #tpu.memory_space<vmem>> -> memref<128x16xf32, #tpu.memory_space<vmem>>
    %dma_wait3A_858 = arith.constant 0 : i32
    %dma_wait3A_859 = tpu.memref_slice %arg6[%dma_wait3A_852, %dma_wait3A_858] : memref<24x128xi32, #tpu.memory_space<vmem>> -> memref<1x128xi32, #tpu.memory_space<vmem>>
    %dma_wait3A_860 = tpu.memref_squeeze %dma_wait3A_859 : memref<1x128xi32, #tpu.memory_space<vmem>> -> memref<128xi32, #tpu.memory_space<vmem>>
    %dma_wait3A_861 = arith.constant 0 : i32
    %dma_wait3A_862 = arith.constant 0 : i32
    %dma_wait3A_863 = tpu.memref_slice %arg2[%dma_wait3A_861, %dma_wait3A_862] : memref<3488x16xf32, #tpu.memory_space<hbm>> -> memref<3488x16xf32, #tpu.memory_space<hbm>>
    tpu.wait_indirect_dma semaphore(%arg8 : memref<!tpu.dma_semaphore, #tpu.memory_space<semaphore_mem>>) src(%dma_wait3A_863 : memref<3488x16xf32, #tpu.memory_space<hbm>>) dst(%dma_wait3A_857 : memref<128x16xf32, #tpu.memory_space<vmem>>)
    %mul3A_864 = arith.constant 3072 : i32
    %mul3A_865 = arith.muli %add3A, %mul3A_864 : i32
    %add3A_866 = arith.constant 2304 : i32
    %add3A_867 = arith.addi %mul3A_865, %add3A_866 : i32
    %dma_start3A_868 = arith.constant 18 : i32
    %dma_start3A_869 = arith.constant 0 : i32
    %dma_start3A_870 = arith.constant 0 : i32
    %dma_start3A_871 = tpu.memref_slice %arg7[%dma_start3A_868, %dma_start3A_869, %dma_start3A_870] : memref<24x128x16xf32, #tpu.memory_space<vmem>> -> memref<1x128x16xf32, #tpu.memory_space<vmem>>
    %dma_start3A_872 = tpu.memref_squeeze %dma_start3A_871 : memref<1x128x16xf32, #tpu.memory_space<vmem>> -> memref<128x16xf32, #tpu.memory_space<vmem>>
    %dma_start3A_873 = arith.constant 0 : i32
    %dma_start3A_874 = tpu.memref_slice %arg4[%add3A_867, %dma_start3A_873] : memref<98304x16xf32, #tpu.memory_space<hbm>> -> memref<128x16xf32, #tpu.memory_space<hbm>>
    %dma_start3A_875 = arith.constant 0 : i32
    %dma_start3A_876 = tpu.memref_slice %arg4[%add3A_867, %dma_start3A_875] : memref<98304x16xf32, #tpu.memory_space<hbm>> -> memref<128x16xf32, #tpu.memory_space<hbm>>
    %dma_start3A_877 = arith.constant 0 : i32
    %dma_start3A_878 = arith.constant 0 : i32
    %dma_start3A_879 = tpu.memref_slice %arg7[%dma_start3A_868, %dma_start3A_877, %dma_start3A_878] : memref<24x128x16xf32, #tpu.memory_space<vmem>> -> memref<1x128x16xf32, #tpu.memory_space<vmem>>
    %dma_start3A_880 = tpu.memref_squeeze %dma_start3A_879 : memref<1x128x16xf32, #tpu.memory_space<vmem>> -> memref<128x16xf32, #tpu.memory_space<vmem>>
    tpu.enqueue_dma source(%dma_start3A_880 : memref<128x16xf32, #tpu.memory_space<vmem>>) target(%dma_start3A_876 : memref<128x16xf32, #tpu.memory_space<hbm>>) target_semaphore(%arg9 : memref<!tpu.dma_semaphore, #tpu.memory_space<semaphore_mem>>)
    %dma_wait3A_881 = arith.constant 19 : i32
    %dma_wait3A_882 = arith.constant 19 : i32
    %dma_wait3A_883 = arith.constant 0 : i32
    %dma_wait3A_884 = arith.constant 0 : i32
    %dma_wait3A_885 = tpu.memref_slice %arg7[%dma_wait3A_882, %dma_wait3A_883, %dma_wait3A_884] : memref<24x128x16xf32, #tpu.memory_space<vmem>> -> memref<1x128x16xf32, #tpu.memory_space<vmem>>
    %dma_wait3A_886 = tpu.memref_squeeze %dma_wait3A_885 : memref<1x128x16xf32, #tpu.memory_space<vmem>> -> memref<128x16xf32, #tpu.memory_space<vmem>>
    %dma_wait3A_887 = arith.constant 0 : i32
    %dma_wait3A_888 = tpu.memref_slice %arg6[%dma_wait3A_881, %dma_wait3A_887] : memref<24x128xi32, #tpu.memory_space<vmem>> -> memref<1x128xi32, #tpu.memory_space<vmem>>
    %dma_wait3A_889 = tpu.memref_squeeze %dma_wait3A_888 : memref<1x128xi32, #tpu.memory_space<vmem>> -> memref<128xi32, #tpu.memory_space<vmem>>
    %dma_wait3A_890 = arith.constant 0 : i32
    %dma_wait3A_891 = arith.constant 0 : i32
    %dma_wait3A_892 = tpu.memref_slice %arg2[%dma_wait3A_890, %dma_wait3A_891] : memref<3488x16xf32, #tpu.memory_space<hbm>> -> memref<3488x16xf32, #tpu.memory_space<hbm>>
    tpu.wait_indirect_dma semaphore(%arg8 : memref<!tpu.dma_semaphore, #tpu.memory_space<semaphore_mem>>) src(%dma_wait3A_892 : memref<3488x16xf32, #tpu.memory_space<hbm>>) dst(%dma_wait3A_886 : memref<128x16xf32, #tpu.memory_space<vmem>>)
    %mul3A_893 = arith.constant 3072 : i32
    %mul3A_894 = arith.muli %add3A, %mul3A_893 : i32
    %add3A_895 = arith.constant 2432 : i32
    %add3A_896 = arith.addi %mul3A_894, %add3A_895 : i32
    %dma_start3A_897 = arith.constant 19 : i32
    %dma_start3A_898 = arith.constant 0 : i32
    %dma_start3A_899 = arith.constant 0 : i32
    %dma_start3A_900 = tpu.memref_slice %arg7[%dma_start3A_897, %dma_start3A_898, %dma_start3A_899] : memref<24x128x16xf32, #tpu.memory_space<vmem>> -> memref<1x128x16xf32, #tpu.memory_space<vmem>>
    %dma_start3A_901 = tpu.memref_squeeze %dma_start3A_900 : memref<1x128x16xf32, #tpu.memory_space<vmem>> -> memref<128x16xf32, #tpu.memory_space<vmem>>
    %dma_start3A_902 = arith.constant 0 : i32
    %dma_start3A_903 = tpu.memref_slice %arg4[%add3A_896, %dma_start3A_902] : memref<98304x16xf32, #tpu.memory_space<hbm>> -> memref<128x16xf32, #tpu.memory_space<hbm>>
    %dma_start3A_904 = arith.constant 0 : i32
    %dma_start3A_905 = tpu.memref_slice %arg4[%add3A_896, %dma_start3A_904] : memref<98304x16xf32, #tpu.memory_space<hbm>> -> memref<128x16xf32, #tpu.memory_space<hbm>>
    %dma_start3A_906 = arith.constant 0 : i32
    %dma_start3A_907 = arith.constant 0 : i32
    %dma_start3A_908 = tpu.memref_slice %arg7[%dma_start3A_897, %dma_start3A_906, %dma_start3A_907] : memref<24x128x16xf32, #tpu.memory_space<vmem>> -> memref<1x128x16xf32, #tpu.memory_space<vmem>>
    %dma_start3A_909 = tpu.memref_squeeze %dma_start3A_908 : memref<1x128x16xf32, #tpu.memory_space<vmem>> -> memref<128x16xf32, #tpu.memory_space<vmem>>
    tpu.enqueue_dma source(%dma_start3A_909 : memref<128x16xf32, #tpu.memory_space<vmem>>) target(%dma_start3A_905 : memref<128x16xf32, #tpu.memory_space<hbm>>) target_semaphore(%arg9 : memref<!tpu.dma_semaphore, #tpu.memory_space<semaphore_mem>>)
    %dma_wait3A_910 = arith.constant 20 : i32
    %dma_wait3A_911 = arith.constant 20 : i32
    %dma_wait3A_912 = arith.constant 0 : i32
    %dma_wait3A_913 = arith.constant 0 : i32
    %dma_wait3A_914 = tpu.memref_slice %arg7[%dma_wait3A_911, %dma_wait3A_912, %dma_wait3A_913] : memref<24x128x16xf32, #tpu.memory_space<vmem>> -> memref<1x128x16xf32, #tpu.memory_space<vmem>>
    %dma_wait3A_915 = tpu.memref_squeeze %dma_wait3A_914 : memref<1x128x16xf32, #tpu.memory_space<vmem>> -> memref<128x16xf32, #tpu.memory_space<vmem>>
    %dma_wait3A_916 = arith.constant 0 : i32
    %dma_wait3A_917 = tpu.memref_slice %arg6[%dma_wait3A_910, %dma_wait3A_916] : memref<24x128xi32, #tpu.memory_space<vmem>> -> memref<1x128xi32, #tpu.memory_space<vmem>>
    %dma_wait3A_918 = tpu.memref_squeeze %dma_wait3A_917 : memref<1x128xi32, #tpu.memory_space<vmem>> -> memref<128xi32, #tpu.memory_space<vmem>>
    %dma_wait3A_919 = arith.constant 0 : i32
    %dma_wait3A_920 = arith.constant 0 : i32
    %dma_wait3A_921 = tpu.memref_slice %arg2[%dma_wait3A_919, %dma_wait3A_920] : memref<3488x16xf32, #tpu.memory_space<hbm>> -> memref<3488x16xf32, #tpu.memory_space<hbm>>
    tpu.wait_indirect_dma semaphore(%arg8 : memref<!tpu.dma_semaphore, #tpu.memory_space<semaphore_mem>>) src(%dma_wait3A_921 : memref<3488x16xf32, #tpu.memory_space<hbm>>) dst(%dma_wait3A_915 : memref<128x16xf32, #tpu.memory_space<vmem>>)
    %mul3A_922 = arith.constant 3072 : i32
    %mul3A_923 = arith.muli %add3A, %mul3A_922 : i32
    %add3A_924 = arith.constant 2560 : i32
    %add3A_925 = arith.addi %mul3A_923, %add3A_924 : i32
    %dma_start3A_926 = arith.constant 20 : i32
    %dma_start3A_927 = arith.constant 0 : i32
    %dma_start3A_928 = arith.constant 0 : i32
    %dma_start3A_929 = tpu.memref_slice %arg7[%dma_start3A_926, %dma_start3A_927, %dma_start3A_928] : memref<24x128x16xf32, #tpu.memory_space<vmem>> -> memref<1x128x16xf32, #tpu.memory_space<vmem>>
    %dma_start3A_930 = tpu.memref_squeeze %dma_start3A_929 : memref<1x128x16xf32, #tpu.memory_space<vmem>> -> memref<128x16xf32, #tpu.memory_space<vmem>>
    %dma_start3A_931 = arith.constant 0 : i32
    %dma_start3A_932 = tpu.memref_slice %arg4[%add3A_925, %dma_start3A_931] : memref<98304x16xf32, #tpu.memory_space<hbm>> -> memref<128x16xf32, #tpu.memory_space<hbm>>
    %dma_start3A_933 = arith.constant 0 : i32
    %dma_start3A_934 = tpu.memref_slice %arg4[%add3A_925, %dma_start3A_933] : memref<98304x16xf32, #tpu.memory_space<hbm>> -> memref<128x16xf32, #tpu.memory_space<hbm>>
    %dma_start3A_935 = arith.constant 0 : i32
    %dma_start3A_936 = arith.constant 0 : i32
    %dma_start3A_937 = tpu.memref_slice %arg7[%dma_start3A_926, %dma_start3A_935, %dma_start3A_936] : memref<24x128x16xf32, #tpu.memory_space<vmem>> -> memref<1x128x16xf32, #tpu.memory_space<vmem>>
    %dma_start3A_938 = tpu.memref_squeeze %dma_start3A_937 : memref<1x128x16xf32, #tpu.memory_space<vmem>> -> memref<128x16xf32, #tpu.memory_space<vmem>>
    tpu.enqueue_dma source(%dma_start3A_938 : memref<128x16xf32, #tpu.memory_space<vmem>>) target(%dma_start3A_934 : memref<128x16xf32, #tpu.memory_space<hbm>>) target_semaphore(%arg9 : memref<!tpu.dma_semaphore, #tpu.memory_space<semaphore_mem>>)
    %dma_wait3A_939 = arith.constant 21 : i32
    %dma_wait3A_940 = arith.constant 21 : i32
    %dma_wait3A_941 = arith.constant 0 : i32
    %dma_wait3A_942 = arith.constant 0 : i32
    %dma_wait3A_943 = tpu.memref_slice %arg7[%dma_wait3A_940, %dma_wait3A_941, %dma_wait3A_942] : memref<24x128x16xf32, #tpu.memory_space<vmem>> -> memref<1x128x16xf32, #tpu.memory_space<vmem>>
    %dma_wait3A_944 = tpu.memref_squeeze %dma_wait3A_943 : memref<1x128x16xf32, #tpu.memory_space<vmem>> -> memref<128x16xf32, #tpu.memory_space<vmem>>
    %dma_wait3A_945 = arith.constant 0 : i32
    %dma_wait3A_946 = tpu.memref_slice %arg6[%dma_wait3A_939, %dma_wait3A_945] : memref<24x128xi32, #tpu.memory_space<vmem>> -> memref<1x128xi32, #tpu.memory_space<vmem>>
    %dma_wait3A_947 = tpu.memref_squeeze %dma_wait3A_946 : memref<1x128xi32, #tpu.memory_space<vmem>> -> memref<128xi32, #tpu.memory_space<vmem>>
    %dma_wait3A_948 = arith.constant 0 : i32
    %dma_wait3A_949 = arith.constant 0 : i32
    %dma_wait3A_950 = tpu.memref_slice %arg2[%dma_wait3A_948, %dma_wait3A_949] : memref<3488x16xf32, #tpu.memory_space<hbm>> -> memref<3488x16xf32, #tpu.memory_space<hbm>>
    tpu.wait_indirect_dma semaphore(%arg8 : memref<!tpu.dma_semaphore, #tpu.memory_space<semaphore_mem>>) src(%dma_wait3A_950 : memref<3488x16xf32, #tpu.memory_space<hbm>>) dst(%dma_wait3A_944 : memref<128x16xf32, #tpu.memory_space<vmem>>)
    %mul3A_951 = arith.constant 3072 : i32
    %mul3A_952 = arith.muli %add3A, %mul3A_951 : i32
    %add3A_953 = arith.constant 2688 : i32
    %add3A_954 = arith.addi %mul3A_952, %add3A_953 : i32
    %dma_start3A_955 = arith.constant 21 : i32
    %dma_start3A_956 = arith.constant 0 : i32
    %dma_start3A_957 = arith.constant 0 : i32
    %dma_start3A_958 = tpu.memref_slice %arg7[%dma_start3A_955, %dma_start3A_956, %dma_start3A_957] : memref<24x128x16xf32, #tpu.memory_space<vmem>> -> memref<1x128x16xf32, #tpu.memory_space<vmem>>
    %dma_start3A_959 = tpu.memref_squeeze %dma_start3A_958 : memref<1x128x16xf32, #tpu.memory_space<vmem>> -> memref<128x16xf32, #tpu.memory_space<vmem>>
    %dma_start3A_960 = arith.constant 0 : i32
    %dma_start3A_961 = tpu.memref_slice %arg4[%add3A_954, %dma_start3A_960] : memref<98304x16xf32, #tpu.memory_space<hbm>> -> memref<128x16xf32, #tpu.memory_space<hbm>>
    %dma_start3A_962 = arith.constant 0 : i32
    %dma_start3A_963 = tpu.memref_slice %arg4[%add3A_954, %dma_start3A_962] : memref<98304x16xf32, #tpu.memory_space<hbm>> -> memref<128x16xf32, #tpu.memory_space<hbm>>
    %dma_start3A_964 = arith.constant 0 : i32
    %dma_start3A_965 = arith.constant 0 : i32
    %dma_start3A_966 = tpu.memref_slice %arg7[%dma_start3A_955, %dma_start3A_964, %dma_start3A_965] : memref<24x128x16xf32, #tpu.memory_space<vmem>> -> memref<1x128x16xf32, #tpu.memory_space<vmem>>
    %dma_start3A_967 = tpu.memref_squeeze %dma_start3A_966 : memref<1x128x16xf32, #tpu.memory_space<vmem>> -> memref<128x16xf32, #tpu.memory_space<vmem>>
    tpu.enqueue_dma source(%dma_start3A_967 : memref<128x16xf32, #tpu.memory_space<vmem>>) target(%dma_start3A_963 : memref<128x16xf32, #tpu.memory_space<hbm>>) target_semaphore(%arg9 : memref<!tpu.dma_semaphore, #tpu.memory_space<semaphore_mem>>)
    %dma_wait3A_968 = arith.constant 22 : i32
    %dma_wait3A_969 = arith.constant 22 : i32
    %dma_wait3A_970 = arith.constant 0 : i32
    %dma_wait3A_971 = arith.constant 0 : i32
    %dma_wait3A_972 = tpu.memref_slice %arg7[%dma_wait3A_969, %dma_wait3A_970, %dma_wait3A_971] : memref<24x128x16xf32, #tpu.memory_space<vmem>> -> memref<1x128x16xf32, #tpu.memory_space<vmem>>
    %dma_wait3A_973 = tpu.memref_squeeze %dma_wait3A_972 : memref<1x128x16xf32, #tpu.memory_space<vmem>> -> memref<128x16xf32, #tpu.memory_space<vmem>>
    %dma_wait3A_974 = arith.constant 0 : i32
    %dma_wait3A_975 = tpu.memref_slice %arg6[%dma_wait3A_968, %dma_wait3A_974] : memref<24x128xi32, #tpu.memory_space<vmem>> -> memref<1x128xi32, #tpu.memory_space<vmem>>
    %dma_wait3A_976 = tpu.memref_squeeze %dma_wait3A_975 : memref<1x128xi32, #tpu.memory_space<vmem>> -> memref<128xi32, #tpu.memory_space<vmem>>
    %dma_wait3A_977 = arith.constant 0 : i32
    %dma_wait3A_978 = arith.constant 0 : i32
    %dma_wait3A_979 = tpu.memref_slice %arg2[%dma_wait3A_977, %dma_wait3A_978] : memref<3488x16xf32, #tpu.memory_space<hbm>> -> memref<3488x16xf32, #tpu.memory_space<hbm>>
    tpu.wait_indirect_dma semaphore(%arg8 : memref<!tpu.dma_semaphore, #tpu.memory_space<semaphore_mem>>) src(%dma_wait3A_979 : memref<3488x16xf32, #tpu.memory_space<hbm>>) dst(%dma_wait3A_973 : memref<128x16xf32, #tpu.memory_space<vmem>>)
    %mul3A_980 = arith.constant 3072 : i32
    %mul3A_981 = arith.muli %add3A, %mul3A_980 : i32
    %add3A_982 = arith.constant 2816 : i32
    %add3A_983 = arith.addi %mul3A_981, %add3A_982 : i32
    %dma_start3A_984 = arith.constant 22 : i32
    %dma_start3A_985 = arith.constant 0 : i32
    %dma_start3A_986 = arith.constant 0 : i32
    %dma_start3A_987 = tpu.memref_slice %arg7[%dma_start3A_984, %dma_start3A_985, %dma_start3A_986] : memref<24x128x16xf32, #tpu.memory_space<vmem>> -> memref<1x128x16xf32, #tpu.memory_space<vmem>>
    %dma_start3A_988 = tpu.memref_squeeze %dma_start3A_987 : memref<1x128x16xf32, #tpu.memory_space<vmem>> -> memref<128x16xf32, #tpu.memory_space<vmem>>
    %dma_start3A_989 = arith.constant 0 : i32
    %dma_start3A_990 = tpu.memref_slice %arg4[%add3A_983, %dma_start3A_989] : memref<98304x16xf32, #tpu.memory_space<hbm>> -> memref<128x16xf32, #tpu.memory_space<hbm>>
    %dma_start3A_991 = arith.constant 0 : i32
    %dma_start3A_992 = tpu.memref_slice %arg4[%add3A_983, %dma_start3A_991] : memref<98304x16xf32, #tpu.memory_space<hbm>> -> memref<128x16xf32, #tpu.memory_space<hbm>>
    %dma_start3A_993 = arith.constant 0 : i32
    %dma_start3A_994 = arith.constant 0 : i32
    %dma_start3A_995 = tpu.memref_slice %arg7[%dma_start3A_984, %dma_start3A_993, %dma_start3A_994] : memref<24x128x16xf32, #tpu.memory_space<vmem>> -> memref<1x128x16xf32, #tpu.memory_space<vmem>>
    %dma_start3A_996 = tpu.memref_squeeze %dma_start3A_995 : memref<1x128x16xf32, #tpu.memory_space<vmem>> -> memref<128x16xf32, #tpu.memory_space<vmem>>
    tpu.enqueue_dma source(%dma_start3A_996 : memref<128x16xf32, #tpu.memory_space<vmem>>) target(%dma_start3A_992 : memref<128x16xf32, #tpu.memory_space<hbm>>) target_semaphore(%arg9 : memref<!tpu.dma_semaphore, #tpu.memory_space<semaphore_mem>>)
    %dma_wait3A_997 = arith.constant 23 : i32
    %dma_wait3A_998 = arith.constant 23 : i32
    %dma_wait3A_999 = arith.constant 0 : i32
    %dma_wait3A_1000 = arith.constant 0 : i32
    %dma_wait3A_1001 = tpu.memref_slice %arg7[%dma_wait3A_998, %dma_wait3A_999, %dma_wait3A_1000] : memref<24x128x16xf32, #tpu.memory_space<vmem>> -> memref<1x128x16xf32, #tpu.memory_space<vmem>>
    %dma_wait3A_1002 = tpu.memref_squeeze %dma_wait3A_1001 : memref<1x128x16xf32, #tpu.memory_space<vmem>> -> memref<128x16xf32, #tpu.memory_space<vmem>>
    %dma_wait3A_1003 = arith.constant 0 : i32
    %dma_wait3A_1004 = tpu.memref_slice %arg6[%dma_wait3A_997, %dma_wait3A_1003] : memref<24x128xi32, #tpu.memory_space<vmem>> -> memref<1x128xi32, #tpu.memory_space<vmem>>
    %dma_wait3A_1005 = tpu.memref_squeeze %dma_wait3A_1004 : memref<1x128xi32, #tpu.memory_space<vmem>> -> memref<128xi32, #tpu.memory_space<vmem>>
    %dma_wait3A_1006 = arith.constant 0 : i32
    %dma_wait3A_1007 = arith.constant 0 : i32
    %dma_wait3A_1008 = tpu.memref_slice %arg2[%dma_wait3A_1006, %dma_wait3A_1007] : memref<3488x16xf32, #tpu.memory_space<hbm>> -> memref<3488x16xf32, #tpu.memory_space<hbm>>
    tpu.wait_indirect_dma semaphore(%arg8 : memref<!tpu.dma_semaphore, #tpu.memory_space<semaphore_mem>>) src(%dma_wait3A_1008 : memref<3488x16xf32, #tpu.memory_space<hbm>>) dst(%dma_wait3A_1002 : memref<128x16xf32, #tpu.memory_space<vmem>>)
    %mul3A_1009 = arith.constant 3072 : i32
    %mul3A_1010 = arith.muli %add3A, %mul3A_1009 : i32
    %add3A_1011 = arith.constant 2944 : i32
    %add3A_1012 = arith.addi %mul3A_1010, %add3A_1011 : i32
    %dma_start3A_1013 = arith.constant 23 : i32
    %dma_start3A_1014 = arith.constant 0 : i32
    %dma_start3A_1015 = arith.constant 0 : i32
    %dma_start3A_1016 = tpu.memref_slice %arg7[%dma_start3A_1013, %dma_start3A_1014, %dma_start3A_1015] : memref<24x128x16xf32, #tpu.memory_space<vmem>> -> memref<1x128x16xf32, #tpu.memory_space<vmem>>
    %dma_start3A_1017 = tpu.memref_squeeze %dma_start3A_1016 : memref<1x128x16xf32, #tpu.memory_space<vmem>> -> memref<128x16xf32, #tpu.memory_space<vmem>>
    %dma_start3A_1018 = arith.constant 0 : i32
    %dma_start3A_1019 = tpu.memref_slice %arg4[%add3A_1012, %dma_start3A_1018] : memref<98304x16xf32, #tpu.memory_space<hbm>> -> memref<128x16xf32, #tpu.memory_space<hbm>>
    %dma_start3A_1020 = arith.constant 0 : i32
    %dma_start3A_1021 = tpu.memref_slice %arg4[%add3A_1012, %dma_start3A_1020] : memref<98304x16xf32, #tpu.memory_space<hbm>> -> memref<128x16xf32, #tpu.memory_space<hbm>>
    %dma_start3A_1022 = arith.constant 0 : i32
    %dma_start3A_1023 = arith.constant 0 : i32
    %dma_start3A_1024 = tpu.memref_slice %arg7[%dma_start3A_1013, %dma_start3A_1022, %dma_start3A_1023] : memref<24x128x16xf32, #tpu.memory_space<vmem>> -> memref<1x128x16xf32, #tpu.memory_space<vmem>>
    %dma_start3A_1025 = tpu.memref_squeeze %dma_start3A_1024 : memref<1x128x16xf32, #tpu.memory_space<vmem>> -> memref<128x16xf32, #tpu.memory_space<vmem>>
    tpu.enqueue_dma source(%dma_start3A_1025 : memref<128x16xf32, #tpu.memory_space<vmem>>) target(%dma_start3A_1021 : memref<128x16xf32, #tpu.memory_space<hbm>>) target_semaphore(%arg9 : memref<!tpu.dma_semaphore, #tpu.memory_space<semaphore_mem>>)
    %dma_wait3A_1026 = arith.constant 0 : i32
    %dma_wait3A_1027 = arith.constant 0 : i32
    %dma_wait3A_1028 = arith.constant 0 : i32
    %dma_wait3A_1029 = tpu.memref_slice %arg7[%dma_wait3A_1026, %dma_wait3A_1027, %dma_wait3A_1028] : memref<24x128x16xf32, #tpu.memory_space<vmem>> -> memref<1x128x16xf32, #tpu.memory_space<vmem>>
    %dma_wait3A_1030 = tpu.memref_squeeze %dma_wait3A_1029 : memref<1x128x16xf32, #tpu.memory_space<vmem>> -> memref<128x16xf32, #tpu.memory_space<vmem>>
    %dma_wait3A_1031 = arith.constant 0 : i32
    %dma_wait3A_1032 = tpu.memref_slice %arg4[%add3A_345, %dma_wait3A_1031] : memref<98304x16xf32, #tpu.memory_space<hbm>> -> memref<128x16xf32, #tpu.memory_space<hbm>>
    %dma_wait3A_1033 = arith.constant 0 : i32
    %dma_wait3A_1034 = tpu.memref_slice %arg4[%add3A_345, %dma_wait3A_1033] : memref<98304x16xf32, #tpu.memory_space<hbm>> -> memref<128x16xf32, #tpu.memory_space<hbm>>
    %dma_wait3A_1035 = arith.constant 0 : i32
    %dma_wait3A_1036 = arith.constant 0 : i32
    %dma_wait3A_1037 = tpu.memref_slice %arg7[%dma_wait3A_1026, %dma_wait3A_1035, %dma_wait3A_1036] : memref<24x128x16xf32, #tpu.memory_space<vmem>> -> memref<1x128x16xf32, #tpu.memory_space<vmem>>
    %dma_wait3A_1038 = tpu.memref_squeeze %dma_wait3A_1037 : memref<1x128x16xf32, #tpu.memory_space<vmem>> -> memref<128x16xf32, #tpu.memory_space<vmem>>
    tpu.wait_dma2 semaphore(%arg9 : memref<!tpu.dma_semaphore, #tpu.memory_space<semaphore_mem>>) src(%dma_wait3A_1038 : memref<128x16xf32, #tpu.memory_space<vmem>>) dst(%dma_wait3A_1034 : memref<128x16xf32, #tpu.memory_space<hbm>>)
    %dma_wait3A_1039 = arith.constant 1 : i32
    %dma_wait3A_1040 = arith.constant 0 : i32
    %dma_wait3A_1041 = arith.constant 0 : i32
    %dma_wait3A_1042 = tpu.memref_slice %arg7[%dma_wait3A_1039, %dma_wait3A_1040, %dma_wait3A_1041] : memref<24x128x16xf32, #tpu.memory_space<vmem>> -> memref<1x128x16xf32, #tpu.memory_space<vmem>>
    %dma_wait3A_1043 = tpu.memref_squeeze %dma_wait3A_1042 : memref<1x128x16xf32, #tpu.memory_space<vmem>> -> memref<128x16xf32, #tpu.memory_space<vmem>>
    %dma_wait3A_1044 = arith.constant 0 : i32
    %dma_wait3A_1045 = tpu.memref_slice %arg4[%add3A_374, %dma_wait3A_1044] : memref<98304x16xf32, #tpu.memory_space<hbm>> -> memref<128x16xf32, #tpu.memory_space<hbm>>
    %dma_wait3A_1046 = arith.constant 0 : i32
    %dma_wait3A_1047 = tpu.memref_slice %arg4[%add3A_374, %dma_wait3A_1046] : memref<98304x16xf32, #tpu.memory_space<hbm>> -> memref<128x16xf32, #tpu.memory_space<hbm>>
    %dma_wait3A_1048 = arith.constant 0 : i32
    %dma_wait3A_1049 = arith.constant 0 : i32
    %dma_wait3A_1050 = tpu.memref_slice %arg7[%dma_wait3A_1039, %dma_wait3A_1048, %dma_wait3A_1049] : memref<24x128x16xf32, #tpu.memory_space<vmem>> -> memref<1x128x16xf32, #tpu.memory_space<vmem>>
    %dma_wait3A_1051 = tpu.memref_squeeze %dma_wait3A_1050 : memref<1x128x16xf32, #tpu.memory_space<vmem>> -> memref<128x16xf32, #tpu.memory_space<vmem>>
    tpu.wait_dma2 semaphore(%arg9 : memref<!tpu.dma_semaphore, #tpu.memory_space<semaphore_mem>>) src(%dma_wait3A_1051 : memref<128x16xf32, #tpu.memory_space<vmem>>) dst(%dma_wait3A_1047 : memref<128x16xf32, #tpu.memory_space<hbm>>)
    %dma_wait3A_1052 = arith.constant 2 : i32
    %dma_wait3A_1053 = arith.constant 0 : i32
    %dma_wait3A_1054 = arith.constant 0 : i32
    %dma_wait3A_1055 = tpu.memref_slice %arg7[%dma_wait3A_1052, %dma_wait3A_1053, %dma_wait3A_1054] : memref<24x128x16xf32, #tpu.memory_space<vmem>> -> memref<1x128x16xf32, #tpu.memory_space<vmem>>
    %dma_wait3A_1056 = tpu.memref_squeeze %dma_wait3A_1055 : memref<1x128x16xf32, #tpu.memory_space<vmem>> -> memref<128x16xf32, #tpu.memory_space<vmem>>
    %dma_wait3A_1057 = arith.constant 0 : i32
    %dma_wait3A_1058 = tpu.memref_slice %arg4[%add3A_403, %dma_wait3A_1057] : memref<98304x16xf32, #tpu.memory_space<hbm>> -> memref<128x16xf32, #tpu.memory_space<hbm>>
    %dma_wait3A_1059 = arith.constant 0 : i32
    %dma_wait3A_1060 = tpu.memref_slice %arg4[%add3A_403, %dma_wait3A_1059] : memref<98304x16xf32, #tpu.memory_space<hbm>> -> memref<128x16xf32, #tpu.memory_space<hbm>>
    %dma_wait3A_1061 = arith.constant 0 : i32
    %dma_wait3A_1062 = arith.constant 0 : i32
    %dma_wait3A_1063 = tpu.memref_slice %arg7[%dma_wait3A_1052, %dma_wait3A_1061, %dma_wait3A_1062] : memref<24x128x16xf32, #tpu.memory_space<vmem>> -> memref<1x128x16xf32, #tpu.memory_space<vmem>>
    %dma_wait3A_1064 = tpu.memref_squeeze %dma_wait3A_1063 : memref<1x128x16xf32, #tpu.memory_space<vmem>> -> memref<128x16xf32, #tpu.memory_space<vmem>>
    tpu.wait_dma2 semaphore(%arg9 : memref<!tpu.dma_semaphore, #tpu.memory_space<semaphore_mem>>) src(%dma_wait3A_1064 : memref<128x16xf32, #tpu.memory_space<vmem>>) dst(%dma_wait3A_1060 : memref<128x16xf32, #tpu.memory_space<hbm>>)
    %dma_wait3A_1065 = arith.constant 3 : i32
    %dma_wait3A_1066 = arith.constant 0 : i32
    %dma_wait3A_1067 = arith.constant 0 : i32
    %dma_wait3A_1068 = tpu.memref_slice %arg7[%dma_wait3A_1065, %dma_wait3A_1066, %dma_wait3A_1067] : memref<24x128x16xf32, #tpu.memory_space<vmem>> -> memref<1x128x16xf32, #tpu.memory_space<vmem>>
    %dma_wait3A_1069 = tpu.memref_squeeze %dma_wait3A_1068 : memref<1x128x16xf32, #tpu.memory_space<vmem>> -> memref<128x16xf32, #tpu.memory_space<vmem>>
    %dma_wait3A_1070 = arith.constant 0 : i32
    %dma_wait3A_1071 = tpu.memref_slice %arg4[%add3A_432, %dma_wait3A_1070] : memref<98304x16xf32, #tpu.memory_space<hbm>> -> memref<128x16xf32, #tpu.memory_space<hbm>>
    %dma_wait3A_1072 = arith.constant 0 : i32
    %dma_wait3A_1073 = tpu.memref_slice %arg4[%add3A_432, %dma_wait3A_1072] : memref<98304x16xf32, #tpu.memory_space<hbm>> -> memref<128x16xf32, #tpu.memory_space<hbm>>
    %dma_wait3A_1074 = arith.constant 0 : i32
    %dma_wait3A_1075 = arith.constant 0 : i32
    %dma_wait3A_1076 = tpu.memref_slice %arg7[%dma_wait3A_1065, %dma_wait3A_1074, %dma_wait3A_1075] : memref<24x128x16xf32, #tpu.memory_space<vmem>> -> memref<1x128x16xf32, #tpu.memory_space<vmem>>
    %dma_wait3A_1077 = tpu.memref_squeeze %dma_wait3A_1076 : memref<1x128x16xf32, #tpu.memory_space<vmem>> -> memref<128x16xf32, #tpu.memory_space<vmem>>
    tpu.wait_dma2 semaphore(%arg9 : memref<!tpu.dma_semaphore, #tpu.memory_space<semaphore_mem>>) src(%dma_wait3A_1077 : memref<128x16xf32, #tpu.memory_space<vmem>>) dst(%dma_wait3A_1073 : memref<128x16xf32, #tpu.memory_space<hbm>>)
    %dma_wait3A_1078 = arith.constant 4 : i32
    %dma_wait3A_1079 = arith.constant 0 : i32
    %dma_wait3A_1080 = arith.constant 0 : i32
    %dma_wait3A_1081 = tpu.memref_slice %arg7[%dma_wait3A_1078, %dma_wait3A_1079, %dma_wait3A_1080] : memref<24x128x16xf32, #tpu.memory_space<vmem>> -> memref<1x128x16xf32, #tpu.memory_space<vmem>>
    %dma_wait3A_1082 = tpu.memref_squeeze %dma_wait3A_1081 : memref<1x128x16xf32, #tpu.memory_space<vmem>> -> memref<128x16xf32, #tpu.memory_space<vmem>>
    %dma_wait3A_1083 = arith.constant 0 : i32
    %dma_wait3A_1084 = tpu.memref_slice %arg4[%add3A_461, %dma_wait3A_1083] : memref<98304x16xf32, #tpu.memory_space<hbm>> -> memref<128x16xf32, #tpu.memory_space<hbm>>
    %dma_wait3A_1085 = arith.constant 0 : i32
    %dma_wait3A_1086 = tpu.memref_slice %arg4[%add3A_461, %dma_wait3A_1085] : memref<98304x16xf32, #tpu.memory_space<hbm>> -> memref<128x16xf32, #tpu.memory_space<hbm>>
    %dma_wait3A_1087 = arith.constant 0 : i32
    %dma_wait3A_1088 = arith.constant 0 : i32
    %dma_wait3A_1089 = tpu.memref_slice %arg7[%dma_wait3A_1078, %dma_wait3A_1087, %dma_wait3A_1088] : memref<24x128x16xf32, #tpu.memory_space<vmem>> -> memref<1x128x16xf32, #tpu.memory_space<vmem>>
    %dma_wait3A_1090 = tpu.memref_squeeze %dma_wait3A_1089 : memref<1x128x16xf32, #tpu.memory_space<vmem>> -> memref<128x16xf32, #tpu.memory_space<vmem>>
    tpu.wait_dma2 semaphore(%arg9 : memref<!tpu.dma_semaphore, #tpu.memory_space<semaphore_mem>>) src(%dma_wait3A_1090 : memref<128x16xf32, #tpu.memory_space<vmem>>) dst(%dma_wait3A_1086 : memref<128x16xf32, #tpu.memory_space<hbm>>)
    %dma_wait3A_1091 = arith.constant 5 : i32
    %dma_wait3A_1092 = arith.constant 0 : i32
    %dma_wait3A_1093 = arith.constant 0 : i32
    %dma_wait3A_1094 = tpu.memref_slice %arg7[%dma_wait3A_1091, %dma_wait3A_1092, %dma_wait3A_1093] : memref<24x128x16xf32, #tpu.memory_space<vmem>> -> memref<1x128x16xf32, #tpu.memory_space<vmem>>
    %dma_wait3A_1095 = tpu.memref_squeeze %dma_wait3A_1094 : memref<1x128x16xf32, #tpu.memory_space<vmem>> -> memref<128x16xf32, #tpu.memory_space<vmem>>
    %dma_wait3A_1096 = arith.constant 0 : i32
    %dma_wait3A_1097 = tpu.memref_slice %arg4[%add3A_490, %dma_wait3A_1096] : memref<98304x16xf32, #tpu.memory_space<hbm>> -> memref<128x16xf32, #tpu.memory_space<hbm>>
    %dma_wait3A_1098 = arith.constant 0 : i32
    %dma_wait3A_1099 = tpu.memref_slice %arg4[%add3A_490, %dma_wait3A_1098] : memref<98304x16xf32, #tpu.memory_space<hbm>> -> memref<128x16xf32, #tpu.memory_space<hbm>>
    %dma_wait3A_1100 = arith.constant 0 : i32
    %dma_wait3A_1101 = arith.constant 0 : i32
    %dma_wait3A_1102 = tpu.memref_slice %arg7[%dma_wait3A_1091, %dma_wait3A_1100, %dma_wait3A_1101] : memref<24x128x16xf32, #tpu.memory_space<vmem>> -> memref<1x128x16xf32, #tpu.memory_space<vmem>>
    %dma_wait3A_1103 = tpu.memref_squeeze %dma_wait3A_1102 : memref<1x128x16xf32, #tpu.memory_space<vmem>> -> memref<128x16xf32, #tpu.memory_space<vmem>>
    tpu.wait_dma2 semaphore(%arg9 : memref<!tpu.dma_semaphore, #tpu.memory_space<semaphore_mem>>) src(%dma_wait3A_1103 : memref<128x16xf32, #tpu.memory_space<vmem>>) dst(%dma_wait3A_1099 : memref<128x16xf32, #tpu.memory_space<hbm>>)
    %dma_wait3A_1104 = arith.constant 6 : i32
    %dma_wait3A_1105 = arith.constant 0 : i32
    %dma_wait3A_1106 = arith.constant 0 : i32
    %dma_wait3A_1107 = tpu.memref_slice %arg7[%dma_wait3A_1104, %dma_wait3A_1105, %dma_wait3A_1106] : memref<24x128x16xf32, #tpu.memory_space<vmem>> -> memref<1x128x16xf32, #tpu.memory_space<vmem>>
    %dma_wait3A_1108 = tpu.memref_squeeze %dma_wait3A_1107 : memref<1x128x16xf32, #tpu.memory_space<vmem>> -> memref<128x16xf32, #tpu.memory_space<vmem>>
    %dma_wait3A_1109 = arith.constant 0 : i32
    %dma_wait3A_1110 = tpu.memref_slice %arg4[%add3A_519, %dma_wait3A_1109] : memref<98304x16xf32, #tpu.memory_space<hbm>> -> memref<128x16xf32, #tpu.memory_space<hbm>>
    %dma_wait3A_1111 = arith.constant 0 : i32
    %dma_wait3A_1112 = tpu.memref_slice %arg4[%add3A_519, %dma_wait3A_1111] : memref<98304x16xf32, #tpu.memory_space<hbm>> -> memref<128x16xf32, #tpu.memory_space<hbm>>
    %dma_wait3A_1113 = arith.constant 0 : i32
    %dma_wait3A_1114 = arith.constant 0 : i32
    %dma_wait3A_1115 = tpu.memref_slice %arg7[%dma_wait3A_1104, %dma_wait3A_1113, %dma_wait3A_1114] : memref<24x128x16xf32, #tpu.memory_space<vmem>> -> memref<1x128x16xf32, #tpu.memory_space<vmem>>
    %dma_wait3A_1116 = tpu.memref_squeeze %dma_wait3A_1115 : memref<1x128x16xf32, #tpu.memory_space<vmem>> -> memref<128x16xf32, #tpu.memory_space<vmem>>
    tpu.wait_dma2 semaphore(%arg9 : memref<!tpu.dma_semaphore, #tpu.memory_space<semaphore_mem>>) src(%dma_wait3A_1116 : memref<128x16xf32, #tpu.memory_space<vmem>>) dst(%dma_wait3A_1112 : memref<128x16xf32, #tpu.memory_space<hbm>>)
    %dma_wait3A_1117 = arith.constant 7 : i32
    %dma_wait3A_1118 = arith.constant 0 : i32
    %dma_wait3A_1119 = arith.constant 0 : i32
    %dma_wait3A_1120 = tpu.memref_slice %arg7[%dma_wait3A_1117, %dma_wait3A_1118, %dma_wait3A_1119] : memref<24x128x16xf32, #tpu.memory_space<vmem>> -> memref<1x128x16xf32, #tpu.memory_space<vmem>>
    %dma_wait3A_1121 = tpu.memref_squeeze %dma_wait3A_1120 : memref<1x128x16xf32, #tpu.memory_space<vmem>> -> memref<128x16xf32, #tpu.memory_space<vmem>>
    %dma_wait3A_1122 = arith.constant 0 : i32
    %dma_wait3A_1123 = tpu.memref_slice %arg4[%add3A_548, %dma_wait3A_1122] : memref<98304x16xf32, #tpu.memory_space<hbm>> -> memref<128x16xf32, #tpu.memory_space<hbm>>
    %dma_wait3A_1124 = arith.constant 0 : i32
    %dma_wait3A_1125 = tpu.memref_slice %arg4[%add3A_548, %dma_wait3A_1124] : memref<98304x16xf32, #tpu.memory_space<hbm>> -> memref<128x16xf32, #tpu.memory_space<hbm>>
    %dma_wait3A_1126 = arith.constant 0 : i32
    %dma_wait3A_1127 = arith.constant 0 : i32
    %dma_wait3A_1128 = tpu.memref_slice %arg7[%dma_wait3A_1117, %dma_wait3A_1126, %dma_wait3A_1127] : memref<24x128x16xf32, #tpu.memory_space<vmem>> -> memref<1x128x16xf32, #tpu.memory_space<vmem>>
    %dma_wait3A_1129 = tpu.memref_squeeze %dma_wait3A_1128 : memref<1x128x16xf32, #tpu.memory_space<vmem>> -> memref<128x16xf32, #tpu.memory_space<vmem>>
    tpu.wait_dma2 semaphore(%arg9 : memref<!tpu.dma_semaphore, #tpu.memory_space<semaphore_mem>>) src(%dma_wait3A_1129 : memref<128x16xf32, #tpu.memory_space<vmem>>) dst(%dma_wait3A_1125 : memref<128x16xf32, #tpu.memory_space<hbm>>)
    %dma_wait3A_1130 = arith.constant 8 : i32
    %dma_wait3A_1131 = arith.constant 0 : i32
    %dma_wait3A_1132 = arith.constant 0 : i32
    %dma_wait3A_1133 = tpu.memref_slice %arg7[%dma_wait3A_1130, %dma_wait3A_1131, %dma_wait3A_1132] : memref<24x128x16xf32, #tpu.memory_space<vmem>> -> memref<1x128x16xf32, #tpu.memory_space<vmem>>
    %dma_wait3A_1134 = tpu.memref_squeeze %dma_wait3A_1133 : memref<1x128x16xf32, #tpu.memory_space<vmem>> -> memref<128x16xf32, #tpu.memory_space<vmem>>
    %dma_wait3A_1135 = arith.constant 0 : i32
    %dma_wait3A_1136 = tpu.memref_slice %arg4[%add3A_577, %dma_wait3A_1135] : memref<98304x16xf32, #tpu.memory_space<hbm>> -> memref<128x16xf32, #tpu.memory_space<hbm>>
    %dma_wait3A_1137 = arith.constant 0 : i32
    %dma_wait3A_1138 = tpu.memref_slice %arg4[%add3A_577, %dma_wait3A_1137] : memref<98304x16xf32, #tpu.memory_space<hbm>> -> memref<128x16xf32, #tpu.memory_space<hbm>>
    %dma_wait3A_1139 = arith.constant 0 : i32
    %dma_wait3A_1140 = arith.constant 0 : i32
    %dma_wait3A_1141 = tpu.memref_slice %arg7[%dma_wait3A_1130, %dma_wait3A_1139, %dma_wait3A_1140] : memref<24x128x16xf32, #tpu.memory_space<vmem>> -> memref<1x128x16xf32, #tpu.memory_space<vmem>>
    %dma_wait3A_1142 = tpu.memref_squeeze %dma_wait3A_1141 : memref<1x128x16xf32, #tpu.memory_space<vmem>> -> memref<128x16xf32, #tpu.memory_space<vmem>>
    tpu.wait_dma2 semaphore(%arg9 : memref<!tpu.dma_semaphore, #tpu.memory_space<semaphore_mem>>) src(%dma_wait3A_1142 : memref<128x16xf32, #tpu.memory_space<vmem>>) dst(%dma_wait3A_1138 : memref<128x16xf32, #tpu.memory_space<hbm>>)
    %dma_wait3A_1143 = arith.constant 9 : i32
    %dma_wait3A_1144 = arith.constant 0 : i32
    %dma_wait3A_1145 = arith.constant 0 : i32
    %dma_wait3A_1146 = tpu.memref_slice %arg7[%dma_wait3A_1143, %dma_wait3A_1144, %dma_wait3A_1145] : memref<24x128x16xf32, #tpu.memory_space<vmem>> -> memref<1x128x16xf32, #tpu.memory_space<vmem>>
    %dma_wait3A_1147 = tpu.memref_squeeze %dma_wait3A_1146 : memref<1x128x16xf32, #tpu.memory_space<vmem>> -> memref<128x16xf32, #tpu.memory_space<vmem>>
    %dma_wait3A_1148 = arith.constant 0 : i32
    %dma_wait3A_1149 = tpu.memref_slice %arg4[%add3A_606, %dma_wait3A_1148] : memref<98304x16xf32, #tpu.memory_space<hbm>> -> memref<128x16xf32, #tpu.memory_space<hbm>>
    %dma_wait3A_1150 = arith.constant 0 : i32
    %dma_wait3A_1151 = tpu.memref_slice %arg4[%add3A_606, %dma_wait3A_1150] : memref<98304x16xf32, #tpu.memory_space<hbm>> -> memref<128x16xf32, #tpu.memory_space<hbm>>
    %dma_wait3A_1152 = arith.constant 0 : i32
    %dma_wait3A_1153 = arith.constant 0 : i32
    %dma_wait3A_1154 = tpu.memref_slice %arg7[%dma_wait3A_1143, %dma_wait3A_1152, %dma_wait3A_1153] : memref<24x128x16xf32, #tpu.memory_space<vmem>> -> memref<1x128x16xf32, #tpu.memory_space<vmem>>
    %dma_wait3A_1155 = tpu.memref_squeeze %dma_wait3A_1154 : memref<1x128x16xf32, #tpu.memory_space<vmem>> -> memref<128x16xf32, #tpu.memory_space<vmem>>
    tpu.wait_dma2 semaphore(%arg9 : memref<!tpu.dma_semaphore, #tpu.memory_space<semaphore_mem>>) src(%dma_wait3A_1155 : memref<128x16xf32, #tpu.memory_space<vmem>>) dst(%dma_wait3A_1151 : memref<128x16xf32, #tpu.memory_space<hbm>>)
    %dma_wait3A_1156 = arith.constant 10 : i32
    %dma_wait3A_1157 = arith.constant 0 : i32
    %dma_wait3A_1158 = arith.constant 0 : i32
    %dma_wait3A_1159 = tpu.memref_slice %arg7[%dma_wait3A_1156, %dma_wait3A_1157, %dma_wait3A_1158] : memref<24x128x16xf32, #tpu.memory_space<vmem>> -> memref<1x128x16xf32, #tpu.memory_space<vmem>>
    %dma_wait3A_1160 = tpu.memref_squeeze %dma_wait3A_1159 : memref<1x128x16xf32, #tpu.memory_space<vmem>> -> memref<128x16xf32, #tpu.memory_space<vmem>>
    %dma_wait3A_1161 = arith.constant 0 : i32
    %dma_wait3A_1162 = tpu.memref_slice %arg4[%add3A_635, %dma_wait3A_1161] : memref<98304x16xf32, #tpu.memory_space<hbm>> -> memref<128x16xf32, #tpu.memory_space<hbm>>
    %dma_wait3A_1163 = arith.constant 0 : i32
    %dma_wait3A_1164 = tpu.memref_slice %arg4[%add3A_635, %dma_wait3A_1163] : memref<98304x16xf32, #tpu.memory_space<hbm>> -> memref<128x16xf32, #tpu.memory_space<hbm>>
    %dma_wait3A_1165 = arith.constant 0 : i32
    %dma_wait3A_1166 = arith.constant 0 : i32
    %dma_wait3A_1167 = tpu.memref_slice %arg7[%dma_wait3A_1156, %dma_wait3A_1165, %dma_wait3A_1166] : memref<24x128x16xf32, #tpu.memory_space<vmem>> -> memref<1x128x16xf32, #tpu.memory_space<vmem>>
    %dma_wait3A_1168 = tpu.memref_squeeze %dma_wait3A_1167 : memref<1x128x16xf32, #tpu.memory_space<vmem>> -> memref<128x16xf32, #tpu.memory_space<vmem>>
    tpu.wait_dma2 semaphore(%arg9 : memref<!tpu.dma_semaphore, #tpu.memory_space<semaphore_mem>>) src(%dma_wait3A_1168 : memref<128x16xf32, #tpu.memory_space<vmem>>) dst(%dma_wait3A_1164 : memref<128x16xf32, #tpu.memory_space<hbm>>)
    %dma_wait3A_1169 = arith.constant 11 : i32
    %dma_wait3A_1170 = arith.constant 0 : i32
    %dma_wait3A_1171 = arith.constant 0 : i32
    %dma_wait3A_1172 = tpu.memref_slice %arg7[%dma_wait3A_1169, %dma_wait3A_1170, %dma_wait3A_1171] : memref<24x128x16xf32, #tpu.memory_space<vmem>> -> memref<1x128x16xf32, #tpu.memory_space<vmem>>
    %dma_wait3A_1173 = tpu.memref_squeeze %dma_wait3A_1172 : memref<1x128x16xf32, #tpu.memory_space<vmem>> -> memref<128x16xf32, #tpu.memory_space<vmem>>
    %dma_wait3A_1174 = arith.constant 0 : i32
    %dma_wait3A_1175 = tpu.memref_slice %arg4[%add3A_664, %dma_wait3A_1174] : memref<98304x16xf32, #tpu.memory_space<hbm>> -> memref<128x16xf32, #tpu.memory_space<hbm>>
    %dma_wait3A_1176 = arith.constant 0 : i32
    %dma_wait3A_1177 = tpu.memref_slice %arg4[%add3A_664, %dma_wait3A_1176] : memref<98304x16xf32, #tpu.memory_space<hbm>> -> memref<128x16xf32, #tpu.memory_space<hbm>>
    %dma_wait3A_1178 = arith.constant 0 : i32
    %dma_wait3A_1179 = arith.constant 0 : i32
    %dma_wait3A_1180 = tpu.memref_slice %arg7[%dma_wait3A_1169, %dma_wait3A_1178, %dma_wait3A_1179] : memref<24x128x16xf32, #tpu.memory_space<vmem>> -> memref<1x128x16xf32, #tpu.memory_space<vmem>>
    %dma_wait3A_1181 = tpu.memref_squeeze %dma_wait3A_1180 : memref<1x128x16xf32, #tpu.memory_space<vmem>> -> memref<128x16xf32, #tpu.memory_space<vmem>>
    tpu.wait_dma2 semaphore(%arg9 : memref<!tpu.dma_semaphore, #tpu.memory_space<semaphore_mem>>) src(%dma_wait3A_1181 : memref<128x16xf32, #tpu.memory_space<vmem>>) dst(%dma_wait3A_1177 : memref<128x16xf32, #tpu.memory_space<hbm>>)
    %dma_wait3A_1182 = arith.constant 12 : i32
    %dma_wait3A_1183 = arith.constant 0 : i32
    %dma_wait3A_1184 = arith.constant 0 : i32
    %dma_wait3A_1185 = tpu.memref_slice %arg7[%dma_wait3A_1182, %dma_wait3A_1183, %dma_wait3A_1184] : memref<24x128x16xf32, #tpu.memory_space<vmem>> -> memref<1x128x16xf32, #tpu.memory_space<vmem>>
    %dma_wait3A_1186 = tpu.memref_squeeze %dma_wait3A_1185 : memref<1x128x16xf32, #tpu.memory_space<vmem>> -> memref<128x16xf32, #tpu.memory_space<vmem>>
    %dma_wait3A_1187 = arith.constant 0 : i32
    %dma_wait3A_1188 = tpu.memref_slice %arg4[%add3A_693, %dma_wait3A_1187] : memref<98304x16xf32, #tpu.memory_space<hbm>> -> memref<128x16xf32, #tpu.memory_space<hbm>>
    %dma_wait3A_1189 = arith.constant 0 : i32
    %dma_wait3A_1190 = tpu.memref_slice %arg4[%add3A_693, %dma_wait3A_1189] : memref<98304x16xf32, #tpu.memory_space<hbm>> -> memref<128x16xf32, #tpu.memory_space<hbm>>
    %dma_wait3A_1191 = arith.constant 0 : i32
    %dma_wait3A_1192 = arith.constant 0 : i32
    %dma_wait3A_1193 = tpu.memref_slice %arg7[%dma_wait3A_1182, %dma_wait3A_1191, %dma_wait3A_1192] : memref<24x128x16xf32, #tpu.memory_space<vmem>> -> memref<1x128x16xf32, #tpu.memory_space<vmem>>
    %dma_wait3A_1194 = tpu.memref_squeeze %dma_wait3A_1193 : memref<1x128x16xf32, #tpu.memory_space<vmem>> -> memref<128x16xf32, #tpu.memory_space<vmem>>
    tpu.wait_dma2 semaphore(%arg9 : memref<!tpu.dma_semaphore, #tpu.memory_space<semaphore_mem>>) src(%dma_wait3A_1194 : memref<128x16xf32, #tpu.memory_space<vmem>>) dst(%dma_wait3A_1190 : memref<128x16xf32, #tpu.memory_space<hbm>>)
    %dma_wait3A_1195 = arith.constant 13 : i32
    %dma_wait3A_1196 = arith.constant 0 : i32
    %dma_wait3A_1197 = arith.constant 0 : i32
    %dma_wait3A_1198 = tpu.memref_slice %arg7[%dma_wait3A_1195, %dma_wait3A_1196, %dma_wait3A_1197] : memref<24x128x16xf32, #tpu.memory_space<vmem>> -> memref<1x128x16xf32, #tpu.memory_space<vmem>>
    %dma_wait3A_1199 = tpu.memref_squeeze %dma_wait3A_1198 : memref<1x128x16xf32, #tpu.memory_space<vmem>> -> memref<128x16xf32, #tpu.memory_space<vmem>>
    %dma_wait3A_1200 = arith.constant 0 : i32
    %dma_wait3A_1201 = tpu.memref_slice %arg4[%add3A_722, %dma_wait3A_1200] : memref<98304x16xf32, #tpu.memory_space<hbm>> -> memref<128x16xf32, #tpu.memory_space<hbm>>
    %dma_wait3A_1202 = arith.constant 0 : i32
    %dma_wait3A_1203 = tpu.memref_slice %arg4[%add3A_722, %dma_wait3A_1202] : memref<98304x16xf32, #tpu.memory_space<hbm>> -> memref<128x16xf32, #tpu.memory_space<hbm>>
    %dma_wait3A_1204 = arith.constant 0 : i32
    %dma_wait3A_1205 = arith.constant 0 : i32
    %dma_wait3A_1206 = tpu.memref_slice %arg7[%dma_wait3A_1195, %dma_wait3A_1204, %dma_wait3A_1205] : memref<24x128x16xf32, #tpu.memory_space<vmem>> -> memref<1x128x16xf32, #tpu.memory_space<vmem>>
    %dma_wait3A_1207 = tpu.memref_squeeze %dma_wait3A_1206 : memref<1x128x16xf32, #tpu.memory_space<vmem>> -> memref<128x16xf32, #tpu.memory_space<vmem>>
    tpu.wait_dma2 semaphore(%arg9 : memref<!tpu.dma_semaphore, #tpu.memory_space<semaphore_mem>>) src(%dma_wait3A_1207 : memref<128x16xf32, #tpu.memory_space<vmem>>) dst(%dma_wait3A_1203 : memref<128x16xf32, #tpu.memory_space<hbm>>)
    %dma_wait3A_1208 = arith.constant 14 : i32
    %dma_wait3A_1209 = arith.constant 0 : i32
    %dma_wait3A_1210 = arith.constant 0 : i32
    %dma_wait3A_1211 = tpu.memref_slice %arg7[%dma_wait3A_1208, %dma_wait3A_1209, %dma_wait3A_1210] : memref<24x128x16xf32, #tpu.memory_space<vmem>> -> memref<1x128x16xf32, #tpu.memory_space<vmem>>
    %dma_wait3A_1212 = tpu.memref_squeeze %dma_wait3A_1211 : memref<1x128x16xf32, #tpu.memory_space<vmem>> -> memref<128x16xf32, #tpu.memory_space<vmem>>
    %dma_wait3A_1213 = arith.constant 0 : i32
    %dma_wait3A_1214 = tpu.memref_slice %arg4[%add3A_751, %dma_wait3A_1213] : memref<98304x16xf32, #tpu.memory_space<hbm>> -> memref<128x16xf32, #tpu.memory_space<hbm>>
    %dma_wait3A_1215 = arith.constant 0 : i32
    %dma_wait3A_1216 = tpu.memref_slice %arg4[%add3A_751, %dma_wait3A_1215] : memref<98304x16xf32, #tpu.memory_space<hbm>> -> memref<128x16xf32, #tpu.memory_space<hbm>>
    %dma_wait3A_1217 = arith.constant 0 : i32
    %dma_wait3A_1218 = arith.constant 0 : i32
    %dma_wait3A_1219 = tpu.memref_slice %arg7[%dma_wait3A_1208, %dma_wait3A_1217, %dma_wait3A_1218] : memref<24x128x16xf32, #tpu.memory_space<vmem>> -> memref<1x128x16xf32, #tpu.memory_space<vmem>>
    %dma_wait3A_1220 = tpu.memref_squeeze %dma_wait3A_1219 : memref<1x128x16xf32, #tpu.memory_space<vmem>> -> memref<128x16xf32, #tpu.memory_space<vmem>>
    tpu.wait_dma2 semaphore(%arg9 : memref<!tpu.dma_semaphore, #tpu.memory_space<semaphore_mem>>) src(%dma_wait3A_1220 : memref<128x16xf32, #tpu.memory_space<vmem>>) dst(%dma_wait3A_1216 : memref<128x16xf32, #tpu.memory_space<hbm>>)
    %dma_wait3A_1221 = arith.constant 15 : i32
    %dma_wait3A_1222 = arith.constant 0 : i32
    %dma_wait3A_1223 = arith.constant 0 : i32
    %dma_wait3A_1224 = tpu.memref_slice %arg7[%dma_wait3A_1221, %dma_wait3A_1222, %dma_wait3A_1223] : memref<24x128x16xf32, #tpu.memory_space<vmem>> -> memref<1x128x16xf32, #tpu.memory_space<vmem>>
    %dma_wait3A_1225 = tpu.memref_squeeze %dma_wait3A_1224 : memref<1x128x16xf32, #tpu.memory_space<vmem>> -> memref<128x16xf32, #tpu.memory_space<vmem>>
    %dma_wait3A_1226 = arith.constant 0 : i32
    %dma_wait3A_1227 = tpu.memref_slice %arg4[%add3A_780, %dma_wait3A_1226] : memref<98304x16xf32, #tpu.memory_space<hbm>> -> memref<128x16xf32, #tpu.memory_space<hbm>>
    %dma_wait3A_1228 = arith.constant 0 : i32
    %dma_wait3A_1229 = tpu.memref_slice %arg4[%add3A_780, %dma_wait3A_1228] : memref<98304x16xf32, #tpu.memory_space<hbm>> -> memref<128x16xf32, #tpu.memory_space<hbm>>
    %dma_wait3A_1230 = arith.constant 0 : i32
    %dma_wait3A_1231 = arith.constant 0 : i32
    %dma_wait3A_1232 = tpu.memref_slice %arg7[%dma_wait3A_1221, %dma_wait3A_1230, %dma_wait3A_1231] : memref<24x128x16xf32, #tpu.memory_space<vmem>> -> memref<1x128x16xf32, #tpu.memory_space<vmem>>
    %dma_wait3A_1233 = tpu.memref_squeeze %dma_wait3A_1232 : memref<1x128x16xf32, #tpu.memory_space<vmem>> -> memref<128x16xf32, #tpu.memory_space<vmem>>
    tpu.wait_dma2 semaphore(%arg9 : memref<!tpu.dma_semaphore, #tpu.memory_space<semaphore_mem>>) src(%dma_wait3A_1233 : memref<128x16xf32, #tpu.memory_space<vmem>>) dst(%dma_wait3A_1229 : memref<128x16xf32, #tpu.memory_space<hbm>>)
    %dma_wait3A_1234 = arith.constant 16 : i32
    %dma_wait3A_1235 = arith.constant 0 : i32
    %dma_wait3A_1236 = arith.constant 0 : i32
    %dma_wait3A_1237 = tpu.memref_slice %arg7[%dma_wait3A_1234, %dma_wait3A_1235, %dma_wait3A_1236] : memref<24x128x16xf32, #tpu.memory_space<vmem>> -> memref<1x128x16xf32, #tpu.memory_space<vmem>>
    %dma_wait3A_1238 = tpu.memref_squeeze %dma_wait3A_1237 : memref<1x128x16xf32, #tpu.memory_space<vmem>> -> memref<128x16xf32, #tpu.memory_space<vmem>>
    %dma_wait3A_1239 = arith.constant 0 : i32
    %dma_wait3A_1240 = tpu.memref_slice %arg4[%add3A_809, %dma_wait3A_1239] : memref<98304x16xf32, #tpu.memory_space<hbm>> -> memref<128x16xf32, #tpu.memory_space<hbm>>
    %dma_wait3A_1241 = arith.constant 0 : i32
    %dma_wait3A_1242 = tpu.memref_slice %arg4[%add3A_809, %dma_wait3A_1241] : memref<98304x16xf32, #tpu.memory_space<hbm>> -> memref<128x16xf32, #tpu.memory_space<hbm>>
    %dma_wait3A_1243 = arith.constant 0 : i32
    %dma_wait3A_1244 = arith.constant 0 : i32
    %dma_wait3A_1245 = tpu.memref_slice %arg7[%dma_wait3A_1234, %dma_wait3A_1243, %dma_wait3A_1244] : memref<24x128x16xf32, #tpu.memory_space<vmem>> -> memref<1x128x16xf32, #tpu.memory_space<vmem>>
    %dma_wait3A_1246 = tpu.memref_squeeze %dma_wait3A_1245 : memref<1x128x16xf32, #tpu.memory_space<vmem>> -> memref<128x16xf32, #tpu.memory_space<vmem>>
    tpu.wait_dma2 semaphore(%arg9 : memref<!tpu.dma_semaphore, #tpu.memory_space<semaphore_mem>>) src(%dma_wait3A_1246 : memref<128x16xf32, #tpu.memory_space<vmem>>) dst(%dma_wait3A_1242 : memref<128x16xf32, #tpu.memory_space<hbm>>)
    %dma_wait3A_1247 = arith.constant 17 : i32
    %dma_wait3A_1248 = arith.constant 0 : i32
    %dma_wait3A_1249 = arith.constant 0 : i32
    %dma_wait3A_1250 = tpu.memref_slice %arg7[%dma_wait3A_1247, %dma_wait3A_1248, %dma_wait3A_1249] : memref<24x128x16xf32, #tpu.memory_space<vmem>> -> memref<1x128x16xf32, #tpu.memory_space<vmem>>
    %dma_wait3A_1251 = tpu.memref_squeeze %dma_wait3A_1250 : memref<1x128x16xf32, #tpu.memory_space<vmem>> -> memref<128x16xf32, #tpu.memory_space<vmem>>
    %dma_wait3A_1252 = arith.constant 0 : i32
    %dma_wait3A_1253 = tpu.memref_slice %arg4[%add3A_838, %dma_wait3A_1252] : memref<98304x16xf32, #tpu.memory_space<hbm>> -> memref<128x16xf32, #tpu.memory_space<hbm>>
    %dma_wait3A_1254 = arith.constant 0 : i32
    %dma_wait3A_1255 = tpu.memref_slice %arg4[%add3A_838, %dma_wait3A_1254] : memref<98304x16xf32, #tpu.memory_space<hbm>> -> memref<128x16xf32, #tpu.memory_space<hbm>>
    %dma_wait3A_1256 = arith.constant 0 : i32
    %dma_wait3A_1257 = arith.constant 0 : i32
    %dma_wait3A_1258 = tpu.memref_slice %arg7[%dma_wait3A_1247, %dma_wait3A_1256, %dma_wait3A_1257] : memref<24x128x16xf32, #tpu.memory_space<vmem>> -> memref<1x128x16xf32, #tpu.memory_space<vmem>>
    %dma_wait3A_1259 = tpu.memref_squeeze %dma_wait3A_1258 : memref<1x128x16xf32, #tpu.memory_space<vmem>> -> memref<128x16xf32, #tpu.memory_space<vmem>>
    tpu.wait_dma2 semaphore(%arg9 : memref<!tpu.dma_semaphore, #tpu.memory_space<semaphore_mem>>) src(%dma_wait3A_1259 : memref<128x16xf32, #tpu.memory_space<vmem>>) dst(%dma_wait3A_1255 : memref<128x16xf32, #tpu.memory_space<hbm>>)
    %dma_wait3A_1260 = arith.constant 18 : i32
    %dma_wait3A_1261 = arith.constant 0 : i32
    %dma_wait3A_1262 = arith.constant 0 : i32
    %dma_wait3A_1263 = tpu.memref_slice %arg7[%dma_wait3A_1260, %dma_wait3A_1261, %dma_wait3A_1262] : memref<24x128x16xf32, #tpu.memory_space<vmem>> -> memref<1x128x16xf32, #tpu.memory_space<vmem>>
    %dma_wait3A_1264 = tpu.memref_squeeze %dma_wait3A_1263 : memref<1x128x16xf32, #tpu.memory_space<vmem>> -> memref<128x16xf32, #tpu.memory_space<vmem>>
    %dma_wait3A_1265 = arith.constant 0 : i32
    %dma_wait3A_1266 = tpu.memref_slice %arg4[%add3A_867, %dma_wait3A_1265] : memref<98304x16xf32, #tpu.memory_space<hbm>> -> memref<128x16xf32, #tpu.memory_space<hbm>>
    %dma_wait3A_1267 = arith.constant 0 : i32
    %dma_wait3A_1268 = tpu.memref_slice %arg4[%add3A_867, %dma_wait3A_1267] : memref<98304x16xf32, #tpu.memory_space<hbm>> -> memref<128x16xf32, #tpu.memory_space<hbm>>
    %dma_wait3A_1269 = arith.constant 0 : i32
    %dma_wait3A_1270 = arith.constant 0 : i32
    %dma_wait3A_1271 = tpu.memref_slice %arg7[%dma_wait3A_1260, %dma_wait3A_1269, %dma_wait3A_1270] : memref<24x128x16xf32, #tpu.memory_space<vmem>> -> memref<1x128x16xf32, #tpu.memory_space<vmem>>
    %dma_wait3A_1272 = tpu.memref_squeeze %dma_wait3A_1271 : memref<1x128x16xf32, #tpu.memory_space<vmem>> -> memref<128x16xf32, #tpu.memory_space<vmem>>
    tpu.wait_dma2 semaphore(%arg9 : memref<!tpu.dma_semaphore, #tpu.memory_space<semaphore_mem>>) src(%dma_wait3A_1272 : memref<128x16xf32, #tpu.memory_space<vmem>>) dst(%dma_wait3A_1268 : memref<128x16xf32, #tpu.memory_space<hbm>>)
    %dma_wait3A_1273 = arith.constant 19 : i32
    %dma_wait3A_1274 = arith.constant 0 : i32
    %dma_wait3A_1275 = arith.constant 0 : i32
    %dma_wait3A_1276 = tpu.memref_slice %arg7[%dma_wait3A_1273, %dma_wait3A_1274, %dma_wait3A_1275] : memref<24x128x16xf32, #tpu.memory_space<vmem>> -> memref<1x128x16xf32, #tpu.memory_space<vmem>>
    %dma_wait3A_1277 = tpu.memref_squeeze %dma_wait3A_1276 : memref<1x128x16xf32, #tpu.memory_space<vmem>> -> memref<128x16xf32, #tpu.memory_space<vmem>>
    %dma_wait3A_1278 = arith.constant 0 : i32
    %dma_wait3A_1279 = tpu.memref_slice %arg4[%add3A_896, %dma_wait3A_1278] : memref<98304x16xf32, #tpu.memory_space<hbm>> -> memref<128x16xf32, #tpu.memory_space<hbm>>
    %dma_wait3A_1280 = arith.constant 0 : i32
    %dma_wait3A_1281 = tpu.memref_slice %arg4[%add3A_896, %dma_wait3A_1280] : memref<98304x16xf32, #tpu.memory_space<hbm>> -> memref<128x16xf32, #tpu.memory_space<hbm>>
    %dma_wait3A_1282 = arith.constant 0 : i32
    %dma_wait3A_1283 = arith.constant 0 : i32
    %dma_wait3A_1284 = tpu.memref_slice %arg7[%dma_wait3A_1273, %dma_wait3A_1282, %dma_wait3A_1283] : memref<24x128x16xf32, #tpu.memory_space<vmem>> -> memref<1x128x16xf32, #tpu.memory_space<vmem>>
    %dma_wait3A_1285 = tpu.memref_squeeze %dma_wait3A_1284 : memref<1x128x16xf32, #tpu.memory_space<vmem>> -> memref<128x16xf32, #tpu.memory_space<vmem>>
    tpu.wait_dma2 semaphore(%arg9 : memref<!tpu.dma_semaphore, #tpu.memory_space<semaphore_mem>>) src(%dma_wait3A_1285 : memref<128x16xf32, #tpu.memory_space<vmem>>) dst(%dma_wait3A_1281 : memref<128x16xf32, #tpu.memory_space<hbm>>)
    %dma_wait3A_1286 = arith.constant 20 : i32
    %dma_wait3A_1287 = arith.constant 0 : i32
    %dma_wait3A_1288 = arith.constant 0 : i32
    %dma_wait3A_1289 = tpu.memref_slice %arg7[%dma_wait3A_1286, %dma_wait3A_1287, %dma_wait3A_1288] : memref<24x128x16xf32, #tpu.memory_space<vmem>> -> memref<1x128x16xf32, #tpu.memory_space<vmem>>
    %dma_wait3A_1290 = tpu.memref_squeeze %dma_wait3A_1289 : memref<1x128x16xf32, #tpu.memory_space<vmem>> -> memref<128x16xf32, #tpu.memory_space<vmem>>
    %dma_wait3A_1291 = arith.constant 0 : i32
    %dma_wait3A_1292 = tpu.memref_slice %arg4[%add3A_925, %dma_wait3A_1291] : memref<98304x16xf32, #tpu.memory_space<hbm>> -> memref<128x16xf32, #tpu.memory_space<hbm>>
    %dma_wait3A_1293 = arith.constant 0 : i32
    %dma_wait3A_1294 = tpu.memref_slice %arg4[%add3A_925, %dma_wait3A_1293] : memref<98304x16xf32, #tpu.memory_space<hbm>> -> memref<128x16xf32, #tpu.memory_space<hbm>>
    %dma_wait3A_1295 = arith.constant 0 : i32
    %dma_wait3A_1296 = arith.constant 0 : i32
    %dma_wait3A_1297 = tpu.memref_slice %arg7[%dma_wait3A_1286, %dma_wait3A_1295, %dma_wait3A_1296] : memref<24x128x16xf32, #tpu.memory_space<vmem>> -> memref<1x128x16xf32, #tpu.memory_space<vmem>>
    %dma_wait3A_1298 = tpu.memref_squeeze %dma_wait3A_1297 : memref<1x128x16xf32, #tpu.memory_space<vmem>> -> memref<128x16xf32, #tpu.memory_space<vmem>>
    tpu.wait_dma2 semaphore(%arg9 : memref<!tpu.dma_semaphore, #tpu.memory_space<semaphore_mem>>) src(%dma_wait3A_1298 : memref<128x16xf32, #tpu.memory_space<vmem>>) dst(%dma_wait3A_1294 : memref<128x16xf32, #tpu.memory_space<hbm>>)
    %dma_wait3A_1299 = arith.constant 21 : i32
    %dma_wait3A_1300 = arith.constant 0 : i32
    %dma_wait3A_1301 = arith.constant 0 : i32
    %dma_wait3A_1302 = tpu.memref_slice %arg7[%dma_wait3A_1299, %dma_wait3A_1300, %dma_wait3A_1301] : memref<24x128x16xf32, #tpu.memory_space<vmem>> -> memref<1x128x16xf32, #tpu.memory_space<vmem>>
    %dma_wait3A_1303 = tpu.memref_squeeze %dma_wait3A_1302 : memref<1x128x16xf32, #tpu.memory_space<vmem>> -> memref<128x16xf32, #tpu.memory_space<vmem>>
    %dma_wait3A_1304 = arith.constant 0 : i32
    %dma_wait3A_1305 = tpu.memref_slice %arg4[%add3A_954, %dma_wait3A_1304] : memref<98304x16xf32, #tpu.memory_space<hbm>> -> memref<128x16xf32, #tpu.memory_space<hbm>>
    %dma_wait3A_1306 = arith.constant 0 : i32
    %dma_wait3A_1307 = tpu.memref_slice %arg4[%add3A_954, %dma_wait3A_1306] : memref<98304x16xf32, #tpu.memory_space<hbm>> -> memref<128x16xf32, #tpu.memory_space<hbm>>
    %dma_wait3A_1308 = arith.constant 0 : i32
    %dma_wait3A_1309 = arith.constant 0 : i32
    %dma_wait3A_1310 = tpu.memref_slice %arg7[%dma_wait3A_1299, %dma_wait3A_1308, %dma_wait3A_1309] : memref<24x128x16xf32, #tpu.memory_space<vmem>> -> memref<1x128x16xf32, #tpu.memory_space<vmem>>
    %dma_wait3A_1311 = tpu.memref_squeeze %dma_wait3A_1310 : memref<1x128x16xf32, #tpu.memory_space<vmem>> -> memref<128x16xf32, #tpu.memory_space<vmem>>
    tpu.wait_dma2 semaphore(%arg9 : memref<!tpu.dma_semaphore, #tpu.memory_space<semaphore_mem>>) src(%dma_wait3A_1311 : memref<128x16xf32, #tpu.memory_space<vmem>>) dst(%dma_wait3A_1307 : memref<128x16xf32, #tpu.memory_space<hbm>>)
    %dma_wait3A_1312 = arith.constant 22 : i32
    %dma_wait3A_1313 = arith.constant 0 : i32
    %dma_wait3A_1314 = arith.constant 0 : i32
    %dma_wait3A_1315 = tpu.memref_slice %arg7[%dma_wait3A_1312, %dma_wait3A_1313, %dma_wait3A_1314] : memref<24x128x16xf32, #tpu.memory_space<vmem>> -> memref<1x128x16xf32, #tpu.memory_space<vmem>>
    %dma_wait3A_1316 = tpu.memref_squeeze %dma_wait3A_1315 : memref<1x128x16xf32, #tpu.memory_space<vmem>> -> memref<128x16xf32, #tpu.memory_space<vmem>>
    %dma_wait3A_1317 = arith.constant 0 : i32
    %dma_wait3A_1318 = tpu.memref_slice %arg4[%add3A_983, %dma_wait3A_1317] : memref<98304x16xf32, #tpu.memory_space<hbm>> -> memref<128x16xf32, #tpu.memory_space<hbm>>
    %dma_wait3A_1319 = arith.constant 0 : i32
    %dma_wait3A_1320 = tpu.memref_slice %arg4[%add3A_983, %dma_wait3A_1319] : memref<98304x16xf32, #tpu.memory_space<hbm>> -> memref<128x16xf32, #tpu.memory_space<hbm>>
    %dma_wait3A_1321 = arith.constant 0 : i32
    %dma_wait3A_1322 = arith.constant 0 : i32
    %dma_wait3A_1323 = tpu.memref_slice %arg7[%dma_wait3A_1312, %dma_wait3A_1321, %dma_wait3A_1322] : memref<24x128x16xf32, #tpu.memory_space<vmem>> -> memref<1x128x16xf32, #tpu.memory_space<vmem>>
    %dma_wait3A_1324 = tpu.memref_squeeze %dma_wait3A_1323 : memref<1x128x16xf32, #tpu.memory_space<vmem>> -> memref<128x16xf32, #tpu.memory_space<vmem>>
    tpu.wait_dma2 semaphore(%arg9 : memref<!tpu.dma_semaphore, #tpu.memory_space<semaphore_mem>>) src(%dma_wait3A_1324 : memref<128x16xf32, #tpu.memory_space<vmem>>) dst(%dma_wait3A_1320 : memref<128x16xf32, #tpu.memory_space<hbm>>)
    %dma_wait3A_1325 = arith.constant 23 : i32
    %dma_wait3A_1326 = arith.constant 0 : i32
    %dma_wait3A_1327 = arith.constant 0 : i32
    %dma_wait3A_1328 = tpu.memref_slice %arg7[%dma_wait3A_1325, %dma_wait3A_1326, %dma_wait3A_1327] : memref<24x128x16xf32, #tpu.memory_space<vmem>> -> memref<1x128x16xf32, #tpu.memory_space<vmem>>
    %dma_wait3A_1329 = tpu.memref_squeeze %dma_wait3A_1328 : memref<1x128x16xf32, #tpu.memory_space<vmem>> -> memref<128x16xf32, #tpu.memory_space<vmem>>
    %dma_wait3A_1330 = arith.constant 0 : i32
    %dma_wait3A_1331 = tpu.memref_slice %arg4[%add3A_1012, %dma_wait3A_1330] : memref<98304x16xf32, #tpu.memory_space<hbm>> -> memref<128x16xf32, #tpu.memory_space<hbm>>
    %dma_wait3A_1332 = arith.constant 0 : i32
    %dma_wait3A_1333 = tpu.memref_slice %arg4[%add3A_1012, %dma_wait3A_1332] : memref<98304x16xf32, #tpu.memory_space<hbm>> -> memref<128x16xf32, #tpu.memory_space<hbm>>
    %dma_wait3A_1334 = arith.constant 0 : i32
    %dma_wait3A_1335 = arith.constant 0 : i32
    %dma_wait3A_1336 = tpu.memref_slice %arg7[%dma_wait3A_1325, %dma_wait3A_1334, %dma_wait3A_1335] : memref<24x128x16xf32, #tpu.memory_space<vmem>> -> memref<1x128x16xf32, #tpu.memory_space<vmem>>
    %dma_wait3A_1337 = tpu.memref_squeeze %dma_wait3A_1336 : memref<1x128x16xf32, #tpu.memory_space<vmem>> -> memref<128x16xf32, #tpu.memory_space<vmem>>
    tpu.wait_dma2 semaphore(%arg9 : memref<!tpu.dma_semaphore, #tpu.memory_space<semaphore_mem>>) src(%dma_wait3A_1337 : memref<128x16xf32, #tpu.memory_space<vmem>>) dst(%dma_wait3A_1333 : memref<128x16xf32, #tpu.memory_space<hbm>>)
    return
  }
}

module attributes {stable_mosaic.version = 14 : i64} {
  func.func @_mlp_body(%arg0: memref<512x3x8x128xf32, #tpu.memory_space<vmem>>, %arg1: memref<272x256xf32, #tpu.memory_space<vmem>>, %arg2: memref<1x256xf32, #tpu.memory_space<vmem>>, %arg3: memref<1x256xf32, #tpu.memory_space<vmem>>, %arg4: memref<1x256xf32, #tpu.memory_space<vmem>>, %arg5: memref<256x256xf32, #tpu.memory_space<vmem>>, %arg6: memref<1x256xf32, #tpu.memory_space<vmem>>, %arg7: memref<1x256xf32, #tpu.memory_space<vmem>>, %arg8: memref<1x256xf32, #tpu.memory_space<vmem>>, %arg9: memref<256x128xf32, #tpu.memory_space<vmem>>, %arg10: memref<1x128xf32, #tpu.memory_space<vmem>>, %arg11: memref<1x128xf32, #tpu.memory_space<vmem>>, %arg12: memref<1x128xf32, #tpu.memory_space<vmem>>, %arg13: memref<128x1xf32, #tpu.memory_space<vmem>>, %arg14: memref<1x1xf32, #tpu.memory_space<vmem>>, %arg15: memref<4096x1xf32, #tpu.memory_space<vmem>>) attributes {dimension_semantics = [], scalar_prefetch = 0 : i64, scratch_operands = 0 : i64, tpu.core_type = #tpu.core_type<tc>} {
    %get3A = arith.constant 0 : index
    %get3A_0 = arith.constant 0 : index
    %get3A_1 = arith.constant 0 : index
    %get3A_2 = arith.constant 0 : index
    %get3A_3 = vector.load %arg0[%get3A, %get3A_0, %get3A_1, %get3A_2] : memref<512x3x8x128xf32, #tpu.memory_space<vmem>>, vector<512x3x8x128xf32>
    %slice3A = vector.extract_strided_slice %get3A_3 {offsets = [0, 0, 0, 0], sizes = [512, 1, 8, 128], strides = [1, 1, 1, 1]} : vector<512x3x8x128xf32> to vector<512x1x8x128xf32>
    %squeeze3A = vector.shape_cast %slice3A : vector<512x1x8x128xf32> to vector<512x8x128xf32>
    %reshape3A = vector.shape_cast %squeeze3A : vector<512x8x128xf32> to vector<4096x128xf32>
    %slice3A_4 = vector.extract_strided_slice %get3A_3 {offsets = [0, 1, 0, 0], sizes = [512, 1, 8, 128], strides = [1, 1, 1, 1]} : vector<512x3x8x128xf32> to vector<512x1x8x128xf32>
    %squeeze3A_5 = vector.shape_cast %slice3A_4 : vector<512x1x8x128xf32> to vector<512x8x128xf32>
    %reshape3A_6 = vector.shape_cast %squeeze3A_5 : vector<512x8x128xf32> to vector<4096x128xf32>
    %slice3A_7 = vector.extract_strided_slice %get3A_3 {offsets = [0, 2, 0, 0], sizes = [512, 1, 8, 128], strides = [1, 1, 1, 1]} : vector<512x3x8x128xf32> to vector<512x1x8x128xf32>
    %squeeze3A_8 = vector.shape_cast %slice3A_7 : vector<512x1x8x128xf32> to vector<512x8x128xf32>
    %reshape3A_9 = vector.shape_cast %squeeze3A_8 : vector<512x8x128xf32> to vector<4096x128xf32>
    %concatenate3A = tpu.concatenate %reshape3A, %reshape3A_6, %reshape3A_9 in 1 : vector<4096x128xf32>, vector<4096x128xf32>, vector<4096x128xf32> -> vector<4096x384xf32>
    %slice3A_10 = vector.extract_strided_slice %concatenate3A {offsets = [0, 0], sizes = [4096, 272], strides = [1, 1]} : vector<4096x384xf32> to vector<4096x272xf32>
    %get3A_11 = arith.constant 0 : index
    %get3A_12 = arith.constant 0 : index
    %get3A_13 = vector.load %arg1[%get3A_11, %get3A_12] : memref<272x256xf32, #tpu.memory_space<vmem>>, vector<272x256xf32>
    %dot_general3A = arith.constant dense<0.000000e+00> : vector<4096x256xf32>
    %dot_general3A_14 = tpu.matmul %slice3A_10, %get3A_13, %dot_general3A {dimension_numbers = #tpu.dot_dimension_numbers<[1], [0], [0], [1], [0, 0, 1, 1], [], []>, transpose_lhs_hint = false} : vector<4096x272xf32>, vector<272x256xf32>, vector<4096x256xf32> -> vector<4096x256xf32>
    %get3A_15 = arith.constant 0 : index
    %get3A_16 = arith.constant 0 : index
    %get3A_17 = vector.load %arg2[%get3A_15, %get3A_16] : memref<1x256xf32, #tpu.memory_space<vmem>>, vector<1x256xf32>
    %add3A = vector.broadcast %get3A_17 : vector<1x256xf32> to vector<4096x256xf32>
    %add3A_18 = arith.addf %dot_general3A_14, %add3A : vector<4096x256xf32>
    %max3A = arith.constant 0.000000e+00 : f32
    %max3A_19 = vector.broadcast %max3A : f32 to vector<4096x256xf32>
    %max3A_20 = arith.maximumf %add3A_18, %max3A_19 : vector<4096x256xf32>
    %reduce_sum3A = arith.constant dense<0.000000e+00> : vector<256xf32>
    %reduce_sum3A_21 = vector.multi_reduction <add>, %max3A_20, %reduce_sum3A [0] : vector<4096x256xf32> to vector<256xf32>
    %broadcast_in_dim3A = vector.shape_cast %reduce_sum3A_21 : vector<256xf32> to vector<1x256xf32>
    %div3A = arith.constant 4.096000e+03 : f32
    %div3A_22 = vector.broadcast %div3A : f32 to vector<1x256xf32>
    %div3A_23 = arith.divf %broadcast_in_dim3A, %div3A_22 : vector<1x256xf32>
    %sub3A = vector.broadcast %div3A_23 : vector<1x256xf32> to vector<4096x256xf32>
    %sub3A_24 = arith.subf %max3A_20, %sub3A : vector<4096x256xf32>
    %integer_pow3A = arith.mulf %sub3A_24, %sub3A_24 : vector<4096x256xf32>
    %reduce_sum3A_25 = arith.constant dense<0.000000e+00> : vector<256xf32>
    %reduce_sum3A_26 = vector.multi_reduction <add>, %integer_pow3A, %reduce_sum3A_25 [0] : vector<4096x256xf32> to vector<256xf32>
    %broadcast_in_dim3A_27 = vector.shape_cast %reduce_sum3A_26 : vector<256xf32> to vector<1x256xf32>
    %div3A_28 = arith.constant 4.096000e+03 : f32
    %div3A_29 = vector.broadcast %div3A_28 : f32 to vector<1x256xf32>
    %div3A_30 = arith.divf %broadcast_in_dim3A_27, %div3A_29 : vector<1x256xf32>
    %sub3A_31 = vector.broadcast %div3A_23 : vector<1x256xf32> to vector<4096x256xf32>
    %sub3A_32 = arith.subf %max3A_20, %sub3A_31 : vector<4096x256xf32>
    %get3A_33 = arith.constant 0 : index
    %get3A_34 = arith.constant 0 : index
    %get3A_35 = vector.load %arg3[%get3A_33, %get3A_34] : memref<1x256xf32, #tpu.memory_space<vmem>>, vector<1x256xf32>
    %add3A_36 = arith.constant 9.99999974E-6 : f32
    %add3A_37 = vector.broadcast %add3A_36 : f32 to vector<1x256xf32>
    %add3A_38 = arith.addf %div3A_30, %add3A_37 : vector<1x256xf32>
    %rsqrt3A = math.rsqrt %add3A_38 : vector<1x256xf32>
    %mul3A = arith.mulf %get3A_35, %rsqrt3A : vector<1x256xf32>
    %mul3A_39 = vector.broadcast %mul3A : vector<1x256xf32> to vector<4096x256xf32>
    %mul3A_40 = arith.mulf %sub3A_32, %mul3A_39 : vector<4096x256xf32>
    %get3A_41 = arith.constant 0 : index
    %get3A_42 = arith.constant 0 : index
    %get3A_43 = vector.load %arg4[%get3A_41, %get3A_42] : memref<1x256xf32, #tpu.memory_space<vmem>>, vector<1x256xf32>
    %add3A_44 = vector.broadcast %get3A_43 : vector<1x256xf32> to vector<4096x256xf32>
    %add3A_45 = arith.addf %mul3A_40, %add3A_44 : vector<4096x256xf32>
    %get3A_46 = arith.constant 0 : index
    %get3A_47 = arith.constant 0 : index
    %get3A_48 = vector.load %arg5[%get3A_46, %get3A_47] : memref<256x256xf32, #tpu.memory_space<vmem>>, vector<256x256xf32>
    %dot_general3A_49 = arith.constant dense<0.000000e+00> : vector<4096x256xf32>
    %dot_general3A_50 = tpu.matmul %add3A_45, %get3A_48, %dot_general3A_49 {dimension_numbers = #tpu.dot_dimension_numbers<[1], [0], [0], [1], [0, 0, 1, 1], [], []>, transpose_lhs_hint = false} : vector<4096x256xf32>, vector<256x256xf32>, vector<4096x256xf32> -> vector<4096x256xf32>
    %get3A_51 = arith.constant 0 : index
    %get3A_52 = arith.constant 0 : index
    %get3A_53 = vector.load %arg6[%get3A_51, %get3A_52] : memref<1x256xf32, #tpu.memory_space<vmem>>, vector<1x256xf32>
    %add3A_54 = vector.broadcast %get3A_53 : vector<1x256xf32> to vector<4096x256xf32>
    %add3A_55 = arith.addf %dot_general3A_50, %add3A_54 : vector<4096x256xf32>
    %max3A_56 = arith.constant 0.000000e+00 : f32
    %max3A_57 = vector.broadcast %max3A_56 : f32 to vector<4096x256xf32>
    %max3A_58 = arith.maximumf %add3A_55, %max3A_57 : vector<4096x256xf32>
    %reduce_sum3A_59 = arith.constant dense<0.000000e+00> : vector<256xf32>
    %reduce_sum3A_60 = vector.multi_reduction <add>, %max3A_58, %reduce_sum3A_59 [0] : vector<4096x256xf32> to vector<256xf32>
    %broadcast_in_dim3A_61 = vector.shape_cast %reduce_sum3A_60 : vector<256xf32> to vector<1x256xf32>
    %div3A_62 = arith.constant 4.096000e+03 : f32
    %div3A_63 = vector.broadcast %div3A_62 : f32 to vector<1x256xf32>
    %div3A_64 = arith.divf %broadcast_in_dim3A_61, %div3A_63 : vector<1x256xf32>
    %sub3A_65 = vector.broadcast %div3A_64 : vector<1x256xf32> to vector<4096x256xf32>
    %sub3A_66 = arith.subf %max3A_58, %sub3A_65 : vector<4096x256xf32>
    %integer_pow3A_67 = arith.mulf %sub3A_66, %sub3A_66 : vector<4096x256xf32>
    %reduce_sum3A_68 = arith.constant dense<0.000000e+00> : vector<256xf32>
    %reduce_sum3A_69 = vector.multi_reduction <add>, %integer_pow3A_67, %reduce_sum3A_68 [0] : vector<4096x256xf32> to vector<256xf32>
    %broadcast_in_dim3A_70 = vector.shape_cast %reduce_sum3A_69 : vector<256xf32> to vector<1x256xf32>
    %div3A_71 = arith.constant 4.096000e+03 : f32
    %div3A_72 = vector.broadcast %div3A_71 : f32 to vector<1x256xf32>
    %div3A_73 = arith.divf %broadcast_in_dim3A_70, %div3A_72 : vector<1x256xf32>
    %sub3A_74 = vector.broadcast %div3A_64 : vector<1x256xf32> to vector<4096x256xf32>
    %sub3A_75 = arith.subf %max3A_58, %sub3A_74 : vector<4096x256xf32>
    %get3A_76 = arith.constant 0 : index
    %get3A_77 = arith.constant 0 : index
    %get3A_78 = vector.load %arg7[%get3A_76, %get3A_77] : memref<1x256xf32, #tpu.memory_space<vmem>>, vector<1x256xf32>
    %add3A_79 = arith.constant 9.99999974E-6 : f32
    %add3A_80 = vector.broadcast %add3A_79 : f32 to vector<1x256xf32>
    %add3A_81 = arith.addf %div3A_73, %add3A_80 : vector<1x256xf32>
    %rsqrt3A_82 = math.rsqrt %add3A_81 : vector<1x256xf32>
    %mul3A_83 = arith.mulf %get3A_78, %rsqrt3A_82 : vector<1x256xf32>
    %mul3A_84 = vector.broadcast %mul3A_83 : vector<1x256xf32> to vector<4096x256xf32>
    %mul3A_85 = arith.mulf %sub3A_75, %mul3A_84 : vector<4096x256xf32>
    %get3A_86 = arith.constant 0 : index
    %get3A_87 = arith.constant 0 : index
    %get3A_88 = vector.load %arg8[%get3A_86, %get3A_87] : memref<1x256xf32, #tpu.memory_space<vmem>>, vector<1x256xf32>
    %add3A_89 = vector.broadcast %get3A_88 : vector<1x256xf32> to vector<4096x256xf32>
    %add3A_90 = arith.addf %mul3A_85, %add3A_89 : vector<4096x256xf32>
    %get3A_91 = arith.constant 0 : index
    %get3A_92 = arith.constant 0 : index
    %get3A_93 = vector.load %arg9[%get3A_91, %get3A_92] : memref<256x128xf32, #tpu.memory_space<vmem>>, vector<256x128xf32>
    %dot_general3A_94 = arith.constant dense<0.000000e+00> : vector<4096x128xf32>
    %dot_general3A_95 = tpu.matmul %add3A_90, %get3A_93, %dot_general3A_94 {dimension_numbers = #tpu.dot_dimension_numbers<[1], [0], [0], [1], [0, 0, 1, 1], [], []>, transpose_lhs_hint = false} : vector<4096x256xf32>, vector<256x128xf32>, vector<4096x128xf32> -> vector<4096x128xf32>
    %get3A_96 = arith.constant 0 : index
    %get3A_97 = arith.constant 0 : index
    %get3A_98 = vector.load %arg10[%get3A_96, %get3A_97] : memref<1x128xf32, #tpu.memory_space<vmem>>, vector<1x128xf32>
    %add3A_99 = vector.broadcast %get3A_98 : vector<1x128xf32> to vector<4096x128xf32>
    %add3A_100 = arith.addf %dot_general3A_95, %add3A_99 : vector<4096x128xf32>
    %max3A_101 = arith.constant 0.000000e+00 : f32
    %max3A_102 = vector.broadcast %max3A_101 : f32 to vector<4096x128xf32>
    %max3A_103 = arith.maximumf %add3A_100, %max3A_102 : vector<4096x128xf32>
    %reduce_sum3A_104 = arith.constant dense<0.000000e+00> : vector<128xf32>
    %reduce_sum3A_105 = vector.multi_reduction <add>, %max3A_103, %reduce_sum3A_104 [0] : vector<4096x128xf32> to vector<128xf32>
    %broadcast_in_dim3A_106 = vector.shape_cast %reduce_sum3A_105 : vector<128xf32> to vector<1x128xf32>
    %div3A_107 = arith.constant 4.096000e+03 : f32
    %div3A_108 = vector.broadcast %div3A_107 : f32 to vector<1x128xf32>
    %div3A_109 = arith.divf %broadcast_in_dim3A_106, %div3A_108 : vector<1x128xf32>
    %sub3A_110 = vector.broadcast %div3A_109 : vector<1x128xf32> to vector<4096x128xf32>
    %sub3A_111 = arith.subf %max3A_103, %sub3A_110 : vector<4096x128xf32>
    %integer_pow3A_112 = arith.mulf %sub3A_111, %sub3A_111 : vector<4096x128xf32>
    %reduce_sum3A_113 = arith.constant dense<0.000000e+00> : vector<128xf32>
    %reduce_sum3A_114 = vector.multi_reduction <add>, %integer_pow3A_112, %reduce_sum3A_113 [0] : vector<4096x128xf32> to vector<128xf32>
    %broadcast_in_dim3A_115 = vector.shape_cast %reduce_sum3A_114 : vector<128xf32> to vector<1x128xf32>
    %div3A_116 = arith.constant 4.096000e+03 : f32
    %div3A_117 = vector.broadcast %div3A_116 : f32 to vector<1x128xf32>
    %div3A_118 = arith.divf %broadcast_in_dim3A_115, %div3A_117 : vector<1x128xf32>
    %sub3A_119 = vector.broadcast %div3A_109 : vector<1x128xf32> to vector<4096x128xf32>
    %sub3A_120 = arith.subf %max3A_103, %sub3A_119 : vector<4096x128xf32>
    %get3A_121 = arith.constant 0 : index
    %get3A_122 = arith.constant 0 : index
    %get3A_123 = vector.load %arg11[%get3A_121, %get3A_122] : memref<1x128xf32, #tpu.memory_space<vmem>>, vector<1x128xf32>
    %add3A_124 = arith.constant 9.99999974E-6 : f32
    %add3A_125 = vector.broadcast %add3A_124 : f32 to vector<1x128xf32>
    %add3A_126 = arith.addf %div3A_118, %add3A_125 : vector<1x128xf32>
    %rsqrt3A_127 = math.rsqrt %add3A_126 : vector<1x128xf32>
    %mul3A_128 = arith.mulf %get3A_123, %rsqrt3A_127 : vector<1x128xf32>
    %mul3A_129 = vector.broadcast %mul3A_128 : vector<1x128xf32> to vector<4096x128xf32>
    %mul3A_130 = arith.mulf %sub3A_120, %mul3A_129 : vector<4096x128xf32>
    %get3A_131 = arith.constant 0 : index
    %get3A_132 = arith.constant 0 : index
    %get3A_133 = vector.load %arg12[%get3A_131, %get3A_132] : memref<1x128xf32, #tpu.memory_space<vmem>>, vector<1x128xf32>
    %add3A_134 = vector.broadcast %get3A_133 : vector<1x128xf32> to vector<4096x128xf32>
    %add3A_135 = arith.addf %mul3A_130, %add3A_134 : vector<4096x128xf32>
    %get3A_136 = arith.constant 0 : index
    %get3A_137 = arith.constant 0 : index
    %get3A_138 = vector.load %arg13[%get3A_136, %get3A_137] : memref<128x1xf32, #tpu.memory_space<vmem>>, vector<128x1xf32>
    %dot_general3A_139 = arith.constant dense<0.000000e+00> : vector<4096x1xf32>
    %dot_general3A_140 = tpu.matmul %add3A_135, %get3A_138, %dot_general3A_139 {dimension_numbers = #tpu.dot_dimension_numbers<[1], [0], [0], [1], [0, 0, 1, 1], [], []>, transpose_lhs_hint = false} : vector<4096x128xf32>, vector<128x1xf32>, vector<4096x1xf32> -> vector<4096x1xf32>
    %get3A_141 = arith.constant 0 : index
    %get3A_142 = arith.constant 0 : index
    %get3A_143 = vector.load %arg14[%get3A_141, %get3A_142] : memref<1x1xf32, #tpu.memory_space<vmem>>, vector<1x1xf32>
    %add3A_144 = vector.broadcast %get3A_143 : vector<1x1xf32> to vector<4096x1xf32>
    %add3A_145 = arith.addf %dot_general3A_140, %add3A_144 : vector<4096x1xf32>
    %swap3A = arith.constant 0 : index
    %swap3A_146 = arith.constant 0 : index
    %swap3A_147 = vector.load %arg15[%swap3A, %swap3A_146] : memref<4096x1xf32, #tpu.memory_space<vmem>>, vector<4096x1xf32>
    tpu.vector_store %arg15[%swap3A, %swap3A_146], %add3A_145 {strides = array<i32>} : memref<4096x1xf32, #tpu.memory_space<vmem>>, vector<4096x1xf32>,
    return
  }
}

</mosaic_0001>

<sc_bundles>
// kernel: kernel.4.cloned.1.call-start
scs
__scs_entry_jumppad:
0x0: {  	(pc) =	sbr.rel $0x88, $3  }
0x1: {  	(tag) =	ssettag $0x0;
	lr =	simm.s32 $0x1  }
0x2: {  	[smem:$0x3F81] =	sst lr;
	_ =	strace $0xD0000000  }
0x3: {  	_ = 	snop  }
0x4: {  	_ = 	snop  }
0x5: {  	_ = 	snop  }
0x6: {  	_ = 	snop  }
0x7: {  	_ = 	snop  }
__scs_overlays_trampoline_lowered:
0x8: {  	[smem:$0x3F90] =	sst s0  }
0x9: {  	[smem:$0x3F91] =	sst s1  }
0xa: {  	[smem:$0x3F92] =	sst s2  }
0xb: {  	[smem:$0x3F93] =	sst s3  }
0xc: {  	[smem:$0x3F94] =	sst s4  }
0xd: {  	[smem:$0x3F95] =	sst s5  }
0xe: {  	[smem:$0x3F96] =	sst s6  }
0xf: {  	[smem:$0x3F97] =	sst s7  }
0x10: {  	[smem:$0x3F98] =	sst s8  }
0x11: {  	[smem:$0x3F99] =	sst s9;
	s0 =	simm.s32 @!p0 $0x0  }
0x12: {  	s1 =	sld [smem:$0x3F7F];
	s0 =	simm.s32 @p0 $0x1  }
0x13: {  	[smem:$0x3F9A] =	sst s0;
	s0 =	simm.s32 @!p1 $0x0  }
0x14: {  	s2 =	sld [smem:$0x3F7E];
	s0 =	simm.s32 @p1 $0x1  }
0x15: {  	[smem:$0x3F9B] =	sst s0;
	s0 =	simm.s32 @!p2 $0x0  }
0x16: {  	s3 =	sld [smem:$0x3FDB];
	s0 =	simm.s32 @p2 $0x1  }
0x17: {  	s4 =	simm.s32 $0x1BF5;
	[smem:$0x3F9D] =	sst s0  }
0x18: {  	s0 =	sld [smem:$0x3F80];
	_ =	swait.ge [sflag:s4], $0x0  }
0x19: {  	s7 =	sld [smem:$0x3F81]  }
0x1a: {  	s8 =	sadd.s32 $0xFFFFE003, lr  }
0x1b: {  	s9 =	sadd.s32 $0xFFFFFEF7, lr;
	s5 =	simm.s32 $0xFFFFFFFF;
	p2 =	slt.u32 s8, $0xFFFFF086  }
0x1c: {  	p1 =	slt.u32 s9, $0xF7A;
	s5 =	simm.s32 @!p2 $0x0  }
0x1d: {  	s5 =	simm.s32 @p1 $0x1;
	p0 =	seq.s32 s7, s2  }
0x1e: {  	s7 =	smul.u32 @!p0 $0xF7A, s2;
	p2 =	seq.s32 @!p0 s5, $0x0  }
0x1f: {  	s9 =	smul.u32 $0xF7A, s1;
	s8 =	simm.s32 @!p0 $0x1BF5;
	p2 =	por !p2, p0  }
0x20: {  	[sflag:s8] =	ssyncset.s32 @!p0 $0xFFFFF086;
	s6 =	sadd.s32 @!p0 s3, s7;
	s7 =	simm.s32 @!p0 $0x108  }
0x21: {  	s3 =	sadd.s32 s3, s9;
	s6 =	sadd.s32 @!p0 $0x88, s6;
	s7 =	simm.s32 @p2 $0x1082  }
0x22: {  	[simem:s7], [sflag:s8] =	dma.local @!p0 [hbm:s6], $0xF7A  }
0x23: {  	s9 =	sor.u32 $0xD0000000, s2;
	s6 =	simm.s32 $0x108;
	_ =	swait.ge @!p0 [sflag:s8], $0x0  }
0x24: {  	s3 =	sadd.s32 $0x88, s3;
	s6 =	simm.s32 @!p1 $0x1082;
	[sflag:s4] =	ssyncset.s32 $0xFFFFF086  }
0x25: {  	[simem:s6], [sflag:s4] =	dma.local [hbm:s3], $0xF7A  }
0x26: {  	[smem:$0x3F81] =	sst s1;
	(tag) =	ssettag s2;
	_ =	strace s9  }
0x27: {  	s1 =	sld [smem:$0x3F91]  }
0x28: {  	s2 =	sld [smem:$0x3F92]  }
0x29: {  	s4 =	sld [smem:$0x3F94]  }
0x2a: {  	p0 =	seq.s32 s5, $0x0;
	s5 =	sld [smem:$0x3F95]  }
0x2b: {  	s6 =	sld [smem:$0x3F96]  }
0x2c: {  	s7 =	sld [smem:$0x3F97]  }
0x2d: {  	s3 =	simm.s32 $0x108;
	s8 =	sld [smem:$0x3F98]  }
0x2e: {  	s3 =	simm.s32 @!p0 $0x1082;
	s9 =	sld [smem:$0x3F99]  }
0x2f: {  	lr =	sadd.s32 s0, s3;
	s0 =	sld [smem:$0x3F90]  }
0x30: {  	s3 =	sld [smem:$0x3F93]  }
0x31: {  	[smem:$0x3F9C] =	sst s10  }
0x32: {  	s10 =	sld [smem:$0x3F9A];
	_ =	sdelay $0x3  }
0x33: {  	p0 =	seq.s32 s10, $0x1;
	s10 =	sld [smem:$0x3F9C];
	_ =	sdelay $0x3  }
0x34: {  	[smem:$0x3F9C] =	sst s10  }
0x35: {  	s10 =	sld [smem:$0x3F9B];
	_ =	sdelay $0x3  }
0x36: {  	p1 =	seq.s32 s10, $0x1;
	s10 =	sld [smem:$0x3F9C];
	_ =	sdelay $0x3  }
0x37: {  	[smem:$0x3F9C] =	sst s10  }
0x38: {  	s10 =	sld [smem:$0x3F9D]  }
0x39: {  	_ = 	snop;
	(pc) =	sbr.ind lr, $3  }
0x3a: {  	_ = 	snop  }
0x3b: {  	_ = 	snop  }
0x3c: {  	p2 =	seq.s32 s10, $0x1;
	s10 =	sld [smem:$0x3F9C]  }
0x3d: {  	_ =	shalt  }
0x3e: {  	_ =	shalt  }
0x3f: {  	_ =	shalt  }
0x40: {  	_ =	shalt  }
0x41: {  	_ =	shalt  }
0x42: {  	_ =	shalt  }
0x43: {  	_ =	shalt  }
0x44: {  	_ =	shalt  }
0x45: {  	_ =	shalt  }
0x46: {  	_ =	shalt  }
0x47: {  	_ =	shalt  }
0x48: {  	_ =	shalt  }
0x49: {  	_ =	shalt  }
0x4a: {  	_ =	shalt  }
0x4b: {  	_ =	shalt  }
0x4c: {  	_ =	shalt  }
0x4d: {  	_ =	shalt  }
0x4e: {  	_ =	shalt  }
0x4f: {  	_ =	shalt  }
0x50: {  	_ =	shalt  }
0x51: {  	_ =	shalt  }
0x52: {  	_ =	shalt  }
0x53: {  	_ =	shalt  }
0x54: {  	_ =	shalt  }
0x55: {  	_ =	shalt  }
0x56: {  	_ =	shalt  }
0x57: {  	_ =	shalt  }
0x58: {  	_ =	shalt  }
0x59: {  	_ =	shalt  }
0x5a: {  	_ =	shalt  }
0x5b: {  	_ =	shalt  }
0x5c: {  	_ =	shalt  }
0x5d: {  	_ =	shalt  }
0x5e: {  	_ =	shalt  }
0x5f: {  	_ =	shalt  }
0x60: {  	_ =	shalt  }
0x61: {  	_ =	shalt  }
0x62: {  	_ =	shalt  }
0x63: {  	_ =	shalt  }
0x64: {  	_ =	shalt  }
0x65: {  	_ =	shalt  }
0x66: {  	_ =	shalt  }
0x67: {  	_ =	shalt  }
0x68: {  	_ =	shalt  }
0x69: {  	_ =	shalt  }
0x6a: {  	_ =	shalt  }
0x6b: {  	_ =	shalt  }
0x6c: {  	_ =	shalt  }
0x6d: {  	_ =	shalt  }
0x6e: {  	_ =	shalt  }
0x6f: {  	_ =	shalt  }
0x70: {  	_ =	shalt  }
0x71: {  	_ =	shalt  }
0x72: {  	_ =	shalt  }
0x73: {  	_ =	shalt  }
0x74: {  	_ =	shalt  }
0x75: {  	_ =	shalt  }
0x76: {  	_ =	shalt  }
0x77: {  	_ =	shalt  }
0x78: {  	_ =	shalt  }
0x79: {  	_ =	shalt  }
0x7a: {  	_ =	shalt  }
0x7b: {  	_ =	shalt  }
0x7c: {  	_ =	shalt  }
0x7d: {  	_ =	shalt  }
0x7e: {  	_ =	shalt  }
0x7f: {  	_ =	shalt  }
0x80: {  	_ =	shalt  }
0x81: {  	_ =	shalt  }
0x82: {  	_ =	shalt  }
0x83: {  	_ =	shalt  }
0x84: {  	_ =	shalt  }
0x85: {  	_ =	shalt  }
0x86: {  	_ =	shalt  }
0x87: {  	_ =	shalt  }
.Lfunc_end0:
.L_simem_size_0:
called_computation_lowered:
.L_overlay_start_0:
0x88: {  	s2 =	sld [smem:$0x3FD9]  }
0x89: {  	s3 =	sld [smem:$0x3FFE];
	_ =	sdelay $0x1  }
0x8a: {  	s1 =	srdreg.scid  }
0x8b: {  	s0 =	sand.u32 $0x1, s1  }
0x8c: {  	s16 =	sshll.u32 s0, $0xA;
	s2 =	sadd.s32 s3, s2  }
0x8d: {  	s2 =	sadd.s32 s2, s16  }
0x8e: {  	[smem:$0x3FA8] =	sst s2  }
0x8f: {  	_ = 	snop  }
0x90: {  	(tm) =	ssettm $0x1  }
0x91: {  	s17 =	sld [smem:$0x3FFB];
	_ =	sdelay $0x3  }
0x92: {  	_ =	strace s17  }
0x93: {  	s2 =	sld [smem:$0x3FFC];
	_ =	sdelay $0x3  }
0x94: {  	_ =	strace s2  }
0x95: {  	s2 =	sld [smem:$0x3FFD];
	_ =	sdelay $0x3  }
0x96: {  	_ =	strace s2  }
0x97: {  	_ =	strace $0x8FFFFFFF  }
0x98: {  	s18 =	sld [smem:$0x3FDB];
	_ =	sdelay $0x1  }
0x99: {  	s19 =	simm.s32 $_scs_section_size  }
0x9a: {  	s4 =	simm.s32 $_size__tile_overlayer_lowered;
	s5 =	simm.s32 $_tile_overlayer_lowered  }
0x9b: {  	s22 =	simm.s32 $0x1BFF;
	s21 =	sshll.u32 s5, $0x1;
	s2 =	sadd.s32 s19, s18  }
0x9c: {  	s6 =	simm.s32 $0x0;
	s20 =	sshll.u32 s4, $0x1;
	s4 =	sadd.s32 s21, s2  }
0x9d: {  	[timem:s6], [sflag:s22] =	dma.local [hbm:s4], s20  }
0x9e: {  	_ =	swait.ge [sflag:s22], s20  }
0x9f: {  	s3 =	ssub.s32 $0x0, s20;
	[sflag:s22] =	ssyncset.done $0x0  }
0xa0: {  	[sflag:s22] =	ssyncadd.s32 s3;
	_ =	sdelay $0x1  }
0xa1: {  	s23 =	simm.s32 $0x1B8B  }
0xa2: {  	_ =	swait.ge [sflag:s23], $0x1  }
0xa3: {  	[sflag:s23] =	ssyncset.done $0x0  }
0xa4: {  	s25 =	simm.s32 $0x1B8E;
	s24 =	sld [smem:$0x3FFE];
	[sflag:s23] =	ssyncadd.s32 $0xFFFFFFFF  }
0xa5: {  	s26 =	simm.s32 $execute0_lowered;
	[smem:$0x3FD2] =	sst s25  }
0xa6: {  	s4 =	sshll.u32 s26, $0x1;
	_ =	strace $0x80000046;
	[dreg:$0x1] =	wrdreg $0xFFFFFFFF  }
0xa7: {  	s28 =	simm.s32 $_size_execute0_lowered;
	s2 =	sadd.s32 s2, s4;
	[dreg:$0x0] =	wrdreg $0x0  }
0xa8: {  	s4 =	sshll.u32 s28, $0x1;
	[dreg:$0x2] =	wrdreg s2  }
0xa9: {  	[dreg:$0x3] =	wrdreg s4  }
0xaa: {  	[dreg:$0x4] =	wrdreg $0xC0  }
0xab: {  	_ =	task [dreg:s6], $0x5FFFF  }
0xac: {  	[dreg:$0x1] =	wrdreg $0xFFFFFFFF  }
0xad: {  	[dreg:$0x0] =	wrdreg $0x60  }
0xae: {  	[dreg:$0x2] =	wrdreg s24  }
0xaf: {  	[dreg:$0x3] =	wrdreg $0x9  }
0xb0: {  	_ =	task.clear_ibuf [dreg:s6], $0x4FFFF;
	_ =	strace $0x90000046  }
0xb1: {  	s29 =	simm.s32 $0x9;
	_ =	strace $0x80000048  }
0xb2: {  	_ =	swait.ge [sflag:s29], $0x1  }
0xb3: {  	[sflag:s29] =	ssyncadd.s32 $0xFFFFFFFF  }
0xb4: {  	_ =	strace $0x90000048  }
0xb5: {  	_ =	sfence  }
0xb6: {  	s30 =	sld [smem:$0x0];
	_ =	sdelay $0x2  }
0xb7: {  	s31 =	sshll.u32 s1, $0xD;
	s1 =	sshrl.u32 s1, $0x2  }
0xb8: {  	s3 =	sand.u32 $0x4000, s31;
	s1 =	sadd.s32 s1, s30  }
0xb9: {  	s0 =	sor.u32 s3, s0;
	s1 =	sshll.u32 s1, $0x11  }
0xba: {  	s0 =	sor.u32 s1, s0  }
0xbb: {  	s0 =	sadd.s32 $0x8F2B, s0  }
0xbc: {  	[sflag:s0] =	ssyncadd.remote.s32 $0x1  }
0xbd: {  	_ =	sfence.sel $0xFFFF  }
0xbe: {  	[dreg:$0x0] =	wrdreg $0xFFFFFFFF;
	(pc) =	sbr.abs _section_cstart, $3  }
0xbf: {  	[dreg:$0x1] =	wrdreg $0xFFFFFFFF  }
0xc0: {  	_ =	task.clear_ibuf [dreg:s6], $0x2FFFF;
	_ =	strace $0x9FFFFFFF  }
0xc1: {  	(tm) =	ssettm $0x7FFFFFFF  }
tec
execute0_lowered:
.L_overlay_start_1:
0x0: {  	(tag) =	ssettag $0x1  }
0x1: {  	s0 =	srdreg.scid;
	s2 =	stileid.u32  }
0x2: {  	s1 =	rddreg [dreg:$0x0];
	s0 =	sand.u32 $0x1, s0;
	s3 =	sshll.u32 s2, $0x1  }
0x3: {  	s2 =	simm.s32 $0x0;
	s4 =	sor.u32 s0, s3;
	s0 =	ssub.s32 $0x2, s0  }
0x4: {  	[smem:$0x7FF] =	sst s2;
	s5 =	smul.u32 $0x110, s4;
	s7 =	sshrl.u32 s0, $0x1  }
0x5: {  	s3 =	sadd.s32 $0x2800, s1;
	_ =	strace $0x80000047;
	s0 =	ssub.s32 s0, s7  }
0x6: {  	s6 =	smul.u32 $0x1800, s4;
	s5 =	sadd.s32 s5, s1;
	s0 =	smax.u32 s0, $0x1  }
0x7: {  	s1 =	sadd.s32 $0x6600, s1;
	s5 =	sadd.s32 $0x4400, s5;
	[dreg:$0x16] =	wrdreg s0  }
0x8: {  	s4 =	smul.u32 $0xC000, s4;
	s31 =	sadd.s32 s1, s6;
	[dreg:$0x2] =	wrdreg s5  }
0x9: {  	s6 =	sadd.s32 $0x100, s31;
	[dreg:$0x1b] =	wrdreg s31  }
0xa: {  	s4 =	sshrl.u32 s4, $0x3;
	s7 =	sadd.s32 $0x200, s31;
	[dreg:$0x3] =	wrdreg s6  }
0xb: {  	s1 =	sadd.s32 s1, s4;
	s8 =	sadd.s32 $0x300, s31;
	[dreg:$0x4] =	wrdreg s7  }
0xc: {  	s9 =	sadd.s32 $0x800, s1;
	[dreg:$0x5] =	wrdreg s8  }
0xd: {  	s10 =	sadd.s32 $0x900, s1;
	[dreg:$0x6] =	wrdreg s9  }
0xe: {  	s11 =	sadd.s32 $0xA00, s1;
	[dreg:$0x7] =	wrdreg s10  }
0xf: {  	s12 =	sadd.s32 $0xB00, s1;
	[dreg:$0x8] =	wrdreg s11  }
0x10: {  	s13 =	sadd.s32 $0xC00, s1;
	[dreg:$0x9] =	wrdreg s12  }
0x11: {  	s14 =	sadd.s32 $0xD00, s1;
	[dreg:$0xa] =	wrdreg s13  }
0x12: {  	s15 =	sadd.s32 $0xE00, s1;
	[dreg:$0xb] =	wrdreg s14  }
0x13: {  	s16 =	sadd.s32 $0xF00, s1;
	[dreg:$0xc] =	wrdreg s15  }
0x14: {  	s17 =	sadd.s32 $0x1000, s1;
	[dreg:$0xd] =	wrdreg s16  }
0x15: {  	s18 =	sadd.s32 $0x1100, s1;
	[dreg:$0xe] =	wrdreg s17  }
0x16: {  	s19 =	sadd.s32 $0x1200, s1;
	[dreg:$0xf] =	wrdreg s18  }
0x17: {  	s20 =	sadd.s32 $0x1300, s1;
	[dreg:$0x10] =	wrdreg s19  }
0x18: {  	s21 =	sadd.s32 $0x1400, s1;
	[dreg:$0x11] =	wrdreg s20  }
0x19: {  	s22 =	sadd.s32 $0x1500, s1;
	[dreg:$0x12] =	wrdreg s21  }
0x1a: {  	s23 =	sadd.s32 $0x1600, s1;
	[dreg:$0x13] =	wrdreg s22  }
0x1b: {  	s29 =	simm.s32 $0x1;
	s1 =	sadd.s32 $0x1700, s1;
	[dreg:$0x14] =	wrdreg s23  }
0x1c: {  	s30 =	simm.s32 $0x0;
	s24 =	sadd.s32 $0x400, s31;
	[dreg:$0x15] =	wrdreg s1  }
0x1d: {  	s28 =	simm.s32 $0xBC80;
	s25 =	sadd.s32 $0x500, s31;
	[dreg:$0x17] =	wrdreg s24  }
0x1e: {  	s0 =	simm.s32 $0x80;
	s26 =	sadd.s32 $0x600, s31;
	[dreg:$0x18] =	wrdreg s25  }
0x1f: {  	v5 =	vimm.s32 $0x43424140;
	v4 =	vimm.s32 $0x76543210;
	s31 =	sadd.s32 $0x700, s31;
	s5 =	simm.s32 $0x9C80;
	[dreg:$0x19] =	wrdreg s26  }
0x20: {  	v0 =	vlaneseq.u32;
	v6 =	vimm.s32 $0x47464544;
	vm0 =	vcmask $0x1F10;
	[dreg:$0x1a] =	wrdreg s31;
	s1 =	simm.s32 $0x880;
	s6 =	simm.s32 $0x2  }
0x21: {  	v1 =	vor.u32 $0x10, v0;
	v2 =	vor.u32 $0x20, v0;
	v7 =	vunpack.c.l.s4.s8 v4;
	s12 =	simm.s32 $0x3480;
	s13 =	simm.s32 $0x3C80;
	s14 =	simm.s32 $0x4480  }
0x22: {  	v3 =	vor.u32 $0x30, v0;
	v8 =	vunpack.c.0.s8.s32 v5;
	v9 =	vunpack.c.0.s8.s32 v6;
	s15 =	simm.s32 $0x4C80;
	s16 =	simm.s32 $0x5480;
	s17 =	simm.s32 $0x5C80  }
0x23: {  	v4 =	vor.u32 $0x40, v0;
	v5 =	vor.u32 $0x50, v0;
	v10 =	vunpack.c.0.s8.s32 v7;
	s18 =	simm.s32 $0x6480;
	s19 =	simm.s32 $0x6C80;
	s20 =	simm.s32 $0x7480  }
0x24: {  	v6 =	vor.u32 $0x60, v0;
	v8 =	vsel vm0, v9, v8;
	vm0 =	vcmask $0x3F3C;
	s21 =	simm.s32 $0x7C80;
	s22 =	simm.s32 $0x8480;
	s23 =	simm.s32 $0x8C80  }
0x25: {  	v7 =	vor.u32 $0x70, v0;
	v9 =	vand.u32 $0x7, v0;
	v8 =	vcombine.low v10, v8;
	s24 =	simm.s32 $0x9480;
	s25 =	simm.s32 $0xA480;
	s26 =	simm.s32 $0xAC80  }
.LBB2_1:
0x26: {  	s7 =	rddreg [dreg:$0x2];
	s4 =	simm.s32 $0x3  }
0x27: {  	[tilespmem:s2], [sflag:$0x3] =	stream.linear.gather [hbm4b:s7+s2], $0x880, $0x38;
	[tilespmem:$0xD480] =	vst v63  }
0x28: {  	_ =	swait.ge [sflag:s4], $0x880  }
0x29: {  	[sflag:s4] =	ssyncset.done $0x0  }
0x2a: {  	s8 =	simm.s32 $0x0;
	s7 =	simm.s32 $0x200;
	[sflag:s4] =	ssyncadd.s32 $0xFFFFF780  }
.LBB2_2:
0x2b: {  	p0 =	sne.s32 s7, $0x2E00;
	[tilespmem:s8+$0x8F0] =	vst v7  }
0x2c: {  	[tilespmem:s8+$0x880] =	vst v0  }
0x2d: {  	[tilespmem:s8+$0x890] =	vst v1  }
.Ltmp0:
0x2e: {  	[tilespmem:s8+$0x8A0] =	vst v2;
	(pc) =	sbr.rel @p0 .LBB2_2-.Ltmp0, $4  }
0x2f: {  	[tilespmem:s8+$0x8B0] =	vst v3  }
0x30: {  	[tilespmem:s8+$0x8C0] =	vst v4  }
0x31: {  	[tilespmem:s8+$0x8D0] =	vst v5  }
0x32: {  	[tilespmem:s8+$0x8E0] =	vst v6;
	s8 =	sshra.s32 s7, $0x2;
	s7 =	sadd.s32 $0x200, s7  }
0x33: {  	[tilespmem:s8+$0x8F0] =	vst v7  }
0x34: {  	[tilespmem:s8+$0x880] =	vst v0  }
0x35: {  	[tilespmem:s8+$0x890] =	vst v1;
	s9 =	simm.s32 $0x0  }
0x36: {  	[tilespmem:s8+$0x8A0] =	vst v2;
	s7 =	simm.s32 $0x0;
	s9 =	smul.u32 $0xC0, s9  }
0x37: {  	[tilespmem:s8+$0x8B0] =	vst v3;
	s10 =	sand.u32 $0x38, s7  }
0x38: {  	[tilespmem:s8+$0x8C0] =	vst v4;
	s9 =	sor.u32 s10, s9  }
0x39: {  	[tilespmem:s8+$0x8D0] =	vst v5;
	v10 =	vadd.s32 s9, v8  }
0x3a: {  	[tilespmem:s8+$0x8E0] =	vst v6;
	s8 =	simm.s32 $0x1;
	v10 =	vand.u32 $0x7FFFFFF8, v10  }
0x3b: {  	v11 =	vld [tilespmem:s8+$0xFFFFFFFF];
	v10 =	vor.u32 v9, v10;
	_ =	sdelay $0x2  }
0x3c: {  	s9 =	sadd.s32 $0x80, s9  }
0x3d: {  	v12 =	vmov s9  }
0x3e: {  	[tilespmem:v10+s1+$0x0] =	vst.idx.msk $0xffff, v11;
	v10 =	vbroadcast v12, $0x0  }
0x3f: {  	s10 =	simm.s32 $0x0;
	s9 =	simm.s32 $0x2;
	v11 =	vld [tilespmem:s8+$0x0]  }
.LBB2_4:
0x40: {  	p0 =	sne.s32 s9, $0x7F;
	s10 =	smul.u32 $0xC0, s10;
	s7 =	sadd.s32 $0x8, s7  }
0x41: {  	s11 =	sand.u32 $0x38, s7  }
0x42: {  	s10 =	sor.u32 s11, s10  }
0x43: {  	v12 =	vadd.s32 s10, v8  }
0x44: {  	s8 =	sadd.s32 $0x11, s8;
	v12 =	vand.u32 $0x7FFFFFF8, v12;
	[tilespmem:v10+s1+$0x0] =	vst.idx.msk vm0, v11  }
0x45: {  	v10 =	vld [tilespmem:s8+$0xFFFFFFFF];
	v11 =	vor.u32 v9, v12;
	_ =	sdelay $0x1  }
.Ltmp1:
0x46: {  	(pc) =	sbr.rel @p0 .LBB2_4-.Ltmp1, $4  }
0x47: {  	s10 =	sadd.s32 $0x80, s10  }
0x48: {  	v12 =	vmov s10  }
0x49: {  	[tilespmem:v11+s1+$0x0] =	vst.idx.msk $0xffff, v10;
	v10 =	vbroadcast v12, $0x0  }
0x4a: {  	s10 =	sshrl.u32 s9, $0x3;
	s9 =	sadd.s32 $0x1, s9;
	v11 =	vld [tilespmem:s8+$0x0]  }
0x4b: {  	_ = 	snop  }
0x4c: {  	s9 =	smul.u32 $0xC0, s10;
	s7 =	sadd.s32 $0x8, s7  }
0x4d: {  	s7 =	sand.u32 $0x38, s7  }
0x4e: {  	s7 =	sor.u32 s7, s9  }
0x4f: {  	v12 =	vadd.s32 s7, v8  }
0x50: {  	s8 =	sadd.s32 $0x11, s8;
	v12 =	vand.u32 $0x7FFFFFF8, v12;
	[tilespmem:v10+s1+$0x0] =	vst.idx.msk vm0, v11  }
0x51: {  	v10 =	vld [tilespmem:s8+$0xFFFFFFFF];
	v11 =	vor.u32 v9, v12;
	_ =	sdelay $0x2  }
0x52: {  	s7 =	sadd.s32 $0x80, s7  }
0x53: {  	v63 =	vmov s7  }
0x54: {  	[tilespmem:v11+s1+$0x0] =	vst.idx.msk $0xffff, v10;
	v10 =	vbroadcast v63, $0x0  }
0x55: {  	v11 =	vld [tilespmem:s8+$0x0];
	_ =	sdelay $0x4  }
0x56: {  	s7 =	simm.s32 $0x1480;
	[tilespmem:v10+s1+$0x0] =	vst.idx.msk vm0, v11  }
0x57: {  	[tilespmem:s7], [sflag:$0x1] =	stream.indirect.gather [hbm4b:s3+s0], $0x10, s1, s0, $0xb8;
	[tilespmem:$0xD480] =	vst v63  }
0x58: {  	s11 =	simm.s32 $0x900;
	s9 =	simm.s32 $0x1C80  }
0x59: {  	[tilespmem:s9], [sflag:$0x1] =	stream.indirect.gather [hbm4b:s3+s0], $0x10, s11, s0, $0xb8;
	[tilespmem:$0xD480] =	vst v63  }
0x5a: {  	s31 =	simm.s32 $0x980;
	s10 =	simm.s32 $0x2480  }
0x5b: {  	[tilespmem:s10], [sflag:$0x1] =	stream.indirect.gather [hbm4b:s3+s0], $0x10, s31, s0, $0xb8;
	[tilespmem:$0xD480] =	vst v63  }
0x5c: {  	s4 =	simm.s32 $0xA00;
	s11 =	simm.s32 $0x2C80  }
0x5d: {  	[tilespmem:s11], [sflag:$0x1] =	stream.indirect.gather [hbm4b:s3+s0], $0x10, s4, s0, $0xb8;
	[tilespmem:$0xD480] =	vst v63  }
0x5e: {  	s31 =	simm.s32 $0xA80  }
0x5f: {  	[tilespmem:s12], [sflag:$0x1] =	stream.indirect.gather [hbm4b:s3+s0], $0x10, s31, s0, $0xb8;
	[tilespmem:$0xD480] =	vst v63  }
0x60: {  	s4 =	simm.s32 $0xB00  }
0x61: {  	[tilespmem:s13], [sflag:$0x1] =	stream.indirect.gather [hbm4b:s3+s0], $0x10, s4, s0, $0xb8;
	[tilespmem:$0xD480] =	vst v63  }
0x62: {  	s31 =	simm.s32 $0xB80  }
0x63: {  	[tilespmem:s14], [sflag:$0x1] =	stream.indirect.gather [hbm4b:s3+s0], $0x10, s31, s0, $0xb8;
	[tilespmem:$0xD480] =	vst v63  }
0x64: {  	s4 =	simm.s32 $0xC00  }
0x65: {  	[tilespmem:s15], [sflag:$0x1] =	stream.indirect.gather [hbm4b:s3+s0], $0x10, s4, s0, $0xb8;
	[tilespmem:$0xD480] =	vst v63  }
0x66: {  	s31 =	simm.s32 $0xC80  }
0x67: {  	[tilespmem:s16], [sflag:$0x1] =	stream.indirect.gather [hbm4b:s3+s0], $0x10, s31, s0, $0xb8;
	[tilespmem:$0xD480] =	vst v63  }
0x68: {  	s4 =	simm.s32 $0xD00  }
0x69: {  	[tilespmem:s17], [sflag:$0x1] =	stream.indirect.gather [hbm4b:s3+s0], $0x10, s4, s0, $0xb8;
	[tilespmem:$0xD480] =	vst v63  }
0x6a: {  	s31 =	simm.s32 $0xD80  }
0x6b: {  	[tilespmem:s18], [sflag:$0x1] =	stream.indirect.gather [hbm4b:s3+s0], $0x10, s31, s0, $0xb8;
	[tilespmem:$0xD480] =	vst v63  }
0x6c: {  	s4 =	simm.s32 $0xE00  }
0x6d: {  	[tilespmem:s19], [sflag:$0x1] =	stream.indirect.gather [hbm4b:s3+s0], $0x10, s4, s0, $0xb8;
	[tilespmem:$0xD480] =	vst v63  }
0x6e: {  	s31 =	simm.s32 $0xE80  }
0x6f: {  	[tilespmem:s20], [sflag:$0x1] =	stream.indirect.gather [hbm4b:s3+s0], $0x10, s31, s0, $0xb8;
	[tilespmem:$0xD480] =	vst v63  }
0x70: {  	s4 =	simm.s32 $0xF00  }
0x71: {  	[tilespmem:s21], [sflag:$0x1] =	stream.indirect.gather [hbm4b:s3+s0], $0x10, s4, s0, $0xb8;
	[tilespmem:$0xD480] =	vst v63  }
0x72: {  	s31 =	simm.s32 $0xF80  }
0x73: {  	[tilespmem:s22], [sflag:$0x1] =	stream.indirect.gather [hbm4b:s3+s0], $0x10, s31, s0, $0xb8;
	[tilespmem:$0xD480] =	vst v63  }
0x74: {  	s4 =	simm.s32 $0x1000  }
0x75: {  	[tilespmem:s23], [sflag:$0x1] =	stream.indirect.gather [hbm4b:s3+s0], $0x10, s4, s0, $0xb8;
	[tilespmem:$0xD480] =	vst v63  }
0x76: {  	s31 =	simm.s32 $0x1080  }
0x77: {  	[tilespmem:s24], [sflag:$0x1] =	stream.indirect.gather [hbm4b:s3+s0], $0x10, s31, s0, $0xb8;
	[tilespmem:$0xD480] =	vst v63  }
0x78: {  	s4 =	simm.s32 $0x1100  }
0x79: {  	[tilespmem:s5], [sflag:$0x1] =	stream.indirect.gather [hbm4b:s3+s0], $0x10, s4, s0, $0xb8;
	[tilespmem:$0xD480] =	vst v63  }
0x7a: {  	s31 =	simm.s32 $0x1180  }
0x7b: {  	[tilespmem:s25], [sflag:$0x1] =	stream.indirect.gather [hbm4b:s3+s0], $0x10, s31, s0, $0xb8;
	[tilespmem:$0xD480] =	vst v63  }
0x7c: {  	s4 =	simm.s32 $0x1200  }
0x7d: {  	[tilespmem:s26], [sflag:$0x1] =	stream.indirect.gather [hbm4b:s3+s0], $0x10, s4, s0, $0xb8;
	[tilespmem:$0xD480] =	vst v63  }
0x7e: {  	s31 =	simm.s32 $0x1280;
	s4 =	simm.s32 $0xB480  }
0x7f: {  	[tilespmem:s4], [sflag:$0x1] =	stream.indirect.gather [hbm4b:s3+s0], $0x10, s31, s0, $0xb8;
	[tilespmem:$0xD480] =	vst v63  }
0x80: {  	s31 =	simm.s32 $0x1300  }
0x81: {  	[tilespmem:s28], [sflag:$0x1] =	stream.indirect.gather [hbm4b:s3+s0], $0x10, s31, s0, $0xb8;
	[tilespmem:$0xD480] =	vst v63  }
0x82: {  	s8 =	simm.s32 $0x1380;
	s31 =	simm.s32 $0xC480  }
0x83: {  	[tilespmem:s31], [sflag:$0x1] =	stream.indirect.gather [hbm4b:s3+s0], $0x10, s8, s0, $0xb8;
	[tilespmem:$0xD480] =	vst v63  }
0x84: {  	s8 =	simm.s32 $0x1400;
	s31 =	simm.s32 $0xCC80  }
0x85: {  	[tilespmem:s31], [sflag:$0x1] =	stream.indirect.gather [hbm4b:s3+s0], $0x10, s8, s0, $0xb8;
	[tilespmem:$0xD480] =	vst v63  }
0x86: {  	_ =	swait.ge [sflag:s29], $0x800  }
0x87: {  	[sflag:s29] =	ssyncset.done $0x0  }
0x88: {  	s8 =	rddreg [dreg:$0x1b];
	[sflag:s29] =	ssyncadd.s32 $0xFFFFF800  }
0x89: {  	[hbm4b:s8+s2] =	stream.linear.scatter [tilespmem:s7], [sflag:$0x2], $0x800, $0x38;
	[tilespmem:$0xD480] =	vst v63  }
0x8a: {  	_ =	swait.ge [sflag:s29], $0x800  }
0x8b: {  	[sflag:s29] =	ssyncset.done $0x0  }
0x8c: {  	s8 =	rddreg [dreg:$0x3];
	[sflag:s29] =	ssyncadd.s32 $0xFFFFF800  }
0x8d: {  	[hbm4b:s8+s2] =	stream.linear.scatter [tilespmem:s9], [sflag:$0x2], $0x800, $0x38;
	[tilespmem:$0xD480] =	vst v63  }
0x8e: {  	_ =	swait.ge [sflag:s29], $0x800  }
0x8f: {  	[sflag:s29] =	ssyncset.done $0x0  }
0x90: {  	s9 =	rddreg [dreg:$0x4];
	[sflag:s29] =	ssyncadd.s32 $0xFFFFF800  }
0x91: {  	[hbm4b:s9+s2] =	stream.linear.scatter [tilespmem:s10], [sflag:$0x2], $0x800, $0x38;
	[tilespmem:$0xD480] =	vst v63  }
0x92: {  	_ =	swait.ge [sflag:s29], $0x800  }
0x93: {  	[sflag:s29] =	ssyncset.done $0x0  }
0x94: {  	s10 =	rddreg [dreg:$0x5];
	[sflag:s29] =	ssyncadd.s32 $0xFFFFF800  }
0x95: {  	[hbm4b:s10+s2] =	stream.linear.scatter [tilespmem:s11], [sflag:$0x2], $0x800, $0x38;
	[tilespmem:$0xD480] =	vst v63  }
0x96: {  	_ =	swait.ge [sflag:s29], $0x800  }
0x97: {  	[sflag:s29] =	ssyncset.done $0x0  }
0x98: {  	s11 =	rddreg [dreg:$0x17];
	[sflag:s29] =	ssyncadd.s32 $0xFFFFF800  }
0x99: {  	[hbm4b:s11+s2] =	stream.linear.scatter [tilespmem:s12], [sflag:$0x2], $0x800, $0x38;
	[tilespmem:$0xD480] =	vst v63  }
0x9a: {  	_ =	swait.ge [sflag:s29], $0x800  }
0x9b: {  	[sflag:s29] =	ssyncset.done $0x0  }
0x9c: {  	s8 =	rddreg [dreg:$0x18];
	[sflag:s29] =	ssyncadd.s32 $0xFFFFF800  }
0x9d: {  	[hbm4b:s8+s2] =	stream.linear.scatter [tilespmem:s13], [sflag:$0x2], $0x800, $0x38;
	[tilespmem:$0xD480] =	vst v63  }
0x9e: {  	_ =	swait.ge [sflag:s29], $0x800  }
0x9f: {  	[sflag:s29] =	ssyncset.done $0x0  }
0xa0: {  	s9 =	rddreg [dreg:$0x19];
	[sflag:s29] =	ssyncadd.s32 $0xFFFFF800  }
0xa1: {  	[hbm4b:s9+s2] =	stream.linear.scatter [tilespmem:s14], [sflag:$0x2], $0x800, $0x38;
	[tilespmem:$0xD480] =	vst v63  }
0xa2: {  	_ =	swait.ge [sflag:s29], $0x800  }
0xa3: {  	[sflag:s29] =	ssyncset.done $0x0  }
0xa4: {  	s10 =	rddreg [dreg:$0x1a];
	[sflag:s29] =	ssyncadd.s32 $0xFFFFF800  }
0xa5: {  	[hbm4b:s10+s2] =	stream.linear.scatter [tilespmem:s15], [sflag:$0x2], $0x800, $0x38;
	[tilespmem:$0xD480] =	vst v63  }
0xa6: {  	_ =	swait.ge [sflag:s29], $0x800  }
0xa7: {  	[sflag:s29] =	ssyncset.done $0x0  }
0xa8: {  	s11 =	rddreg [dreg:$0x6];
	[sflag:s29] =	ssyncadd.s32 $0xFFFFF800  }
0xa9: {  	[hbm4b:s11+s2] =	stream.linear.scatter [tilespmem:s16], [sflag:$0x2], $0x800, $0x38;
	[tilespmem:$0xD480] =	vst v63  }
0xaa: {  	_ =	swait.ge [sflag:s29], $0x800  }
0xab: {  	[sflag:s29] =	ssyncset.done $0x0  }
0xac: {  	s8 =	rddreg [dreg:$0x7];
	[sflag:s29] =	ssyncadd.s32 $0xFFFFF800  }
0xad: {  	[hbm4b:s8+s2] =	stream.linear.scatter [tilespmem:s17], [sflag:$0x2], $0x800, $0x38;
	[tilespmem:$0xD480] =	vst v63  }
0xae: {  	_ =	swait.ge [sflag:s29], $0x800  }
0xaf: {  	[sflag:s29] =	ssyncset.done $0x0  }
0xb0: {  	s9 =	rddreg [dreg:$0x8];
	[sflag:s29] =	ssyncadd.s32 $0xFFFFF800  }
0xb1: {  	[hbm4b:s9+s2] =	stream.linear.scatter [tilespmem:s18], [sflag:$0x2], $0x800, $0x38;
	[tilespmem:$0xD480] =	vst v63  }
0xb2: {  	_ =	swait.ge [sflag:s29], $0x800  }
0xb3: {  	[sflag:s29] =	ssyncset.done $0x0  }
0xb4: {  	s10 =	rddreg [dreg:$0x9];
	[sflag:s29] =	ssyncadd.s32 $0xFFFFF800  }
0xb5: {  	[hbm4b:s10+s2] =	stream.linear.scatter [tilespmem:s19], [sflag:$0x2], $0x800, $0x38;
	[tilespmem:$0xD480] =	vst v63  }
0xb6: {  	_ =	swait.ge [sflag:s29], $0x800  }
0xb7: {  	[sflag:s29] =	ssyncset.done $0x0  }
0xb8: {  	s11 =	rddreg [dreg:$0xa];
	[sflag:s29] =	ssyncadd.s32 $0xFFFFF800  }
0xb9: {  	[hbm4b:s11+s2] =	stream.linear.scatter [tilespmem:s20], [sflag:$0x2], $0x800, $0x38;
	[tilespmem:$0xD480] =	vst v63  }
0xba: {  	_ =	swait.ge [sflag:s29], $0x800  }
0xbb: {  	[sflag:s29] =	ssyncset.done $0x0  }
0xbc: {  	s8 =	rddreg [dreg:$0xb];
	[sflag:s29] =	ssyncadd.s32 $0xFFFFF800  }
0xbd: {  	[hbm4b:s8+s2] =	stream.linear.scatter [tilespmem:s21], [sflag:$0x2], $0x800, $0x38;
	[tilespmem:$0xD480] =	vst v63  }
0xbe: {  	_ =	swait.ge [sflag:s29], $0x800  }
0xbf: {  	[sflag:s29] =	ssyncset.done $0x0  }
0xc0: {  	s9 =	rddreg [dreg:$0xc];
	[sflag:s29] =	ssyncadd.s32 $0xFFFFF800  }
0xc1: {  	[hbm4b:s9+s2] =	stream.linear.scatter [tilespmem:s22], [sflag:$0x2], $0x800, $0x38;
	[tilespmem:$0xD480] =	vst v63  }
0xc2: {  	_ =	swait.ge [sflag:s29], $0x800  }
0xc3: {  	[sflag:s29] =	ssyncset.done $0x0  }
0xc4: {  	s10 =	rddreg [dreg:$0xd];
	[sflag:s29] =	ssyncadd.s32 $0xFFFFF800  }
0xc5: {  	[hbm4b:s10+s2] =	stream.linear.scatter [tilespmem:s23], [sflag:$0x2], $0x800, $0x38;
	[tilespmem:$0xD480] =	vst v63  }
0xc6: {  	_ =	swait.ge [sflag:s29], $0x800  }
0xc7: {  	[sflag:s29] =	ssyncset.done $0x0  }
0xc8: {  	s11 =	rddreg [dreg:$0xe];
	[sflag:s29] =	ssyncadd.s32 $0xFFFFF800  }
0xc9: {  	[hbm4b:s11+s2] =	stream.linear.scatter [tilespmem:s24], [sflag:$0x2], $0x800, $0x38;
	[tilespmem:$0xD480] =	vst v63  }
0xca: {  	_ =	swait.ge [sflag:s29], $0x800  }
0xcb: {  	[sflag:s29] =	ssyncset.done $0x0  }
0xcc: {  	s8 =	rddreg [dreg:$0xf];
	[sflag:s29] =	ssyncadd.s32 $0xFFFFF800  }
0xcd: {  	[hbm4b:s8+s2] =	stream.linear.scatter [tilespmem:s5], [sflag:$0x2], $0x800, $0x38;
	[tilespmem:$0xD480] =	vst v63  }
0xce: {  	_ =	swait.ge [sflag:s29], $0x800  }
0xcf: {  	[sflag:s29] =	ssyncset.done $0x0  }
0xd0: {  	s9 =	rddreg [dreg:$0x10];
	[sflag:s29] =	ssyncadd.s32 $0xFFFFF800  }
0xd1: {  	[hbm4b:s9+s2] =	stream.linear.scatter [tilespmem:s25], [sflag:$0x2], $0x800, $0x38;
	[tilespmem:$0xD480] =	vst v63  }
0xd2: {  	_ =	swait.ge [sflag:s29], $0x800  }
0xd3: {  	[sflag:s29] =	ssyncset.done $0x0  }
0xd4: {  	s10 =	rddreg [dreg:$0x11];
	[sflag:s29] =	ssyncadd.s32 $0xFFFFF800  }
0xd5: {  	[hbm4b:s10+s2] =	stream.linear.scatter [tilespmem:s26], [sflag:$0x2], $0x800, $0x38;
	[tilespmem:$0xD480] =	vst v63  }
0xd6: {  	_ =	swait.ge [sflag:s29], $0x800  }
0xd7: {  	[sflag:s29] =	ssyncset.done $0x0  }
0xd8: {  	s11 =	rddreg [dreg:$0x12];
	[sflag:s29] =	ssyncadd.s32 $0xFFFFF800  }
0xd9: {  	[hbm4b:s11+s2] =	stream.linear.scatter [tilespmem:s4], [sflag:$0x2], $0x800, $0x38;
	[tilespmem:$0xD480] =	vst v63  }
0xda: {  	_ =	swait.ge [sflag:s29], $0x800  }
0xdb: {  	[sflag:s29] =	ssyncset.done $0x0  }
0xdc: {  	s8 =	rddreg [dreg:$0x13];
	[sflag:s29] =	ssyncadd.s32 $0xFFFFF800  }
0xdd: {  	[hbm4b:s8+s2] =	stream.linear.scatter [tilespmem:s28], [sflag:$0x2], $0x800, $0x38;
	[tilespmem:$0xD480] =	vst v63  }
0xde: {  	_ =	swait.ge [sflag:s29], $0x800  }
0xdf: {  	[sflag:s29] =	ssyncset.done $0x0  }
0xe0: {  	s10 =	simm.s32 $0xC480;
	s9 =	rddreg [dreg:$0x14];
	[sflag:s29] =	ssyncadd.s32 $0xFFFFF800  }
0xe1: {  	[hbm4b:s9+s2] =	stream.linear.scatter [tilespmem:s10], [sflag:$0x2], $0x800, $0x38;
	[tilespmem:$0xD480] =	vst v63  }
0xe2: {  	_ =	swait.ge [sflag:s29], $0x800  }
0xe3: {  	[sflag:s29] =	ssyncset.done $0x0  }
0xe4: {  	s31 =	simm.s32 $0xCC80;
	s11 =	rddreg [dreg:$0x15];
	[sflag:s29] =	ssyncadd.s32 $0xFFFFF800  }
0xe5: {  	[hbm4b:s11+s2] =	stream.linear.scatter [tilespmem:s31], [sflag:$0x2], $0x800, $0x38;
	[tilespmem:$0xD480] =	vst v63  }
0xe6: {  	_ =	swait.ge [sflag:s6], $0x800  }
0xe7: {  	[sflag:s6] =	ssyncset.done $0x0  }
0xe8: {  	[sflag:s6] =	ssyncadd.s32 $0xFFFFF800  }
0xe9: {  	_ =	swait.ge [sflag:s6], $0x800  }
0xea: {  	[sflag:s6] =	ssyncset.done $0x0  }
0xeb: {  	[sflag:s6] =	ssyncadd.s32 $0xFFFFF800  }
0xec: {  	_ =	swait.ge [sflag:s6], $0x800  }
0xed: {  	[sflag:s6] =	ssyncset.done $0x0  }
0xee: {  	[sflag:s6] =	ssyncadd.s32 $0xFFFFF800  }
0xef: {  	_ =	swait.ge [sflag:s6], $0x800  }
0xf0: {  	[sflag:s6] =	ssyncset.done $0x0  }
0xf1: {  	[sflag:s6] =	ssyncadd.s32 $0xFFFFF800  }
0xf2: {  	_ =	swait.ge [sflag:s6], $0x800  }
0xf3: {  	[sflag:s6] =	ssyncset.done $0x0  }
0xf4: {  	[sflag:s6] =	ssyncadd.s32 $0xFFFFF800  }
0xf5: {  	_ =	swait.ge [sflag:s6], $0x800  }
0xf6: {  	[sflag:s6] =	ssyncset.done $0x0  }
0xf7: {  	[sflag:s6] =	ssyncadd.s32 $0xFFFFF800  }
0xf8: {  	_ =	swait.ge [sflag:s6], $0x800  }
0xf9: {  	[sflag:s6] =	ssyncset.done $0x0  }
0xfa: {  	[sflag:s6] =	ssyncadd.s32 $0xFFFFF800  }
0xfb: {  	_ =	swait.ge [sflag:s6], $0x800  }
0xfc: {  	[sflag:s6] =	ssyncset.done $0x0  }
0xfd: {  	[sflag:s6] =	ssyncadd.s32 $0xFFFFF800  }
0xfe: {  	_ =	swait.ge [sflag:s6], $0x800  }
0xff: {  	[sflag:s6] =	ssyncset.done $0x0  }
0x100: {  	[sflag:s6] =	ssyncadd.s32 $0xFFFFF800  }
0x101: {  	_ =	swait.ge [sflag:s6], $0x800  }
0x102: {  	[sflag:s6] =	ssyncset.done $0x0  }
0x103: {  	[sflag:s6] =	ssyncadd.s32 $0xFFFFF800  }
0x104: {  	_ =	swait.ge [sflag:s6], $0x800  }
0x105: {  	[sflag:s6] =	ssyncset.done $0x0  }
0x106: {  	[sflag:s6] =	ssyncadd.s32 $0xFFFFF800  }
0x107: {  	_ =	swait.ge [sflag:s6], $0x800  }
0x108: {  	[sflag:s6] =	ssyncset.done $0x0  }
0x109: {  	[sflag:s6] =	ssyncadd.s32 $0xFFFFF800  }
0x10a: {  	_ =	swait.ge [sflag:s6], $0x800  }
0x10b: {  	[sflag:s6] =	ssyncset.done $0x0  }
0x10c: {  	[sflag:s6] =	ssyncadd.s32 $0xFFFFF800  }
0x10d: {  	_ =	swait.ge [sflag:s6], $0x800  }
0x10e: {  	[sflag:s6] =	ssyncset.done $0x0  }
0x10f: {  	[sflag:s6] =	ssyncadd.s32 $0xFFFFF800  }
0x110: {  	_ =	swait.ge [sflag:s6], $0x800  }
0x111: {  	[sflag:s6] =	ssyncset.done $0x0  }
0x112: {  	[sflag:s6] =	ssyncadd.s32 $0xFFFFF800  }
0x113: {  	_ =	swait.ge [sflag:s6], $0x800  }
0x114: {  	[sflag:s6] =	ssyncset.done $0x0  }
0x115: {  	[sflag:s6] =	ssyncadd.s32 $0xFFFFF800  }
0x116: {  	_ =	swait.ge [sflag:s6], $0x800  }
0x117: {  	[sflag:s6] =	ssyncset.done $0x0  }
0x118: {  	[sflag:s6] =	ssyncadd.s32 $0xFFFFF800  }
0x119: {  	_ =	swait.ge [sflag:s6], $0x800  }
0x11a: {  	[sflag:s6] =	ssyncset.done $0x0  }
0x11b: {  	[sflag:s6] =	ssyncadd.s32 $0xFFFFF800  }
0x11c: {  	_ =	swait.ge [sflag:s6], $0x800  }
0x11d: {  	[sflag:s6] =	ssyncset.done $0x0  }
0x11e: {  	[sflag:s6] =	ssyncadd.s32 $0xFFFFF800  }
0x11f: {  	_ =	swait.ge [sflag:s6], $0x800  }
0x120: {  	[sflag:s6] =	ssyncset.done $0x0  }
0x121: {  	[sflag:s6] =	ssyncadd.s32 $0xFFFFF800  }
0x122: {  	_ =	swait.ge [sflag:s6], $0x800  }
0x123: {  	[sflag:s6] =	ssyncset.done $0x0  }
0x124: {  	[sflag:s6] =	ssyncadd.s32 $0xFFFFF800  }
0x125: {  	_ =	swait.ge [sflag:s6], $0x800  }
0x126: {  	[sflag:s6] =	ssyncset.done $0x0  }
0x127: {  	[sflag:s6] =	ssyncadd.s32 $0xFFFFF800  }
0x128: {  	_ =	swait.ge [sflag:s6], $0x800  }
0x129: {  	[sflag:s6] =	ssyncset.done $0x0  }
0x12a: {  	[sflag:s6] =	ssyncadd.s32 $0xFFFFF800  }
0x12b: {  	_ =	swait.ge [sflag:s6], $0x800  }
0x12c: {  	s30 =	sadd.s32 $0x1, s30;
	s31 =	rddreg [dreg:$0x16]  }
0x12d: {  	p0 =	sne.s32 s30, s31  }
.Ltmp2:
0x12e: {  	_ = 	snop;
	(pc) =	sbr.rel @p0 .LBB2_1-.Ltmp2, $3  }
0x12f: {  	_ =	sdelay $0x1  }
0x130: {  	[sflag:s6] =	ssyncset.done $0x0  }
0x131: {  	[sflag:s6] =	ssyncadd.s32 $0xFFFFF800  }
0x132: {  	_ =	sfence.sel $0x180000  }
0x133: {  	[bflag:$0x0] =	sbarrier.arrive $0xFFFF  }
0x134: {  	_ =	strace $0x90000047  }
0x135: {  	s0 =	stileid.u32;
	[bflag:$0x2] =	sbarrier.arrive $0xFFFF  }
0x136: {  	p0 =	sne.s32 s0, $0x0;
	s0 =	rddreg [dreg:$0x1]  }
0x137: {  	s0 =	sadd.s32 @!p0 $0x100000, s0  }
0x138: {  	[sflag:s0] =	ssyncadd.tile.s32 @!p0 $0x1;
	_ =	shalt  }
.Lfunc_end2:
_tile_overlayer_lowered:
.L_overlay_start_2:
0x139: {  	(tag) =	ssettag $0x2  }
0x13a: {  	s0 =	rddreg [dreg:$0x0];
	s2 =	stileid.u32  }
0x13b: {  	s1 =	rddreg [dreg:$0x1];
	p0 =	sne.s32 s2, $0x0  }
0x13c: {  	s3 =	rddreg [dreg:$0x2];
	[bflag:$0x3] =	sbarrier.arrive $0xFFFF;
	s2 =	simm.s32 @!p0 $0x1C03  }
0x13d: {  	[timem:s3], [sflag:s2] =	dma.local @!p0 [hbm:s0], s1  }
0x13e: {  	s0 =	simm.s32 @!p0 $0x3  }
0x13f: {  	_ =	swait.ge @!p0 [sflag:s0], s1  }
0x140: {  	s1 =	ssub.s32 @!p0 $0x0, s1;
	[sflag:s0] =	ssyncset.done @!p0 $0x0  }
0x141: {  	[sflag:s0] =	ssyncadd.s32 @!p0 s1  }
0x142: {  	[bflag:$0x3] =	sbarrier.arrive $0xFFFF  }
0x143: {  	_ =	shalt  }

</sc_bundles>
